<compile_context>
chip_gen: v7x
topology: tpu7x:2x2x1
jax: 0.10.2.dev20260603
libtpu: 0.0.44.dev20260713+nightly
codegen_flags: <defaults>
</compile_context>

<pallas_src>
import functools

import jax
import jax.numpy as jnp
from jax import lax
from jax.experimental import pallas as pl
from jax.experimental.pallas import tpu as pltpu
from jax.experimental.pallas import tpu_sc as plsc

N = 10000
E = 320000
D = 128
H = 16
NC = 2
NS = 16
NW = NC * NS
EPW = E // NW
CH = 80
NCH = EPW // CH
EPS = E // NS
NCH2 = EPS // CH
NB = 5
NG = NCH // NB
NG2 = NCH2 // NB
NP = 10240
PT = NP // NS
SEG = NP // NW
NSEG = N // SEG
REM = N - (NW - 1) * SEG

_MESH = plsc.VectorSubcoreMesh(core_axis_name="c", subcore_axis_name="s")
_PARAMS = pltpu.CompilerParams(use_tc_tiling_on_sc=False)
_PARAMS_NL = pltpu.CompilerParams(use_tc_tiling_on_sc=False,
                                  needs_layout_passes=False)



@functools.partial(
    pl.kernel,
    out_type=jax.ShapeDtypeStruct((NP,), jnp.float32),
    mesh=_MESH,
    scratch_types=[
        pltpu.VMEM((NCH2, CH), jnp.int32),
        pltpu.VMEM((CH,), jnp.float32),
        pltpu.SemaphoreType.DMA,
        pltpu.VMEM_SHARED((NP,), jnp.float32),
    ],
    compiler_params=_PARAMS,
)
def _deg_kernel(ei2_hbm, zeros1_hbm, ones_hbm, deg_hbm,
                didx, ones_v, sem, deg_sh):
    c = lax.axis_index("c")
    s = lax.axis_index("s")
    wid = s * NC + c
    pltpu.sync_copy(zeros1_hbm, deg_sh.at[pl.ds(s * PT, PT)])
    pltpu.sync_copy(ones_hbm, ones_v)
    pltpu.sync_copy(ei2_hbm.at[1, s], didx)
    plsc.subcore_barrier()

    def fire(i, _):
        pltpu.async_copy(ones_v, deg_sh.at[didx.at[i]], sem, add=True)
        return ()

    def drain(i, _):
        pltpu.make_async_copy(ones_v, deg_sh.at[didx.at[i]], sem).wait()
        return ()

    lax.fori_loop(0, NCH2, fire, ())
    lax.fori_loop(0, NCH2, drain, ())
    plsc.subcore_barrier()
    pltpu.sync_copy(deg_sh.at[pl.ds(wid * SEG, SEG)],
                    deg_hbm.at[pl.ds(wid * SEG, SEG)])



@functools.partial(
    pl.kernel,
    out_type=jax.ShapeDtypeStruct((NC, NP, H), jnp.float32),
    mesh=_MESH,
    scratch_types=[
        pltpu.VMEM((NCH, CH), jnp.int32),
        pltpu.VMEM((NCH, CH), jnp.int32),
        pltpu.VMEM((NB, CH, H), jnp.float32),
        pltpu.SemaphoreType.DMA((NB,)),
        pltpu.SemaphoreType.DMA((NB,)),
        pltpu.VMEM_SHARED((NP, H), jnp.float32),
        pltpu.VMEM_SHARED((NP, H), jnp.float32),
    ],
    compiler_params=_PARAMS,
)
def _agg_rows_kernel(ei_hbm, g1_hbm, zeros2_hbm, aggp_hbm,
                     sidx, didx, rows, semg, sems, agg_sh, g1_sh):
    c = lax.axis_index("c")
    s = lax.axis_index("s")
    wid = s * NC + c
    pltpu.sync_copy(zeros2_hbm, agg_sh.at[pl.ds(s * PT, PT)])
    pltpu.sync_copy(ei_hbm.at[0, wid], sidx)
    pltpu.sync_copy(ei_hbm.at[1, wid], didx)
    @pl.when(s < NS - 1)
    def _():
        pltpu.sync_copy(g1_hbm.at[pl.ds(s * PT, PT)],
                        g1_sh.at[pl.ds(s * PT, PT)])

    @pl.when(s == NS - 1)
    def _():
        pltpu.sync_copy(g1_hbm.at[pl.ds((NS - 1) * PT, N - (NS - 1) * PT)],
                        g1_sh.at[pl.ds((NS - 1) * PT, N - (NS - 1) * PT)])
    plsc.subcore_barrier()

    def group(g, _):
        base = g * NB
        for b in range(NB):
            @pl.when(g > 0)
            def _():
                pltpu.make_async_copy(
                    rows.at[b], agg_sh.at[didx.at[base - NB + b]],
                    sems.at[b]).wait()
            pltpu.async_copy(g1_sh.at[sidx.at[base + b]], rows.at[b],
                             semg.at[b])
        for b in range(NB):
            pltpu.make_async_copy(g1_sh.at[sidx.at[base + b]], rows.at[b],
                                  semg.at[b]).wait()
            pltpu.async_copy(rows.at[b], agg_sh.at[didx.at[base + b]],
                             sems.at[b], add=True)
        return ()

    lax.fori_loop(0, NG, group, ())
    for b in range(NB):
        pltpu.make_async_copy(rows.at[b], agg_sh.at[didx.at[NCH - NB + b]],
                              sems.at[b]).wait()
    plsc.subcore_barrier()
    pltpu.sync_copy(agg_sh.at[pl.ds(s * PT, PT)],
                    aggp_hbm.at[c, pl.ds(s * PT, PT)])



@functools.partial(
    pl.kernel,
    out_type=jax.ShapeDtypeStruct((N,), jnp.float32),
    mesh=_MESH,
    scratch_types=[
        pltpu.VMEM((NCH2, CH), jnp.int32),
        pltpu.VMEM((NCH2, CH), jnp.int32),
        pltpu.VMEM((NB, CH), jnp.float32),
        pltpu.SemaphoreType.DMA((NB,)),
        pltpu.SemaphoreType.DMA((NB,)),
        pltpu.VMEM_SHARED((NP,), jnp.float32),
        pltpu.VMEM_SHARED((NP,), jnp.float32),
        pltpu.VMEM((SEG,), jnp.float32),
        pltpu.VMEM((SEG,), jnp.float32),
        pltpu.VMEM((SEG,), jnp.float32),
        pltpu.VMEM((SEG,), jnp.float32),
        pltpu.VMEM((16,), jnp.float32),
    ],
    compiler_params=_PARAMS,
)
def _agg_scalar_kernel(ei2_hbm, g2_hbm, dinv_hbm, b2v_hbm, zeros1_hbm,
                       out_hbm,
                       sidx, didx, vals, semg, sems, agg_sh, g2_sh,
                       aggv, dinvv, g2v, outv, b2l):
    c = lax.axis_index("c")
    s = lax.axis_index("s")
    wid = s * NC + c
    pltpu.sync_copy(zeros1_hbm, agg_sh.at[pl.ds(s * PT, PT)])
    pltpu.sync_copy(ei2_hbm.at[0, s], sidx)
    pltpu.sync_copy(ei2_hbm.at[1, s], didx)

    @pl.when(s < NS - 1)
    def _():
        pltpu.sync_copy(g2_hbm.at[pl.ds(s * PT, PT)],
                        g2_sh.at[pl.ds(s * PT, PT)])

    @pl.when(s == NS - 1)
    def _():
        pltpu.sync_copy(g2_hbm.at[pl.ds((NS - 1) * PT, N - (NS - 1) * PT)],
                        g2_sh.at[pl.ds((NS - 1) * PT, N - (NS - 1) * PT)])
    plsc.subcore_barrier()

    def group(g, _):
        base = g * NB
        for b in range(NB):
            @pl.when(g > 0)
            def _():
                pltpu.make_async_copy(
                    vals.at[b], agg_sh.at[didx.at[base - NB + b]],
                    sems.at[b]).wait()
            pltpu.async_copy(g2_sh.at[sidx.at[base + b]], vals.at[b],
                             semg.at[b])
        for b in range(NB):
            pltpu.make_async_copy(g2_sh.at[sidx.at[base + b]], vals.at[b],
                                  semg.at[b]).wait()
            pltpu.async_copy(vals.at[b], agg_sh.at[didx.at[base + b]],
                             sems.at[b], add=True)
        return ()

    lax.fori_loop(0, NG2, group, ())
    for b in range(NB):
        pltpu.make_async_copy(vals.at[b], agg_sh.at[didx.at[NCH2 - NB + b]],
                              sems.at[b]).wait()
    plsc.subcore_barrier()

    pltpu.sync_copy(agg_sh.at[pl.ds(wid * SEG, SEG)], aggv)
    pltpu.sync_copy(b2v_hbm, b2l)

    def combine(n_chunks):
        def body(k, _):
            off = pl.multiple_of(k * 16, 16)
            a = aggv[pl.ds(off, 16)]
            dv = dinvv[pl.ds(off, 16)]
            g = g2v[pl.ds(off, 16)]
            outv[pl.ds(off, 16)] = (a + g) * dv + b2l[...]
            return ()
        lax.fori_loop(0, n_chunks, body, ())

    @pl.when(wid < NW - 1)
    def _():
        pltpu.sync_copy(dinv_hbm.at[pl.ds(wid * SEG, SEG)], dinvv)
        pltpu.sync_copy(g2_sh.at[pl.ds(wid * SEG, SEG)], g2v)
        combine(SEG // 16)
        pltpu.sync_copy(outv, out_hbm.at[pl.ds(wid * SEG, SEG)])

    @pl.when(wid == NW - 1)
    def _():
        pltpu.sync_copy(dinv_hbm.at[pl.ds((NW - 1) * SEG, REM)],
                        dinvv.at[pl.ds(0, REM)])
        pltpu.sync_copy(g2_sh.at[pl.ds((NW - 1) * SEG, REM)],
                        g2v.at[pl.ds(0, REM)])
        combine(REM // 16)
        pltpu.sync_copy(outv.at[pl.ds(0, REM)],
                        out_hbm.at[pl.ds((NW - 1) * SEG, REM)])



def _tc1a_body(x_ref, w1_ref, h_ref):
    h_ref[...] = jnp.dot(x_ref[...], w1_ref[...],
                         preferred_element_type=jnp.float32)


def _tc1b_body(h_ref, deg_ref, g1_ref, dinv_ref):
    dinv = lax.rsqrt(deg_ref[...][:N] + 1.0)
    g1_ref[...] = h_ref[...] * dinv
    dinv_ref[...] = dinv


def _tc2_body(aggp_ref, g1_ref, dinv_ref, b1_ref, w2_ref, g2_ref):
    dinv = dinv_ref[...]
    agg = aggp_ref[0, :N] + aggp_ref[1, :N] + g1_ref[...]
    r1 = jnp.maximum(agg * dinv + b1_ref[...], 0.0)
    g2_ref[...] = jnp.dot(r1, w2_ref[...],
                          preferred_element_type=jnp.float32) * dinv


def kernel(x, edge_index, W1, b1, W2, b2):
    ei32 = edge_index.astype(jnp.int32)
    ei = ei32.reshape(2, NW, NCH, CH)
    ei2 = ei32.reshape(2, NS, NCH2, CH)
    ei3 = ei32.reshape(2, NS, EPS)

    zeros2 = jnp.zeros((PT, H), jnp.float32)
    zeros1 = jnp.zeros((PT,), jnp.float32)
    ones = jnp.ones((CH,), jnp.float32)

    b2v = jnp.broadcast_to(b2.reshape(1), (16,))

    h = pl.pallas_call(
        _tc1a_body,
        out_shape=jax.ShapeDtypeStruct((N, H), jnp.float32),
    )(x, W1)

    deg = _deg_kernel(ei2, zeros1, ones)

    g1, dinv = pl.pallas_call(
        _tc1b_body,
        out_shape=[
            jax.ShapeDtypeStruct((N, H), jnp.float32),
            jax.ShapeDtypeStruct((N, 1), jnp.float32),
        ],
    )(h, deg.reshape(NP, 1))

    aggp = _agg_rows_kernel(ei, g1, zeros2)

    g2 = pl.pallas_call(
        _tc2_body,
        out_shape=jax.ShapeDtypeStruct((N, 1), jnp.float32),
    )(aggp, g1, dinv, b1.reshape(1, H), W2)

    out = _agg_scalar_kernel(ei2, g2.reshape(N), dinv.reshape(N),
                             b2v, zeros1)
    return out.reshape(N, 1)

# --- scband reference (transcript-rebuilt; emitter-appended) ---
"""Pipeline reference for scband-gcn-6279242187119 (READ-ONLY COPY).

The authoritative reference and input builder live on the scoring server;
editing this copy changes nothing except your own understanding.
"""

import jax, jax.numpy as jnp
import numpy as np

N_NODES = 10000
N_EDGES = 320000
D_FEAT = 128
STATE_DIM = 16
OUT_DIM = 1


def gcn_conv(x, W, b, src, dst, num_nodes):
    # PyG GCNConv with add_self_loops=True, normalize=True (gcn_norm)
    loop = jnp.arange(num_nodes, dtype=src.dtype)
    src_full = jnp.concatenate([src, loop])
    dst_full = jnp.concatenate([dst, loop])
    ew = jnp.ones(src_full.shape[0], dtype=x.dtype)
    deg = jnp.zeros((num_nodes,), dtype=x.dtype).at[dst_full].add(ew)
    deg_inv_sqrt = jnp.where(deg > 0, deg ** -0.5, 0.0)
    norm = deg_inv_sqrt[src_full] * deg_inv_sqrt[dst_full]
    h = x @ W  # linear transform first (in_dim -> out_dim)
    msg = h[src_full] * norm[:, None]
    out = jnp.zeros((num_nodes, W.shape[1]), dtype=x.dtype).at[dst_full].add(msg)
    return out + b


def setup_inputs(seed: int = 0) -> dict:
    key = jax.random.key(seed)
    k1, k2, k3, k4, k5 = jax.random.split(key, 5)
    x = jax.random.normal(k1, (N_NODES, D_FEAT), dtype=jnp.float32)
    edge_index = jax.random.randint(k2, (2, N_EDGES), 0, N_NODES, dtype=jnp.int64)
    # glorot-style init scale
    W1 = jax.random.normal(k3, (D_FEAT, STATE_DIM), dtype=jnp.float32) * (2.0 / (D_FEAT + STATE_DIM)) ** 0.5
    b1 = jnp.zeros((STATE_DIM,), dtype=jnp.float32)
    W2 = jax.random.normal(k4, (STATE_DIM, OUT_DIM), dtype=jnp.float32) * (2.0 / (STATE_DIM + OUT_DIM)) ** 0.5
    b2 = jnp.zeros((OUT_DIM,), dtype=jnp.float32)
    return {"x": x, "edge_index": edge_index, "W1": W1, "b1": b1, "W2": W2, "b2": b2}


def reference(x, edge_index, W1, b1, W2, b2):
    src = edge_index[0]
    dst = edge_index[1]
    num_nodes = x.shape[0]
    h = gcn_conv(x, W1, b1, src, dst, num_nodes)
    h = jax.nn.relu(h)
    # Dropout(0.2) is identity in eval mode
    out = gcn_conv(h, W2, b2, src, dst, num_nodes)
    return out

if __name__ == "__main__":
    import jax
    _d = setup_inputs()
    print(jax.jit(kernel)(*tuple(_d.values())))

</pallas_src>

<mosaic_0001>
#map = affine_map<(d0, d1) -> (0, 0, 0, 0)>
#map1 = affine_map<(d0, d1) -> (0)>
module attributes {stable_mosaic.version = 14 : i64} {
  func.func @_agg_scalar_kernel(%arg0: i32, %arg1: i32, %arg2: memref<2x16x250x80xi32, #tpu.memory_space<hbm>>, %arg3: memref<10000xf32, #tpu.memory_space<hbm>>, %arg4: memref<10000xf32, #tpu.memory_space<hbm>>, %arg5: memref<16xf32, #tpu.memory_space<hbm>>, %arg6: memref<640xf32, #tpu.memory_space<hbm>>, %arg7: memref<10000xf32, #tpu.memory_space<hbm>>, %arg8: memref<250x80xi32, #tpu.memory_space<vmem>>, %arg9: memref<250x80xi32, #tpu.memory_space<vmem>>, %arg10: memref<5x80xf32, #tpu.memory_space<vmem>>, %arg11: memref<5x!tpu.dma_semaphore, #tpu.memory_space<semaphore_mem>>, %arg12: memref<5x!tpu.dma_semaphore, #tpu.memory_space<semaphore_mem>>, %arg13: memref<10240xf32, #tpu.memory_space<vmem_shared>>, %arg14: memref<10240xf32, #tpu.memory_space<vmem_shared>>, %arg15: memref<320xf32, #tpu.memory_space<vmem>>, %arg16: memref<320xf32, #tpu.memory_space<vmem>>, %arg17: memref<320xf32, #tpu.memory_space<vmem>>, %arg18: memref<320xf32, #tpu.memory_space<vmem>>, %arg19: memref<16xf32, #tpu.memory_space<vmem>>) attributes {dimension_semantics = [#tpu.dimension_semantics<core_parallel>, #tpu.dimension_semantics<subcore_parallel>], iteration_bounds = array<i64: 2, 16>, scalar_prefetch = 0 : i64, scratch_operands = 12 : i64, tpu.core_type = #tpu.core_type<sc_vector_subcore>, window_params = [{transform_indices = #map}, {transform_indices = #map1}, {transform_indices = #map1}, {transform_indices = #map1}, {transform_indices = #map1}, {transform_indices = #map1}]} {
    %mul3A = arith.constant 2 : i32
    %mul3A_0 = arith.muli %arg1, %mul3A : i32
    %add3A = arith.addi %mul3A_0, %arg0 : i32
    %mul3A_1 = arith.constant 640 : i32
    %mul3A_2 = arith.muli %arg1, %mul3A_1 : i32
    "tpu.region"() ({
      %run_scoped3A_91 = tpu.sem_alloc : memref<!tpu.dma_semaphore, #tpu.memory_space<semaphore_mem>>
      %dma_start3A = tpu.memref_slice %arg13[%mul3A_2] : memref<10240xf32, #tpu.memory_space<vmem_shared>> -> memref<640xf32, #tpu.memory_space<vmem_shared>>
      tpu.enqueue_dma source(%arg6 : memref<640xf32, #tpu.memory_space<hbm>>) target(%dma_start3A : memref<640xf32, #tpu.memory_space<vmem_shared>>) target_semaphore(%run_scoped3A_91 : memref<!tpu.dma_semaphore, #tpu.memory_space<semaphore_mem>>)
      %dma_wait3A_92 = tpu.memref_slice %arg13[%mul3A_2] : memref<10240xf32, #tpu.memory_space<vmem_shared>> -> memref<640xf32, #tpu.memory_space<vmem_shared>>
      tpu.wait_dma2 semaphore(%run_scoped3A_91 : memref<!tpu.dma_semaphore, #tpu.memory_space<semaphore_mem>>) src(%arg6 : memref<640xf32, #tpu.memory_space<hbm>>) dst(%dma_wait3A_92 : memref<640xf32, #tpu.memory_space<vmem_shared>>)
      tpu.yield
    }) : () -> ()
    %run_scoped3A = arith.constant 0 : i32
    "tpu.region"() ({
      %run_scoped3A_91 = tpu.sem_alloc : memref<!tpu.dma_semaphore, #tpu.memory_space<semaphore_mem>>
      %dma_start3A = arith.constant 0 : i32
      %dma_start3A_92 = arith.constant 0 : i32
      %dma_start3A_93 = tpu.memref_slice %arg2[%run_scoped3A, %arg1, %dma_start3A, %dma_start3A_92] : memref<2x16x250x80xi32, #tpu.memory_space<hbm>> -> memref<1x1x250x80xi32, #tpu.memory_space<hbm>>
      %dma_start3A_94 = tpu.memref_squeeze %dma_start3A_93 : memref<1x1x250x80xi32, #tpu.memory_space<hbm>> -> memref<250x80xi32, #tpu.memory_space<hbm>>
      %dma_start3A_95 = arith.constant 0 : i32
      %dma_start3A_96 = arith.constant 0 : i32
      %dma_start3A_97 = tpu.memref_slice %arg2[%run_scoped3A, %arg1, %dma_start3A_95, %dma_start3A_96] : memref<2x16x250x80xi32, #tpu.memory_space<hbm>> -> memref<1x1x250x80xi32, #tpu.memory_space<hbm>>
      %dma_start3A_98 = tpu.memref_squeeze %dma_start3A_97 : memref<1x1x250x80xi32, #tpu.memory_space<hbm>> -> memref<250x80xi32, #tpu.memory_space<hbm>>
      tpu.enqueue_dma source(%dma_start3A_98 : memref<250x80xi32, #tpu.memory_space<hbm>>) target(%arg8 : memref<250x80xi32, #tpu.memory_space<vmem>>) target_semaphore(%run_scoped3A_91 : memref<!tpu.dma_semaphore, #tpu.memory_space<semaphore_mem>>)
      %dma_wait3A_99 = arith.constant 0 : i32
      %dma_wait3A_100 = arith.constant 0 : i32
      %dma_wait3A_101 = tpu.memref_slice %arg2[%run_scoped3A, %arg1, %dma_wait3A_99, %dma_wait3A_100] : memref<2x16x250x80xi32, #tpu.memory_space<hbm>> -> memref<1x1x250x80xi32, #tpu.memory_space<hbm>>
      %dma_wait3A_102 = tpu.memref_squeeze %dma_wait3A_101 : memref<1x1x250x80xi32, #tpu.memory_space<hbm>> -> memref<250x80xi32, #tpu.memory_space<hbm>>
      %dma_wait3A_103 = arith.constant 0 : i32
      %dma_wait3A_104 = arith.constant 0 : i32
      %dma_wait3A_105 = tpu.memref_slice %arg2[%run_scoped3A, %arg1, %dma_wait3A_103, %dma_wait3A_104] : memref<2x16x250x80xi32, #tpu.memory_space<hbm>> -> memref<1x1x250x80xi32, #tpu.memory_space<hbm>>
      %dma_wait3A_106 = tpu.memref_squeeze %dma_wait3A_105 : memref<1x1x250x80xi32, #tpu.memory_space<hbm>> -> memref<250x80xi32, #tpu.memory_space<hbm>>
      tpu.wait_dma2 semaphore(%run_scoped3A_91 : memref<!tpu.dma_semaphore, #tpu.memory_space<semaphore_mem>>) src(%dma_wait3A_106 : memref<250x80xi32, #tpu.memory_space<hbm>>) dst(%arg8 : memref<250x80xi32, #tpu.memory_space<vmem>>)
      tpu.yield
    }) : () -> ()
    %run_scoped3A_3 = arith.constant 1 : i32
    "tpu.region"() ({
      %run_scoped3A_91 = tpu.sem_alloc : memref<!tpu.dma_semaphore, #tpu.memory_space<semaphore_mem>>
      %dma_start3A = arith.constant 0 : i32
      %dma_start3A_92 = arith.constant 0 : i32
      %dma_start3A_93 = tpu.memref_slice %arg2[%run_scoped3A_3, %arg1, %dma_start3A, %dma_start3A_92] : memref<2x16x250x80xi32, #tpu.memory_space<hbm>> -> memref<1x1x250x80xi32, #tpu.memory_space<hbm>>
      %dma_start3A_94 = tpu.memref_squeeze %dma_start3A_93 : memref<1x1x250x80xi32, #tpu.memory_space<hbm>> -> memref<250x80xi32, #tpu.memory_space<hbm>>
      %dma_start3A_95 = arith.constant 0 : i32
      %dma_start3A_96 = arith.constant 0 : i32
      %dma_start3A_97 = tpu.memref_slice %arg2[%run_scoped3A_3, %arg1, %dma_start3A_95, %dma_start3A_96] : memref<2x16x250x80xi32, #tpu.memory_space<hbm>> -> memref<1x1x250x80xi32, #tpu.memory_space<hbm>>
      %dma_start3A_98 = tpu.memref_squeeze %dma_start3A_97 : memref<1x1x250x80xi32, #tpu.memory_space<hbm>> -> memref<250x80xi32, #tpu.memory_space<hbm>>
      tpu.enqueue_dma source(%dma_start3A_98 : memref<250x80xi32, #tpu.memory_space<hbm>>) target(%arg9 : memref<250x80xi32, #tpu.memory_space<vmem>>) target_semaphore(%run_scoped3A_91 : memref<!tpu.dma_semaphore, #tpu.memory_space<semaphore_mem>>)
      %dma_wait3A_99 = arith.constant 0 : i32
      %dma_wait3A_100 = arith.constant 0 : i32
      %dma_wait3A_101 = tpu.memref_slice %arg2[%run_scoped3A_3, %arg1, %dma_wait3A_99, %dma_wait3A_100] : memref<2x16x250x80xi32, #tpu.memory_space<hbm>> -> memref<1x1x250x80xi32, #tpu.memory_space<hbm>>
      %dma_wait3A_102 = tpu.memref_squeeze %dma_wait3A_101 : memref<1x1x250x80xi32, #tpu.memory_space<hbm>> -> memref<250x80xi32, #tpu.memory_space<hbm>>
      %dma_wait3A_103 = arith.constant 0 : i32
      %dma_wait3A_104 = arith.constant 0 : i32
      %dma_wait3A_105 = tpu.memref_slice %arg2[%run_scoped3A_3, %arg1, %dma_wait3A_103, %dma_wait3A_104] : memref<2x16x250x80xi32, #tpu.memory_space<hbm>> -> memref<1x1x250x80xi32, #tpu.memory_space<hbm>>
      %dma_wait3A_106 = tpu.memref_squeeze %dma_wait3A_105 : memref<1x1x250x80xi32, #tpu.memory_space<hbm>> -> memref<250x80xi32, #tpu.memory_space<hbm>>
      tpu.wait_dma2 semaphore(%run_scoped3A_91 : memref<!tpu.dma_semaphore, #tpu.memory_space<semaphore_mem>>) src(%dma_wait3A_106 : memref<250x80xi32, #tpu.memory_space<hbm>>) dst(%arg9 : memref<250x80xi32, #tpu.memory_space<vmem>>)
      tpu.yield
    }) : () -> ()
    %lt3A = arith.constant 15 : i32
    %lt3A_4 = arith.cmpi slt, %arg1, %lt3A : i32
    %convert_element_type3A = arith.extui %lt3A_4 : i1 to i32
    %cond3A = arith.constant 0 : i32
    %cond3A_5 = arith.cmpi ne, %convert_element_type3A, %cond3A : i32
    scf.if %cond3A_5 {
      %mul3A_91 = arith.constant 640 : i32
      %mul3A_92 = arith.muli %arg1, %mul3A_91 : i32
      %mul3A_93 = arith.constant 640 : i32
      %mul3A_94 = arith.muli %arg1, %mul3A_93 : i32
      "tpu.region"() ({
        %run_scoped3A_95 = tpu.sem_alloc : memref<!tpu.dma_semaphore, #tpu.memory_space<semaphore_mem>>
        %dma_start3A = tpu.memref_slice %arg14[%mul3A_94] : memref<10240xf32, #tpu.memory_space<vmem_shared>> -> memref<640xf32, #tpu.memory_space<vmem_shared>>
        %dma_start3A_96 = tpu.memref_slice %arg3[%mul3A_92] : memref<10000xf32, #tpu.memory_space<hbm>> -> memref<640xf32, #tpu.memory_space<hbm>>
        tpu.enqueue_dma source(%dma_start3A_96 : memref<640xf32, #tpu.memory_space<hbm>>) target(%dma_start3A : memref<640xf32, #tpu.memory_space<vmem_shared>>) target_semaphore(%run_scoped3A_95 : memref<!tpu.dma_semaphore, #tpu.memory_space<semaphore_mem>>)
        %dma_wait3A_97 = tpu.memref_slice %arg14[%mul3A_94] : memref<10240xf32, #tpu.memory_space<vmem_shared>> -> memref<640xf32, #tpu.memory_space<vmem_shared>>
        %dma_wait3A_98 = tpu.memref_slice %arg3[%mul3A_92] : memref<10000xf32, #tpu.memory_space<hbm>> -> memref<640xf32, #tpu.memory_space<hbm>>
        tpu.wait_dma2 semaphore(%run_scoped3A_95 : memref<!tpu.dma_semaphore, #tpu.memory_space<semaphore_mem>>) src(%dma_wait3A_98 : memref<640xf32, #tpu.memory_space<hbm>>) dst(%dma_wait3A_97 : memref<640xf32, #tpu.memory_space<vmem_shared>>)
        tpu.yield
      }) : () -> ()
    } else {
    }
    %eq3A = arith.constant 15 : i32
    %eq3A_6 = arith.cmpi eq, %arg1, %eq3A : i32
    %convert_element_type3A_7 = arith.extui %eq3A_6 : i1 to i32
    %cond3A_8 = arith.constant 0 : i32
    %cond3A_9 = arith.cmpi ne, %convert_element_type3A_7, %cond3A_8 : i32
    scf.if %cond3A_9 {
      "tpu.region"() ({
        %run_scoped3A_91 = tpu.sem_alloc : memref<!tpu.dma_semaphore, #tpu.memory_space<semaphore_mem>>
        %dma_start3A = arith.constant 9600 : i32
        %dma_start3A_92 = tpu.memref_slice %arg14[%dma_start3A] : memref<10240xf32, #tpu.memory_space<vmem_shared>> -> memref<400xf32, #tpu.memory_space<vmem_shared>>
        %dma_start3A_93 = arith.constant 9600 : i32
        %dma_start3A_94 = tpu.memref_slice %arg3[%dma_start3A_93] : memref<10000xf32, #tpu.memory_space<hbm>> -> memref<400xf32, #tpu.memory_space<hbm>>
        tpu.enqueue_dma source(%dma_start3A_94 : memref<400xf32, #tpu.memory_space<hbm>>) target(%dma_start3A_92 : memref<400xf32, #tpu.memory_space<vmem_shared>>) target_semaphore(%run_scoped3A_91 : memref<!tpu.dma_semaphore, #tpu.memory_space<semaphore_mem>>)
        %dma_wait3A_95 = arith.constant 9600 : i32
        %dma_wait3A_96 = tpu.memref_slice %arg14[%dma_wait3A_95] : memref<10240xf32, #tpu.memory_space<vmem_shared>> -> memref<400xf32, #tpu.memory_space<vmem_shared>>
        %dma_wait3A_97 = arith.constant 9600 : i32
        %dma_wait3A_98 = tpu.memref_slice %arg3[%dma_wait3A_97] : memref<10000xf32, #tpu.memory_space<hbm>> -> memref<400xf32, #tpu.memory_space<hbm>>
        tpu.wait_dma2 semaphore(%run_scoped3A_91 : memref<!tpu.dma_semaphore, #tpu.memory_space<semaphore_mem>>) src(%dma_wait3A_98 : memref<400xf32, #tpu.memory_space<hbm>>) dst(%dma_wait3A_96 : memref<400xf32, #tpu.memory_space<vmem_shared>>)
        tpu.yield
      }) : () -> ()
    } else {
    }
    %barrier3A = arith.constant 0 : index
    tpu.barrier barrier_id(%barrier3A)
    %scan3A = arith.constant 0 : i32
    %scan3A_10 = arith.constant 50 : i32
    %scan3A_11 = arith.addi %scan3A, %scan3A_10 : i32
    %scan3A_12 = arith.constant 1 : i32
    scf.for %scan3A_91 = %scan3A to %scan3A_11 step %scan3A_12  : i32 {
      %mul3A_92 = arith.constant 5 : i32
      %mul3A_93 = arith.muli %scan3A_91, %mul3A_92 : i32
      %gt3A = arith.constant 0 : i32
      %gt3A_94 = arith.cmpi sgt, %scan3A_91, %gt3A : i32
      %convert_element_type3A_95 = arith.extui %gt3A_94 : i1 to i32
      %cond3A_96 = arith.constant 0 : i32
      %cond3A_97 = arith.cmpi ne, %convert_element_type3A_95, %cond3A_96 : i32
      scf.if %cond3A_97 {
        %sub3A = arith.constant 5 : i32
        %sub3A_327 = arith.subi %mul3A_93, %sub3A : i32
        %add3A_328 = arith.constant 0 : i32
        %add3A_329 = arith.addi %sub3A_327, %add3A_328 : i32
        %dma_wait3A_330 = arith.constant 0 : i32
        %dma_wait3A_331 = arith.constant 0 : i32
        %dma_wait3A_332 = arith.constant 0 : i32
        %dma_wait3A_333 = tpu.memref_slice %arg10[%dma_wait3A_330, %dma_wait3A_332] : memref<5x80xf32, #tpu.memory_space<vmem>> -> memref<1x80xf32, #tpu.memory_space<vmem>>
        %dma_wait3A_334 = tpu.memref_squeeze %dma_wait3A_333 : memref<1x80xf32, #tpu.memory_space<vmem>> -> memref<80xf32, #tpu.memory_space<vmem>>
        %dma_wait3A_335 = arith.constant 0 : i32
        %dma_wait3A_336 = tpu.memref_slice %arg9[%add3A_329, %dma_wait3A_335] : memref<250x80xi32, #tpu.memory_space<vmem>> -> memref<1x80xi32, #tpu.memory_space<vmem>>
        %dma_wait3A_337 = tpu.memref_squeeze %dma_wait3A_336 : memref<1x80xi32, #tpu.memory_space<vmem>> -> memref<80xi32, #tpu.memory_space<vmem>>
        %dma_wait3A_338 = arith.constant 0 : i32
        %dma_wait3A_339 = tpu.memref_slice %arg13[%dma_wait3A_338] : memref<10240xf32, #tpu.memory_space<vmem_shared>> -> memref<10240xf32, #tpu.memory_space<vmem_shared>>
        %dma_wait3A_340 = tpu.memref_slice %arg12[%dma_wait3A_331] : memref<5x!tpu.dma_semaphore, #tpu.memory_space<semaphore_mem>> -> memref<1x!tpu.dma_semaphore, #tpu.memory_space<semaphore_mem>>
        %dma_wait3A_341 = tpu.memref_squeeze %dma_wait3A_340 : memref<1x!tpu.dma_semaphore, #tpu.memory_space<semaphore_mem>> -> memref<!tpu.dma_semaphore, #tpu.memory_space<semaphore_mem>>
        tpu.wait_indirect_dma semaphore(%dma_wait3A_341 : memref<!tpu.dma_semaphore, #tpu.memory_space<semaphore_mem>>) src(%dma_wait3A_334 : memref<80xf32, #tpu.memory_space<vmem>>) dst(%dma_wait3A_339 : memref<10240xf32, #tpu.memory_space<vmem_shared>>)
      } else {
      }
      %add3A_98 = arith.constant 0 : i32
      %add3A_99 = arith.addi %mul3A_93, %add3A_98 : i32
      %dma_start3A = arith.constant 0 : i32
      %dma_start3A_100 = arith.constant 0 : i32
      %dma_start3A_101 = arith.constant 0 : i32
      %dma_start3A_102 = tpu.memref_slice %arg10[%dma_start3A, %dma_start3A_101] : memref<5x80xf32, #tpu.memory_space<vmem>> -> memref<1x80xf32, #tpu.memory_space<vmem>>
      %dma_start3A_103 = tpu.memref_squeeze %dma_start3A_102 : memref<1x80xf32, #tpu.memory_space<vmem>> -> memref<80xf32, #tpu.memory_space<vmem>>
      %dma_start3A_104 = arith.constant 0 : i32
      %dma_start3A_105 = tpu.memref_slice %arg8[%add3A_99, %dma_start3A_104] : memref<250x80xi32, #tpu.memory_space<vmem>> -> memref<1x80xi32, #tpu.memory_space<vmem>>
      %dma_start3A_106 = tpu.memref_squeeze %dma_start3A_105 : memref<1x80xi32, #tpu.memory_space<vmem>> -> memref<80xi32, #tpu.memory_space<vmem>>
      %dma_start3A_107 = arith.constant 0 : i32
      %dma_start3A_108 = tpu.memref_slice %arg14[%dma_start3A_107] : memref<10240xf32, #tpu.memory_space<vmem_shared>> -> memref<10240xf32, #tpu.memory_space<vmem_shared>>
      %dma_start3A_109 = tpu.memref_slice %arg11[%dma_start3A_100] : memref<5x!tpu.dma_semaphore, #tpu.memory_space<semaphore_mem>> -> memref<1x!tpu.dma_semaphore, #tpu.memory_space<semaphore_mem>>
      %dma_start3A_110 = tpu.memref_squeeze %dma_start3A_109 : memref<1x!tpu.dma_semaphore, #tpu.memory_space<semaphore_mem>> -> memref<!tpu.dma_semaphore, #tpu.memory_space<semaphore_mem>>
      tpu.enqueue_indirect_dma source(%dma_start3A_108 : memref<10240xf32, #tpu.memory_space<vmem_shared>>) target(%dma_start3A_103 : memref<80xf32, #tpu.memory_space<vmem>>) offsets(%dma_start3A_106 : memref<80xi32, #tpu.memory_space<vmem>>) semaphore(%dma_start3A_110 : memref<!tpu.dma_semaphore, #tpu.memory_space<semaphore_mem>>)
      %gt3A_111 = arith.constant 0 : i32
      %gt3A_112 = arith.cmpi sgt, %scan3A_91, %gt3A_111 : i32
      %convert_element_type3A_113 = arith.extui %gt3A_112 : i1 to i32
      %cond3A_114 = arith.constant 0 : i32
      %cond3A_115 = arith.cmpi ne, %convert_element_type3A_113, %cond3A_114 : i32
      scf.if %cond3A_115 {
        %sub3A = arith.constant 5 : i32
        %sub3A_327 = arith.subi %mul3A_93, %sub3A : i32
        %add3A_328 = arith.constant 1 : i32
        %add3A_329 = arith.addi %sub3A_327, %add3A_328 : i32
        %dma_wait3A_330 = arith.constant 1 : i32
        %dma_wait3A_331 = arith.constant 1 : i32
        %dma_wait3A_332 = arith.constant 0 : i32
        %dma_wait3A_333 = tpu.memref_slice %arg10[%dma_wait3A_330, %dma_wait3A_332] : memref<5x80xf32, #tpu.memory_space<vmem>> -> memref<1x80xf32, #tpu.memory_space<vmem>>
        %dma_wait3A_334 = tpu.memref_squeeze %dma_wait3A_333 : memref<1x80xf32, #tpu.memory_space<vmem>> -> memref<80xf32, #tpu.memory_space<vmem>>
        %dma_wait3A_335 = arith.constant 0 : i32
        %dma_wait3A_336 = tpu.memref_slice %arg9[%add3A_329, %dma_wait3A_335] : memref<250x80xi32, #tpu.memory_space<vmem>> -> memref<1x80xi32, #tpu.memory_space<vmem>>
        %dma_wait3A_337 = tpu.memref_squeeze %dma_wait3A_336 : memref<1x80xi32, #tpu.memory_space<vmem>> -> memref<80xi32, #tpu.memory_space<vmem>>
        %dma_wait3A_338 = arith.constant 0 : i32
        %dma_wait3A_339 = tpu.memref_slice %arg13[%dma_wait3A_338] : memref<10240xf32, #tpu.memory_space<vmem_shared>> -> memref<10240xf32, #tpu.memory_space<vmem_shared>>
        %dma_wait3A_340 = tpu.memref_slice %arg12[%dma_wait3A_331] : memref<5x!tpu.dma_semaphore, #tpu.memory_space<semaphore_mem>> -> memref<1x!tpu.dma_semaphore, #tpu.memory_space<semaphore_mem>>
        %dma_wait3A_341 = tpu.memref_squeeze %dma_wait3A_340 : memref<1x!tpu.dma_semaphore, #tpu.memory_space<semaphore_mem>> -> memref<!tpu.dma_semaphore, #tpu.memory_space<semaphore_mem>>
        tpu.wait_indirect_dma semaphore(%dma_wait3A_341 : memref<!tpu.dma_semaphore, #tpu.memory_space<semaphore_mem>>) src(%dma_wait3A_334 : memref<80xf32, #tpu.memory_space<vmem>>) dst(%dma_wait3A_339 : memref<10240xf32, #tpu.memory_space<vmem_shared>>)
      } else {
      }
      %add3A_116 = arith.constant 1 : i32
      %add3A_117 = arith.addi %mul3A_93, %add3A_116 : i32
      %dma_start3A_118 = arith.constant 1 : i32
      %dma_start3A_119 = arith.constant 1 : i32
      %dma_start3A_120 = arith.constant 0 : i32
      %dma_start3A_121 = tpu.memref_slice %arg10[%dma_start3A_118, %dma_start3A_120] : memref<5x80xf32, #tpu.memory_space<vmem>> -> memref<1x80xf32, #tpu.memory_space<vmem>>
      %dma_start3A_122 = tpu.memref_squeeze %dma_start3A_121 : memref<1x80xf32, #tpu.memory_space<vmem>> -> memref<80xf32, #tpu.memory_space<vmem>>
      %dma_start3A_123 = arith.constant 0 : i32
      %dma_start3A_124 = tpu.memref_slice %arg8[%add3A_117, %dma_start3A_123] : memref<250x80xi32, #tpu.memory_space<vmem>> -> memref<1x80xi32, #tpu.memory_space<vmem>>
      %dma_start3A_125 = tpu.memref_squeeze %dma_start3A_124 : memref<1x80xi32, #tpu.memory_space<vmem>> -> memref<80xi32, #tpu.memory_space<vmem>>
      %dma_start3A_126 = arith.constant 0 : i32
      %dma_start3A_127 = tpu.memref_slice %arg14[%dma_start3A_126] : memref<10240xf32, #tpu.memory_space<vmem_shared>> -> memref<10240xf32, #tpu.memory_space<vmem_shared>>
      %dma_start3A_128 = tpu.memref_slice %arg11[%dma_start3A_119] : memref<5x!tpu.dma_semaphore, #tpu.memory_space<semaphore_mem>> -> memref<1x!tpu.dma_semaphore, #tpu.memory_space<semaphore_mem>>
      %dma_start3A_129 = tpu.memref_squeeze %dma_start3A_128 : memref<1x!tpu.dma_semaphore, #tpu.memory_space<semaphore_mem>> -> memref<!tpu.dma_semaphore, #tpu.memory_space<semaphore_mem>>
      tpu.enqueue_indirect_dma source(%dma_start3A_127 : memref<10240xf32, #tpu.memory_space<vmem_shared>>) target(%dma_start3A_122 : memref<80xf32, #tpu.memory_space<vmem>>) offsets(%dma_start3A_125 : memref<80xi32, #tpu.memory_space<vmem>>) semaphore(%dma_start3A_129 : memref<!tpu.dma_semaphore, #tpu.memory_space<semaphore_mem>>)
      %gt3A_130 = arith.constant 0 : i32
      %gt3A_131 = arith.cmpi sgt, %scan3A_91, %gt3A_130 : i32
      %convert_element_type3A_132 = arith.extui %gt3A_131 : i1 to i32
      %cond3A_133 = arith.constant 0 : i32
      %cond3A_134 = arith.cmpi ne, %convert_element_type3A_132, %cond3A_133 : i32
      scf.if %cond3A_134 {
        %sub3A = arith.constant 5 : i32
        %sub3A_327 = arith.subi %mul3A_93, %sub3A : i32
        %add3A_328 = arith.constant 2 : i32
        %add3A_329 = arith.addi %sub3A_327, %add3A_328 : i32
        %dma_wait3A_330 = arith.constant 2 : i32
        %dma_wait3A_331 = arith.constant 2 : i32
        %dma_wait3A_332 = arith.constant 0 : i32
        %dma_wait3A_333 = tpu.memref_slice %arg10[%dma_wait3A_330, %dma_wait3A_332] : memref<5x80xf32, #tpu.memory_space<vmem>> -> memref<1x80xf32, #tpu.memory_space<vmem>>
        %dma_wait3A_334 = tpu.memref_squeeze %dma_wait3A_333 : memref<1x80xf32, #tpu.memory_space<vmem>> -> memref<80xf32, #tpu.memory_space<vmem>>
        %dma_wait3A_335 = arith.constant 0 : i32
        %dma_wait3A_336 = tpu.memref_slice %arg9[%add3A_329, %dma_wait3A_335] : memref<250x80xi32, #tpu.memory_space<vmem>> -> memref<1x80xi32, #tpu.memory_space<vmem>>
        %dma_wait3A_337 = tpu.memref_squeeze %dma_wait3A_336 : memref<1x80xi32, #tpu.memory_space<vmem>> -> memref<80xi32, #tpu.memory_space<vmem>>
        %dma_wait3A_338 = arith.constant 0 : i32
        %dma_wait3A_339 = tpu.memref_slice %arg13[%dma_wait3A_338] : memref<10240xf32, #tpu.memory_space<vmem_shared>> -> memref<10240xf32, #tpu.memory_space<vmem_shared>>
        %dma_wait3A_340 = tpu.memref_slice %arg12[%dma_wait3A_331] : memref<5x!tpu.dma_semaphore, #tpu.memory_space<semaphore_mem>> -> memref<1x!tpu.dma_semaphore, #tpu.memory_space<semaphore_mem>>
        %dma_wait3A_341 = tpu.memref_squeeze %dma_wait3A_340 : memref<1x!tpu.dma_semaphore, #tpu.memory_space<semaphore_mem>> -> memref<!tpu.dma_semaphore, #tpu.memory_space<semaphore_mem>>
        tpu.wait_indirect_dma semaphore(%dma_wait3A_341 : memref<!tpu.dma_semaphore, #tpu.memory_space<semaphore_mem>>) src(%dma_wait3A_334 : memref<80xf32, #tpu.memory_space<vmem>>) dst(%dma_wait3A_339 : memref<10240xf32, #tpu.memory_space<vmem_shared>>)
      } else {
      }
      %add3A_135 = arith.constant 2 : i32
      %add3A_136 = arith.addi %mul3A_93, %add3A_135 : i32
      %dma_start3A_137 = arith.constant 2 : i32
      %dma_start3A_138 = arith.constant 2 : i32
      %dma_start3A_139 = arith.constant 0 : i32
      %dma_start3A_140 = tpu.memref_slice %arg10[%dma_start3A_137, %dma_start3A_139] : memref<5x80xf32, #tpu.memory_space<vmem>> -> memref<1x80xf32, #tpu.memory_space<vmem>>
      %dma_start3A_141 = tpu.memref_squeeze %dma_start3A_140 : memref<1x80xf32, #tpu.memory_space<vmem>> -> memref<80xf32, #tpu.memory_space<vmem>>
      %dma_start3A_142 = arith.constant 0 : i32
      %dma_start3A_143 = tpu.memref_slice %arg8[%add3A_136, %dma_start3A_142] : memref<250x80xi32, #tpu.memory_space<vmem>> -> memref<1x80xi32, #tpu.memory_space<vmem>>
      %dma_start3A_144 = tpu.memref_squeeze %dma_start3A_143 : memref<1x80xi32, #tpu.memory_space<vmem>> -> memref<80xi32, #tpu.memory_space<vmem>>
      %dma_start3A_145 = arith.constant 0 : i32
      %dma_start3A_146 = tpu.memref_slice %arg14[%dma_start3A_145] : memref<10240xf32, #tpu.memory_space<vmem_shared>> -> memref<10240xf32, #tpu.memory_space<vmem_shared>>
      %dma_start3A_147 = tpu.memref_slice %arg11[%dma_start3A_138] : memref<5x!tpu.dma_semaphore, #tpu.memory_space<semaphore_mem>> -> memref<1x!tpu.dma_semaphore, #tpu.memory_space<semaphore_mem>>
      %dma_start3A_148 = tpu.memref_squeeze %dma_start3A_147 : memref<1x!tpu.dma_semaphore, #tpu.memory_space<semaphore_mem>> -> memref<!tpu.dma_semaphore, #tpu.memory_space<semaphore_mem>>
      tpu.enqueue_indirect_dma source(%dma_start3A_146 : memref<10240xf32, #tpu.memory_space<vmem_shared>>) target(%dma_start3A_141 : memref<80xf32, #tpu.memory_space<vmem>>) offsets(%dma_start3A_144 : memref<80xi32, #tpu.memory_space<vmem>>) semaphore(%dma_start3A_148 : memref<!tpu.dma_semaphore, #tpu.memory_space<semaphore_mem>>)
      %gt3A_149 = arith.constant 0 : i32
      %gt3A_150 = arith.cmpi sgt, %scan3A_91, %gt3A_149 : i32
      %convert_element_type3A_151 = arith.extui %gt3A_150 : i1 to i32
      %cond3A_152 = arith.constant 0 : i32
      %cond3A_153 = arith.cmpi ne, %convert_element_type3A_151, %cond3A_152 : i32
      scf.if %cond3A_153 {
        %sub3A = arith.constant 5 : i32
        %sub3A_327 = arith.subi %mul3A_93, %sub3A : i32
        %add3A_328 = arith.constant 3 : i32
        %add3A_329 = arith.addi %sub3A_327, %add3A_328 : i32
        %dma_wait3A_330 = arith.constant 3 : i32
        %dma_wait3A_331 = arith.constant 3 : i32
        %dma_wait3A_332 = arith.constant 0 : i32
        %dma_wait3A_333 = tpu.memref_slice %arg10[%dma_wait3A_330, %dma_wait3A_332] : memref<5x80xf32, #tpu.memory_space<vmem>> -> memref<1x80xf32, #tpu.memory_space<vmem>>
        %dma_wait3A_334 = tpu.memref_squeeze %dma_wait3A_333 : memref<1x80xf32, #tpu.memory_space<vmem>> -> memref<80xf32, #tpu.memory_space<vmem>>
        %dma_wait3A_335 = arith.constant 0 : i32
        %dma_wait3A_336 = tpu.memref_slice %arg9[%add3A_329, %dma_wait3A_335] : memref<250x80xi32, #tpu.memory_space<vmem>> -> memref<1x80xi32, #tpu.memory_space<vmem>>
        %dma_wait3A_337 = tpu.memref_squeeze %dma_wait3A_336 : memref<1x80xi32, #tpu.memory_space<vmem>> -> memref<80xi32, #tpu.memory_space<vmem>>
        %dma_wait3A_338 = arith.constant 0 : i32
        %dma_wait3A_339 = tpu.memref_slice %arg13[%dma_wait3A_338] : memref<10240xf32, #tpu.memory_space<vmem_shared>> -> memref<10240xf32, #tpu.memory_space<vmem_shared>>
        %dma_wait3A_340 = tpu.memref_slice %arg12[%dma_wait3A_331] : memref<5x!tpu.dma_semaphore, #tpu.memory_space<semaphore_mem>> -> memref<1x!tpu.dma_semaphore, #tpu.memory_space<semaphore_mem>>
        %dma_wait3A_341 = tpu.memref_squeeze %dma_wait3A_340 : memref<1x!tpu.dma_semaphore, #tpu.memory_space<semaphore_mem>> -> memref<!tpu.dma_semaphore, #tpu.memory_space<semaphore_mem>>
        tpu.wait_indirect_dma semaphore(%dma_wait3A_341 : memref<!tpu.dma_semaphore, #tpu.memory_space<semaphore_mem>>) src(%dma_wait3A_334 : memref<80xf32, #tpu.memory_space<vmem>>) dst(%dma_wait3A_339 : memref<10240xf32, #tpu.memory_space<vmem_shared>>)
      } else {
      }
      %add3A_154 = arith.constant 3 : i32
      %add3A_155 = arith.addi %mul3A_93, %add3A_154 : i32
      %dma_start3A_156 = arith.constant 3 : i32
      %dma_start3A_157 = arith.constant 3 : i32
      %dma_start3A_158 = arith.constant 0 : i32
      %dma_start3A_159 = tpu.memref_slice %arg10[%dma_start3A_156, %dma_start3A_158] : memref<5x80xf32, #tpu.memory_space<vmem>> -> memref<1x80xf32, #tpu.memory_space<vmem>>
      %dma_start3A_160 = tpu.memref_squeeze %dma_start3A_159 : memref<1x80xf32, #tpu.memory_space<vmem>> -> memref<80xf32, #tpu.memory_space<vmem>>
      %dma_start3A_161 = arith.constant 0 : i32
      %dma_start3A_162 = tpu.memref_slice %arg8[%add3A_155, %dma_start3A_161] : memref<250x80xi32, #tpu.memory_space<vmem>> -> memref<1x80xi32, #tpu.memory_space<vmem>>
      %dma_start3A_163 = tpu.memref_squeeze %dma_start3A_162 : memref<1x80xi32, #tpu.memory_space<vmem>> -> memref<80xi32, #tpu.memory_space<vmem>>
      %dma_start3A_164 = arith.constant 0 : i32
      %dma_start3A_165 = tpu.memref_slice %arg14[%dma_start3A_164] : memref<10240xf32, #tpu.memory_space<vmem_shared>> -> memref<10240xf32, #tpu.memory_space<vmem_shared>>
      %dma_start3A_166 = tpu.memref_slice %arg11[%dma_start3A_157] : memref<5x!tpu.dma_semaphore, #tpu.memory_space<semaphore_mem>> -> memref<1x!tpu.dma_semaphore, #tpu.memory_space<semaphore_mem>>
      %dma_start3A_167 = tpu.memref_squeeze %dma_start3A_166 : memref<1x!tpu.dma_semaphore, #tpu.memory_space<semaphore_mem>> -> memref<!tpu.dma_semaphore, #tpu.memory_space<semaphore_mem>>
      tpu.enqueue_indirect_dma source(%dma_start3A_165 : memref<10240xf32, #tpu.memory_space<vmem_shared>>) target(%dma_start3A_160 : memref<80xf32, #tpu.memory_space<vmem>>) offsets(%dma_start3A_163 : memref<80xi32, #tpu.memory_space<vmem>>) semaphore(%dma_start3A_167 : memref<!tpu.dma_semaphore, #tpu.memory_space<semaphore_mem>>)
      %gt3A_168 = arith.constant 0 : i32
      %gt3A_169 = arith.cmpi sgt, %scan3A_91, %gt3A_168 : i32
      %convert_element_type3A_170 = arith.extui %gt3A_169 : i1 to i32
      %cond3A_171 = arith.constant 0 : i32
      %cond3A_172 = arith.cmpi ne, %convert_element_type3A_170, %cond3A_171 : i32
      scf.if %cond3A_172 {
        %sub3A = arith.constant 5 : i32
        %sub3A_327 = arith.subi %mul3A_93, %sub3A : i32
        %add3A_328 = arith.constant 4 : i32
        %add3A_329 = arith.addi %sub3A_327, %add3A_328 : i32
        %dma_wait3A_330 = arith.constant 4 : i32
        %dma_wait3A_331 = arith.constant 4 : i32
        %dma_wait3A_332 = arith.constant 0 : i32
        %dma_wait3A_333 = tpu.memref_slice %arg10[%dma_wait3A_330, %dma_wait3A_332] : memref<5x80xf32, #tpu.memory_space<vmem>> -> memref<1x80xf32, #tpu.memory_space<vmem>>
        %dma_wait3A_334 = tpu.memref_squeeze %dma_wait3A_333 : memref<1x80xf32, #tpu.memory_space<vmem>> -> memref<80xf32, #tpu.memory_space<vmem>>
        %dma_wait3A_335 = arith.constant 0 : i32
        %dma_wait3A_336 = tpu.memref_slice %arg9[%add3A_329, %dma_wait3A_335] : memref<250x80xi32, #tpu.memory_space<vmem>> -> memref<1x80xi32, #tpu.memory_space<vmem>>
        %dma_wait3A_337 = tpu.memref_squeeze %dma_wait3A_336 : memref<1x80xi32, #tpu.memory_space<vmem>> -> memref<80xi32, #tpu.memory_space<vmem>>
        %dma_wait3A_338 = arith.constant 0 : i32
        %dma_wait3A_339 = tpu.memref_slice %arg13[%dma_wait3A_338] : memref<10240xf32, #tpu.memory_space<vmem_shared>> -> memref<10240xf32, #tpu.memory_space<vmem_shared>>
        %dma_wait3A_340 = tpu.memref_slice %arg12[%dma_wait3A_331] : memref<5x!tpu.dma_semaphore, #tpu.memory_space<semaphore_mem>> -> memref<1x!tpu.dma_semaphore, #tpu.memory_space<semaphore_mem>>
        %dma_wait3A_341 = tpu.memref_squeeze %dma_wait3A_340 : memref<1x!tpu.dma_semaphore, #tpu.memory_space<semaphore_mem>> -> memref<!tpu.dma_semaphore, #tpu.memory_space<semaphore_mem>>
        tpu.wait_indirect_dma semaphore(%dma_wait3A_341 : memref<!tpu.dma_semaphore, #tpu.memory_space<semaphore_mem>>) src(%dma_wait3A_334 : memref<80xf32, #tpu.memory_space<vmem>>) dst(%dma_wait3A_339 : memref<10240xf32, #tpu.memory_space<vmem_shared>>)
      } else {
      }
      %add3A_173 = arith.constant 4 : i32
      %add3A_174 = arith.addi %mul3A_93, %add3A_173 : i32
      %dma_start3A_175 = arith.constant 4 : i32
      %dma_start3A_176 = arith.constant 4 : i32
      %dma_start3A_177 = arith.constant 0 : i32
      %dma_start3A_178 = tpu.memref_slice %arg10[%dma_start3A_175, %dma_start3A_177] : memref<5x80xf32, #tpu.memory_space<vmem>> -> memref<1x80xf32, #tpu.memory_space<vmem>>
      %dma_start3A_179 = tpu.memref_squeeze %dma_start3A_178 : memref<1x80xf32, #tpu.memory_space<vmem>> -> memref<80xf32, #tpu.memory_space<vmem>>
      %dma_start3A_180 = arith.constant 0 : i32
      %dma_start3A_181 = tpu.memref_slice %arg8[%add3A_174, %dma_start3A_180] : memref<250x80xi32, #tpu.memory_space<vmem>> -> memref<1x80xi32, #tpu.memory_space<vmem>>
      %dma_start3A_182 = tpu.memref_squeeze %dma_start3A_181 : memref<1x80xi32, #tpu.memory_space<vmem>> -> memref<80xi32, #tpu.memory_space<vmem>>
      %dma_start3A_183 = arith.constant 0 : i32
      %dma_start3A_184 = tpu.memref_slice %arg14[%dma_start3A_183] : memref<10240xf32, #tpu.memory_space<vmem_shared>> -> memref<10240xf32, #tpu.memory_space<vmem_shared>>
      %dma_start3A_185 = tpu.memref_slice %arg11[%dma_start3A_176] : memref<5x!tpu.dma_semaphore, #tpu.memory_space<semaphore_mem>> -> memref<1x!tpu.dma_semaphore, #tpu.memory_space<semaphore_mem>>
      %dma_start3A_186 = tpu.memref_squeeze %dma_start3A_185 : memref<1x!tpu.dma_semaphore, #tpu.memory_space<semaphore_mem>> -> memref<!tpu.dma_semaphore, #tpu.memory_space<semaphore_mem>>
      tpu.enqueue_indirect_dma source(%dma_start3A_184 : memref<10240xf32, #tpu.memory_space<vmem_shared>>) target(%dma_start3A_179 : memref<80xf32, #tpu.memory_space<vmem>>) offsets(%dma_start3A_182 : memref<80xi32, #tpu.memory_space<vmem>>) semaphore(%dma_start3A_186 : memref<!tpu.dma_semaphore, #tpu.memory_space<semaphore_mem>>)
      %add3A_187 = arith.constant 0 : i32
      %add3A_188 = arith.addi %mul3A_93, %add3A_187 : i32
      %dma_wait3A_189 = arith.constant 0 : i32
      %dma_wait3A_190 = arith.constant 0 : i32
      %dma_wait3A_191 = arith.constant 0 : i32
      %dma_wait3A_192 = tpu.memref_slice %arg10[%dma_wait3A_189, %dma_wait3A_191] : memref<5x80xf32, #tpu.memory_space<vmem>> -> memref<1x80xf32, #tpu.memory_space<vmem>>
      %dma_wait3A_193 = tpu.memref_squeeze %dma_wait3A_192 : memref<1x80xf32, #tpu.memory_space<vmem>> -> memref<80xf32, #tpu.memory_space<vmem>>
      %dma_wait3A_194 = arith.constant 0 : i32
      %dma_wait3A_195 = tpu.memref_slice %arg8[%add3A_188, %dma_wait3A_194] : memref<250x80xi32, #tpu.memory_space<vmem>> -> memref<1x80xi32, #tpu.memory_space<vmem>>
      %dma_wait3A_196 = tpu.memref_squeeze %dma_wait3A_195 : memref<1x80xi32, #tpu.memory_space<vmem>> -> memref<80xi32, #tpu.memory_space<vmem>>
      %dma_wait3A_197 = arith.constant 0 : i32
      %dma_wait3A_198 = tpu.memref_slice %arg14[%dma_wait3A_197] : memref<10240xf32, #tpu.memory_space<vmem_shared>> -> memref<10240xf32, #tpu.memory_space<vmem_shared>>
      %dma_wait3A_199 = tpu.memref_slice %arg11[%dma_wait3A_190] : memref<5x!tpu.dma_semaphore, #tpu.memory_space<semaphore_mem>> -> memref<1x!tpu.dma_semaphore, #tpu.memory_space<semaphore_mem>>
      %dma_wait3A_200 = tpu.memref_squeeze %dma_wait3A_199 : memref<1x!tpu.dma_semaphore, #tpu.memory_space<semaphore_mem>> -> memref<!tpu.dma_semaphore, #tpu.memory_space<semaphore_mem>>
      tpu.wait_indirect_dma semaphore(%dma_wait3A_200 : memref<!tpu.dma_semaphore, #tpu.memory_space<semaphore_mem>>) src(%dma_wait3A_198 : memref<10240xf32, #tpu.memory_space<vmem_shared>>) dst(%dma_wait3A_193 : memref<80xf32, #tpu.memory_space<vmem>>)
      %add3A_201 = arith.constant 0 : i32
      %add3A_202 = arith.addi %mul3A_93, %add3A_201 : i32
      %dma_start3A_203 = arith.constant 0 : i32
      %dma_start3A_204 = arith.constant 0 : i32
      %dma_start3A_205 = arith.constant 0 : i32
      %dma_start3A_206 = tpu.memref_slice %arg10[%dma_start3A_203, %dma_start3A_205] : memref<5x80xf32, #tpu.memory_space<vmem>> -> memref<1x80xf32, #tpu.memory_space<vmem>>
      %dma_start3A_207 = tpu.memref_squeeze %dma_start3A_206 : memref<1x80xf32, #tpu.memory_space<vmem>> -> memref<80xf32, #tpu.memory_space<vmem>>
      %dma_start3A_208 = arith.constant 0 : i32
      %dma_start3A_209 = tpu.memref_slice %arg9[%add3A_202, %dma_start3A_208] : memref<250x80xi32, #tpu.memory_space<vmem>> -> memref<1x80xi32, #tpu.memory_space<vmem>>
      %dma_start3A_210 = tpu.memref_squeeze %dma_start3A_209 : memref<1x80xi32, #tpu.memory_space<vmem>> -> memref<80xi32, #tpu.memory_space<vmem>>
      %dma_start3A_211 = arith.constant 0 : i32
      %dma_start3A_212 = tpu.memref_slice %arg13[%dma_start3A_211] : memref<10240xf32, #tpu.memory_space<vmem_shared>> -> memref<10240xf32, #tpu.memory_space<vmem_shared>>
      %dma_start3A_213 = tpu.memref_slice %arg12[%dma_start3A_204] : memref<5x!tpu.dma_semaphore, #tpu.memory_space<semaphore_mem>> -> memref<1x!tpu.dma_semaphore, #tpu.memory_space<semaphore_mem>>
      %dma_start3A_214 = tpu.memref_squeeze %dma_start3A_213 : memref<1x!tpu.dma_semaphore, #tpu.memory_space<semaphore_mem>> -> memref<!tpu.dma_semaphore, #tpu.memory_space<semaphore_mem>>
      tpu.enqueue_indirect_dma source(%dma_start3A_207 : memref<80xf32, #tpu.memory_space<vmem>>) target(%dma_start3A_212 : memref<10240xf32, #tpu.memory_space<vmem_shared>>) offsets(%dma_start3A_210 : memref<80xi32, #tpu.memory_space<vmem>>) semaphore(%dma_start3A_214 : memref<!tpu.dma_semaphore, #tpu.memory_space<semaphore_mem>>) {add = true}
      %add3A_215 = arith.constant 1 : i32
      %add3A_216 = arith.addi %mul3A_93, %add3A_215 : i32
      %dma_wait3A_217 = arith.constant 1 : i32
      %dma_wait3A_218 = arith.constant 1 : i32
      %dma_wait3A_219 = arith.constant 0 : i32
      %dma_wait3A_220 = tpu.memref_slice %arg10[%dma_wait3A_217, %dma_wait3A_219] : memref<5x80xf32, #tpu.memory_space<vmem>> -> memref<1x80xf32, #tpu.memory_space<vmem>>
      %dma_wait3A_221 = tpu.memref_squeeze %dma_wait3A_220 : memref<1x80xf32, #tpu.memory_space<vmem>> -> memref<80xf32, #tpu.memory_space<vmem>>
      %dma_wait3A_222 = arith.constant 0 : i32
      %dma_wait3A_223 = tpu.memref_slice %arg8[%add3A_216, %dma_wait3A_222] : memref<250x80xi32, #tpu.memory_space<vmem>> -> memref<1x80xi32, #tpu.memory_space<vmem>>
      %dma_wait3A_224 = tpu.memref_squeeze %dma_wait3A_223 : memref<1x80xi32, #tpu.memory_space<vmem>> -> memref<80xi32, #tpu.memory_space<vmem>>
      %dma_wait3A_225 = arith.constant 0 : i32
      %dma_wait3A_226 = tpu.memref_slice %arg14[%dma_wait3A_225] : memref<10240xf32, #tpu.memory_space<vmem_shared>> -> memref<10240xf32, #tpu.memory_space<vmem_shared>>
      %dma_wait3A_227 = tpu.memref_slice %arg11[%dma_wait3A_218] : memref<5x!tpu.dma_semaphore, #tpu.memory_space<semaphore_mem>> -> memref<1x!tpu.dma_semaphore, #tpu.memory_space<semaphore_mem>>
      %dma_wait3A_228 = tpu.memref_squeeze %dma_wait3A_227 : memref<1x!tpu.dma_semaphore, #tpu.memory_space<semaphore_mem>> -> memref<!tpu.dma_semaphore, #tpu.memory_space<semaphore_mem>>
      tpu.wait_indirect_dma semaphore(%dma_wait3A_228 : memref<!tpu.dma_semaphore, #tpu.memory_space<semaphore_mem>>) src(%dma_wait3A_226 : memref<10240xf32, #tpu.memory_space<vmem_shared>>) dst(%dma_wait3A_221 : memref<80xf32, #tpu.memory_space<vmem>>)
      %add3A_229 = arith.constant 1 : i32
      %add3A_230 = arith.addi %mul3A_93, %add3A_229 : i32
      %dma_start3A_231 = arith.constant 1 : i32
      %dma_start3A_232 = arith.constant 1 : i32
      %dma_start3A_233 = arith.constant 0 : i32
      %dma_start3A_234 = tpu.memref_slice %arg10[%dma_start3A_231, %dma_start3A_233] : memref<5x80xf32, #tpu.memory_space<vmem>> -> memref<1x80xf32, #tpu.memory_space<vmem>>
      %dma_start3A_235 = tpu.memref_squeeze %dma_start3A_234 : memref<1x80xf32, #tpu.memory_space<vmem>> -> memref<80xf32, #tpu.memory_space<vmem>>
      %dma_start3A_236 = arith.constant 0 : i32
      %dma_start3A_237 = tpu.memref_slice %arg9[%add3A_230, %dma_start3A_236] : memref<250x80xi32, #tpu.memory_space<vmem>> -> memref<1x80xi32, #tpu.memory_space<vmem>>
      %dma_start3A_238 = tpu.memref_squeeze %dma_start3A_237 : memref<1x80xi32, #tpu.memory_space<vmem>> -> memref<80xi32, #tpu.memory_space<vmem>>
      %dma_start3A_239 = arith.constant 0 : i32
      %dma_start3A_240 = tpu.memref_slice %arg13[%dma_start3A_239] : memref<10240xf32, #tpu.memory_space<vmem_shared>> -> memref<10240xf32, #tpu.memory_space<vmem_shared>>
      %dma_start3A_241 = tpu.memref_slice %arg12[%dma_start3A_232] : memref<5x!tpu.dma_semaphore, #tpu.memory_space<semaphore_mem>> -> memref<1x!tpu.dma_semaphore, #tpu.memory_space<semaphore_mem>>
      %dma_start3A_242 = tpu.memref_squeeze %dma_start3A_241 : memref<1x!tpu.dma_semaphore, #tpu.memory_space<semaphore_mem>> -> memref<!tpu.dma_semaphore, #tpu.memory_space<semaphore_mem>>
      tpu.enqueue_indirect_dma source(%dma_start3A_235 : memref<80xf32, #tpu.memory_space<vmem>>) target(%dma_start3A_240 : memref<10240xf32, #tpu.memory_space<vmem_shared>>) offsets(%dma_start3A_238 : memref<80xi32, #tpu.memory_space<vmem>>) semaphore(%dma_start3A_242 : memref<!tpu.dma_semaphore, #tpu.memory_space<semaphore_mem>>) {add = true}
      %add3A_243 = arith.constant 2 : i32
      %add3A_244 = arith.addi %mul3A_93, %add3A_243 : i32
      %dma_wait3A_245 = arith.constant 2 : i32
      %dma_wait3A_246 = arith.constant 2 : i32
      %dma_wait3A_247 = arith.constant 0 : i32
      %dma_wait3A_248 = tpu.memref_slice %arg10[%dma_wait3A_245, %dma_wait3A_247] : memref<5x80xf32, #tpu.memory_space<vmem>> -> memref<1x80xf32, #tpu.memory_space<vmem>>
      %dma_wait3A_249 = tpu.memref_squeeze %dma_wait3A_248 : memref<1x80xf32, #tpu.memory_space<vmem>> -> memref<80xf32, #tpu.memory_space<vmem>>
      %dma_wait3A_250 = arith.constant 0 : i32
      %dma_wait3A_251 = tpu.memref_slice %arg8[%add3A_244, %dma_wait3A_250] : memref<250x80xi32, #tpu.memory_space<vmem>> -> memref<1x80xi32, #tpu.memory_space<vmem>>
      %dma_wait3A_252 = tpu.memref_squeeze %dma_wait3A_251 : memref<1x80xi32, #tpu.memory_space<vmem>> -> memref<80xi32, #tpu.memory_space<vmem>>
      %dma_wait3A_253 = arith.constant 0 : i32
      %dma_wait3A_254 = tpu.memref_slice %arg14[%dma_wait3A_253] : memref<10240xf32, #tpu.memory_space<vmem_shared>> -> memref<10240xf32, #tpu.memory_space<vmem_shared>>
      %dma_wait3A_255 = tpu.memref_slice %arg11[%dma_wait3A_246] : memref<5x!tpu.dma_semaphore, #tpu.memory_space<semaphore_mem>> -> memref<1x!tpu.dma_semaphore, #tpu.memory_space<semaphore_mem>>
      %dma_wait3A_256 = tpu.memref_squeeze %dma_wait3A_255 : memref<1x!tpu.dma_semaphore, #tpu.memory_space<semaphore_mem>> -> memref<!tpu.dma_semaphore, #tpu.memory_space<semaphore_mem>>
      tpu.wait_indirect_dma semaphore(%dma_wait3A_256 : memref<!tpu.dma_semaphore, #tpu.memory_space<semaphore_mem>>) src(%dma_wait3A_254 : memref<10240xf32, #tpu.memory_space<vmem_shared>>) dst(%dma_wait3A_249 : memref<80xf32, #tpu.memory_space<vmem>>)
      %add3A_257 = arith.constant 2 : i32
      %add3A_258 = arith.addi %mul3A_93, %add3A_257 : i32
      %dma_start3A_259 = arith.constant 2 : i32
      %dma_start3A_260 = arith.constant 2 : i32
      %dma_start3A_261 = arith.constant 0 : i32
      %dma_start3A_262 = tpu.memref_slice %arg10[%dma_start3A_259, %dma_start3A_261] : memref<5x80xf32, #tpu.memory_space<vmem>> -> memref<1x80xf32, #tpu.memory_space<vmem>>
      %dma_start3A_263 = tpu.memref_squeeze %dma_start3A_262 : memref<1x80xf32, #tpu.memory_space<vmem>> -> memref<80xf32, #tpu.memory_space<vmem>>
      %dma_start3A_264 = arith.constant 0 : i32
      %dma_start3A_265 = tpu.memref_slice %arg9[%add3A_258, %dma_start3A_264] : memref<250x80xi32, #tpu.memory_space<vmem>> -> memref<1x80xi32, #tpu.memory_space<vmem>>
      %dma_start3A_266 = tpu.memref_squeeze %dma_start3A_265 : memref<1x80xi32, #tpu.memory_space<vmem>> -> memref<80xi32, #tpu.memory_space<vmem>>
      %dma_start3A_267 = arith.constant 0 : i32
      %dma_start3A_268 = tpu.memref_slice %arg13[%dma_start3A_267] : memref<10240xf32, #tpu.memory_space<vmem_shared>> -> memref<10240xf32, #tpu.memory_space<vmem_shared>>
      %dma_start3A_269 = tpu.memref_slice %arg12[%dma_start3A_260] : memref<5x!tpu.dma_semaphore, #tpu.memory_space<semaphore_mem>> -> memref<1x!tpu.dma_semaphore, #tpu.memory_space<semaphore_mem>>
      %dma_start3A_270 = tpu.memref_squeeze %dma_start3A_269 : memref<1x!tpu.dma_semaphore, #tpu.memory_space<semaphore_mem>> -> memref<!tpu.dma_semaphore, #tpu.memory_space<semaphore_mem>>
      tpu.enqueue_indirect_dma source(%dma_start3A_263 : memref<80xf32, #tpu.memory_space<vmem>>) target(%dma_start3A_268 : memref<10240xf32, #tpu.memory_space<vmem_shared>>) offsets(%dma_start3A_266 : memref<80xi32, #tpu.memory_space<vmem>>) semaphore(%dma_start3A_270 : memref<!tpu.dma_semaphore, #tpu.memory_space<semaphore_mem>>) {add = true}
      %add3A_271 = arith.constant 3 : i32
      %add3A_272 = arith.addi %mul3A_93, %add3A_271 : i32
      %dma_wait3A_273 = arith.constant 3 : i32
      %dma_wait3A_274 = arith.constant 3 : i32
      %dma_wait3A_275 = arith.constant 0 : i32
      %dma_wait3A_276 = tpu.memref_slice %arg10[%dma_wait3A_273, %dma_wait3A_275] : memref<5x80xf32, #tpu.memory_space<vmem>> -> memref<1x80xf32, #tpu.memory_space<vmem>>
      %dma_wait3A_277 = tpu.memref_squeeze %dma_wait3A_276 : memref<1x80xf32, #tpu.memory_space<vmem>> -> memref<80xf32, #tpu.memory_space<vmem>>
      %dma_wait3A_278 = arith.constant 0 : i32
      %dma_wait3A_279 = tpu.memref_slice %arg8[%add3A_272, %dma_wait3A_278] : memref<250x80xi32, #tpu.memory_space<vmem>> -> memref<1x80xi32, #tpu.memory_space<vmem>>
      %dma_wait3A_280 = tpu.memref_squeeze %dma_wait3A_279 : memref<1x80xi32, #tpu.memory_space<vmem>> -> memref<80xi32, #tpu.memory_space<vmem>>
      %dma_wait3A_281 = arith.constant 0 : i32
      %dma_wait3A_282 = tpu.memref_slice %arg14[%dma_wait3A_281] : memref<10240xf32, #tpu.memory_space<vmem_shared>> -> memref<10240xf32, #tpu.memory_space<vmem_shared>>
      %dma_wait3A_283 = tpu.memref_slice %arg11[%dma_wait3A_274] : memref<5x!tpu.dma_semaphore, #tpu.memory_space<semaphore_mem>> -> memref<1x!tpu.dma_semaphore, #tpu.memory_space<semaphore_mem>>
      %dma_wait3A_284 = tpu.memref_squeeze %dma_wait3A_283 : memref<1x!tpu.dma_semaphore, #tpu.memory_space<semaphore_mem>> -> memref<!tpu.dma_semaphore, #tpu.memory_space<semaphore_mem>>
      tpu.wait_indirect_dma semaphore(%dma_wait3A_284 : memref<!tpu.dma_semaphore, #tpu.memory_space<semaphore_mem>>) src(%dma_wait3A_282 : memref<10240xf32, #tpu.memory_space<vmem_shared>>) dst(%dma_wait3A_277 : memref<80xf32, #tpu.memory_space<vmem>>)
      %add3A_285 = arith.constant 3 : i32
      %add3A_286 = arith.addi %mul3A_93, %add3A_285 : i32
      %dma_start3A_287 = arith.constant 3 : i32
      %dma_start3A_288 = arith.constant 3 : i32
      %dma_start3A_289 = arith.constant 0 : i32
      %dma_start3A_290 = tpu.memref_slice %arg10[%dma_start3A_287, %dma_start3A_289] : memref<5x80xf32, #tpu.memory_space<vmem>> -> memref<1x80xf32, #tpu.memory_space<vmem>>
      %dma_start3A_291 = tpu.memref_squeeze %dma_start3A_290 : memref<1x80xf32, #tpu.memory_space<vmem>> -> memref<80xf32, #tpu.memory_space<vmem>>
      %dma_start3A_292 = arith.constant 0 : i32
      %dma_start3A_293 = tpu.memref_slice %arg9[%add3A_286, %dma_start3A_292] : memref<250x80xi32, #tpu.memory_space<vmem>> -> memref<1x80xi32, #tpu.memory_space<vmem>>
      %dma_start3A_294 = tpu.memref_squeeze %dma_start3A_293 : memref<1x80xi32, #tpu.memory_space<vmem>> -> memref<80xi32, #tpu.memory_space<vmem>>
      %dma_start3A_295 = arith.constant 0 : i32
      %dma_start3A_296 = tpu.memref_slice %arg13[%dma_start3A_295] : memref<10240xf32, #tpu.memory_space<vmem_shared>> -> memref<10240xf32, #tpu.memory_space<vmem_shared>>
      %dma_start3A_297 = tpu.memref_slice %arg12[%dma_start3A_288] : memref<5x!tpu.dma_semaphore, #tpu.memory_space<semaphore_mem>> -> memref<1x!tpu.dma_semaphore, #tpu.memory_space<semaphore_mem>>
      %dma_start3A_298 = tpu.memref_squeeze %dma_start3A_297 : memref<1x!tpu.dma_semaphore, #tpu.memory_space<semaphore_mem>> -> memref<!tpu.dma_semaphore, #tpu.memory_space<semaphore_mem>>
      tpu.enqueue_indirect_dma source(%dma_start3A_291 : memref<80xf32, #tpu.memory_space<vmem>>) target(%dma_start3A_296 : memref<10240xf32, #tpu.memory_space<vmem_shared>>) offsets(%dma_start3A_294 : memref<80xi32, #tpu.memory_space<vmem>>) semaphore(%dma_start3A_298 : memref<!tpu.dma_semaphore, #tpu.memory_space<semaphore_mem>>) {add = true}
      %add3A_299 = arith.constant 4 : i32
      %add3A_300 = arith.addi %mul3A_93, %add3A_299 : i32
      %dma_wait3A_301 = arith.constant 4 : i32
      %dma_wait3A_302 = arith.constant 4 : i32
      %dma_wait3A_303 = arith.constant 0 : i32
      %dma_wait3A_304 = tpu.memref_slice %arg10[%dma_wait3A_301, %dma_wait3A_303] : memref<5x80xf32, #tpu.memory_space<vmem>> -> memref<1x80xf32, #tpu.memory_space<vmem>>
      %dma_wait3A_305 = tpu.memref_squeeze %dma_wait3A_304 : memref<1x80xf32, #tpu.memory_space<vmem>> -> memref<80xf32, #tpu.memory_space<vmem>>
      %dma_wait3A_306 = arith.constant 0 : i32
      %dma_wait3A_307 = tpu.memref_slice %arg8[%add3A_300, %dma_wait3A_306] : memref<250x80xi32, #tpu.memory_space<vmem>> -> memref<1x80xi32, #tpu.memory_space<vmem>>
      %dma_wait3A_308 = tpu.memref_squeeze %dma_wait3A_307 : memref<1x80xi32, #tpu.memory_space<vmem>> -> memref<80xi32, #tpu.memory_space<vmem>>
      %dma_wait3A_309 = arith.constant 0 : i32
      %dma_wait3A_310 = tpu.memref_slice %arg14[%dma_wait3A_309] : memref<10240xf32, #tpu.memory_space<vmem_shared>> -> memref<10240xf32, #tpu.memory_space<vmem_shared>>
      %dma_wait3A_311 = tpu.memref_slice %arg11[%dma_wait3A_302] : memref<5x!tpu.dma_semaphore, #tpu.memory_space<semaphore_mem>> -> memref<1x!tpu.dma_semaphore, #tpu.memory_space<semaphore_mem>>
      %dma_wait3A_312 = tpu.memref_squeeze %dma_wait3A_311 : memref<1x!tpu.dma_semaphore, #tpu.memory_space<semaphore_mem>> -> memref<!tpu.dma_semaphore, #tpu.memory_space<semaphore_mem>>
      tpu.wait_indirect_dma semaphore(%dma_wait3A_312 : memref<!tpu.dma_semaphore, #tpu.memory_space<semaphore_mem>>) src(%dma_wait3A_310 : memref<10240xf32, #tpu.memory_space<vmem_shared>>) dst(%dma_wait3A_305 : memref<80xf32, #tpu.memory_space<vmem>>)
      %add3A_313 = arith.constant 4 : i32
      %add3A_314 = arith.addi %mul3A_93, %add3A_313 : i32
      %dma_start3A_315 = arith.constant 4 : i32
      %dma_start3A_316 = arith.constant 4 : i32
      %dma_start3A_317 = arith.constant 0 : i32
      %dma_start3A_318 = tpu.memref_slice %arg10[%dma_start3A_315, %dma_start3A_317] : memref<5x80xf32, #tpu.memory_space<vmem>> -> memref<1x80xf32, #tpu.memory_space<vmem>>
      %dma_start3A_319 = tpu.memref_squeeze %dma_start3A_318 : memref<1x80xf32, #tpu.memory_space<vmem>> -> memref<80xf32, #tpu.memory_space<vmem>>
      %dma_start3A_320 = arith.constant 0 : i32
      %dma_start3A_321 = tpu.memref_slice %arg9[%add3A_314, %dma_start3A_320] : memref<250x80xi32, #tpu.memory_space<vmem>> -> memref<1x80xi32, #tpu.memory_space<vmem>>
      %dma_start3A_322 = tpu.memref_squeeze %dma_start3A_321 : memref<1x80xi32, #tpu.memory_space<vmem>> -> memref<80xi32, #tpu.memory_space<vmem>>
      %dma_start3A_323 = arith.constant 0 : i32
      %dma_start3A_324 = tpu.memref_slice %arg13[%dma_start3A_323] : memref<10240xf32, #tpu.memory_space<vmem_shared>> -> memref<10240xf32, #tpu.memory_space<vmem_shared>>
      %dma_start3A_325 = tpu.memref_slice %arg12[%dma_start3A_316] : memref<5x!tpu.dma_semaphore, #tpu.memory_space<semaphore_mem>> -> memref<1x!tpu.dma_semaphore, #tpu.memory_space<semaphore_mem>>
      %dma_start3A_326 = tpu.memref_squeeze %dma_start3A_325 : memref<1x!tpu.dma_semaphore, #tpu.memory_space<semaphore_mem>> -> memref<!tpu.dma_semaphore, #tpu.memory_space<semaphore_mem>>
      tpu.enqueue_indirect_dma source(%dma_start3A_319 : memref<80xf32, #tpu.memory_space<vmem>>) target(%dma_start3A_324 : memref<10240xf32, #tpu.memory_space<vmem_shared>>) offsets(%dma_start3A_322 : memref<80xi32, #tpu.memory_space<vmem>>) semaphore(%dma_start3A_326 : memref<!tpu.dma_semaphore, #tpu.memory_space<semaphore_mem>>) {add = true}
    }
    %scan3A_13 = arith.constant 50 : i32
    %dma_wait3A = arith.constant 0 : i32
    %dma_wait3A_14 = arith.constant 245 : i32
    %dma_wait3A_15 = arith.constant 0 : i32
    %dma_wait3A_16 = arith.constant 0 : i32
    %dma_wait3A_17 = tpu.memref_slice %arg10[%dma_wait3A, %dma_wait3A_16] : memref<5x80xf32, #tpu.memory_space<vmem>> -> memref<1x80xf32, #tpu.memory_space<vmem>>
    %dma_wait3A_18 = tpu.memref_squeeze %dma_wait3A_17 : memref<1x80xf32, #tpu.memory_space<vmem>> -> memref<80xf32, #tpu.memory_space<vmem>>
    %dma_wait3A_19 = arith.constant 0 : i32
    %dma_wait3A_20 = tpu.memref_slice %arg9[%dma_wait3A_14, %dma_wait3A_19] : memref<250x80xi32, #tpu.memory_space<vmem>> -> memref<1x80xi32, #tpu.memory_space<vmem>>
    %dma_wait3A_21 = tpu.memref_squeeze %dma_wait3A_20 : memref<1x80xi32, #tpu.memory_space<vmem>> -> memref<80xi32, #tpu.memory_space<vmem>>
    %dma_wait3A_22 = arith.constant 0 : i32
    %dma_wait3A_23 = tpu.memref_slice %arg13[%dma_wait3A_22] : memref<10240xf32, #tpu.memory_space<vmem_shared>> -> memref<10240xf32, #tpu.memory_space<vmem_shared>>
    %dma_wait3A_24 = tpu.memref_slice %arg12[%dma_wait3A_15] : memref<5x!tpu.dma_semaphore, #tpu.memory_space<semaphore_mem>> -> memref<1x!tpu.dma_semaphore, #tpu.memory_space<semaphore_mem>>
    %dma_wait3A_25 = tpu.memref_squeeze %dma_wait3A_24 : memref<1x!tpu.dma_semaphore, #tpu.memory_space<semaphore_mem>> -> memref<!tpu.dma_semaphore, #tpu.memory_space<semaphore_mem>>
    tpu.wait_indirect_dma semaphore(%dma_wait3A_25 : memref<!tpu.dma_semaphore, #tpu.memory_space<semaphore_mem>>) src(%dma_wait3A_18 : memref<80xf32, #tpu.memory_space<vmem>>) dst(%dma_wait3A_23 : memref<10240xf32, #tpu.memory_space<vmem_shared>>)
    %dma_wait3A_26 = arith.constant 1 : i32
    %dma_wait3A_27 = arith.constant 246 : i32
    %dma_wait3A_28 = arith.constant 1 : i32
    %dma_wait3A_29 = arith.constant 0 : i32
    %dma_wait3A_30 = tpu.memref_slice %arg10[%dma_wait3A_26, %dma_wait3A_29] : memref<5x80xf32, #tpu.memory_space<vmem>> -> memref<1x80xf32, #tpu.memory_space<vmem>>
    %dma_wait3A_31 = tpu.memref_squeeze %dma_wait3A_30 : memref<1x80xf32, #tpu.memory_space<vmem>> -> memref<80xf32, #tpu.memory_space<vmem>>
    %dma_wait3A_32 = arith.constant 0 : i32
    %dma_wait3A_33 = tpu.memref_slice %arg9[%dma_wait3A_27, %dma_wait3A_32] : memref<250x80xi32, #tpu.memory_space<vmem>> -> memref<1x80xi32, #tpu.memory_space<vmem>>
    %dma_wait3A_34 = tpu.memref_squeeze %dma_wait3A_33 : memref<1x80xi32, #tpu.memory_space<vmem>> -> memref<80xi32, #tpu.memory_space<vmem>>
    %dma_wait3A_35 = arith.constant 0 : i32
    %dma_wait3A_36 = tpu.memref_slice %arg13[%dma_wait3A_35] : memref<10240xf32, #tpu.memory_space<vmem_shared>> -> memref<10240xf32, #tpu.memory_space<vmem_shared>>
    %dma_wait3A_37 = tpu.memref_slice %arg12[%dma_wait3A_28] : memref<5x!tpu.dma_semaphore, #tpu.memory_space<semaphore_mem>> -> memref<1x!tpu.dma_semaphore, #tpu.memory_space<semaphore_mem>>
    %dma_wait3A_38 = tpu.memref_squeeze %dma_wait3A_37 : memref<1x!tpu.dma_semaphore, #tpu.memory_space<semaphore_mem>> -> memref<!tpu.dma_semaphore, #tpu.memory_space<semaphore_mem>>
    tpu.wait_indirect_dma semaphore(%dma_wait3A_38 : memref<!tpu.dma_semaphore, #tpu.memory_space<semaphore_mem>>) src(%dma_wait3A_31 : memref<80xf32, #tpu.memory_space<vmem>>) dst(%dma_wait3A_36 : memref<10240xf32, #tpu.memory_space<vmem_shared>>)
    %dma_wait3A_39 = arith.constant 2 : i32
    %dma_wait3A_40 = arith.constant 247 : i32
    %dma_wait3A_41 = arith.constant 2 : i32
    %dma_wait3A_42 = arith.constant 0 : i32
    %dma_wait3A_43 = tpu.memref_slice %arg10[%dma_wait3A_39, %dma_wait3A_42] : memref<5x80xf32, #tpu.memory_space<vmem>> -> memref<1x80xf32, #tpu.memory_space<vmem>>
    %dma_wait3A_44 = tpu.memref_squeeze %dma_wait3A_43 : memref<1x80xf32, #tpu.memory_space<vmem>> -> memref<80xf32, #tpu.memory_space<vmem>>
    %dma_wait3A_45 = arith.constant 0 : i32
    %dma_wait3A_46 = tpu.memref_slice %arg9[%dma_wait3A_40, %dma_wait3A_45] : memref<250x80xi32, #tpu.memory_space<vmem>> -> memref<1x80xi32, #tpu.memory_space<vmem>>
    %dma_wait3A_47 = tpu.memref_squeeze %dma_wait3A_46 : memref<1x80xi32, #tpu.memory_space<vmem>> -> memref<80xi32, #tpu.memory_space<vmem>>
    %dma_wait3A_48 = arith.constant 0 : i32
    %dma_wait3A_49 = tpu.memref_slice %arg13[%dma_wait3A_48] : memref<10240xf32, #tpu.memory_space<vmem_shared>> -> memref<10240xf32, #tpu.memory_space<vmem_shared>>
    %dma_wait3A_50 = tpu.memref_slice %arg12[%dma_wait3A_41] : memref<5x!tpu.dma_semaphore, #tpu.memory_space<semaphore_mem>> -> memref<1x!tpu.dma_semaphore, #tpu.memory_space<semaphore_mem>>
    %dma_wait3A_51 = tpu.memref_squeeze %dma_wait3A_50 : memref<1x!tpu.dma_semaphore, #tpu.memory_space<semaphore_mem>> -> memref<!tpu.dma_semaphore, #tpu.memory_space<semaphore_mem>>
    tpu.wait_indirect_dma semaphore(%dma_wait3A_51 : memref<!tpu.dma_semaphore, #tpu.memory_space<semaphore_mem>>) src(%dma_wait3A_44 : memref<80xf32, #tpu.memory_space<vmem>>) dst(%dma_wait3A_49 : memref<10240xf32, #tpu.memory_space<vmem_shared>>)
    %dma_wait3A_52 = arith.constant 3 : i32
    %dma_wait3A_53 = arith.constant 248 : i32
    %dma_wait3A_54 = arith.constant 3 : i32
    %dma_wait3A_55 = arith.constant 0 : i32
    %dma_wait3A_56 = tpu.memref_slice %arg10[%dma_wait3A_52, %dma_wait3A_55] : memref<5x80xf32, #tpu.memory_space<vmem>> -> memref<1x80xf32, #tpu.memory_space<vmem>>
    %dma_wait3A_57 = tpu.memref_squeeze %dma_wait3A_56 : memref<1x80xf32, #tpu.memory_space<vmem>> -> memref<80xf32, #tpu.memory_space<vmem>>
    %dma_wait3A_58 = arith.constant 0 : i32
    %dma_wait3A_59 = tpu.memref_slice %arg9[%dma_wait3A_53, %dma_wait3A_58] : memref<250x80xi32, #tpu.memory_space<vmem>> -> memref<1x80xi32, #tpu.memory_space<vmem>>
    %dma_wait3A_60 = tpu.memref_squeeze %dma_wait3A_59 : memref<1x80xi32, #tpu.memory_space<vmem>> -> memref<80xi32, #tpu.memory_space<vmem>>
    %dma_wait3A_61 = arith.constant 0 : i32
    %dma_wait3A_62 = tpu.memref_slice %arg13[%dma_wait3A_61] : memref<10240xf32, #tpu.memory_space<vmem_shared>> -> memref<10240xf32, #tpu.memory_space<vmem_shared>>
    %dma_wait3A_63 = tpu.memref_slice %arg12[%dma_wait3A_54] : memref<5x!tpu.dma_semaphore, #tpu.memory_space<semaphore_mem>> -> memref<1x!tpu.dma_semaphore, #tpu.memory_space<semaphore_mem>>
    %dma_wait3A_64 = tpu.memref_squeeze %dma_wait3A_63 : memref<1x!tpu.dma_semaphore, #tpu.memory_space<semaphore_mem>> -> memref<!tpu.dma_semaphore, #tpu.memory_space<semaphore_mem>>
    tpu.wait_indirect_dma semaphore(%dma_wait3A_64 : memref<!tpu.dma_semaphore, #tpu.memory_space<semaphore_mem>>) src(%dma_wait3A_57 : memref<80xf32, #tpu.memory_space<vmem>>) dst(%dma_wait3A_62 : memref<10240xf32, #tpu.memory_space<vmem_shared>>)
    %dma_wait3A_65 = arith.constant 4 : i32
    %dma_wait3A_66 = arith.constant 249 : i32
    %dma_wait3A_67 = arith.constant 4 : i32
    %dma_wait3A_68 = arith.constant 0 : i32
    %dma_wait3A_69 = tpu.memref_slice %arg10[%dma_wait3A_65, %dma_wait3A_68] : memref<5x80xf32, #tpu.memory_space<vmem>> -> memref<1x80xf32, #tpu.memory_space<vmem>>
    %dma_wait3A_70 = tpu.memref_squeeze %dma_wait3A_69 : memref<1x80xf32, #tpu.memory_space<vmem>> -> memref<80xf32, #tpu.memory_space<vmem>>
    %dma_wait3A_71 = arith.constant 0 : i32
    %dma_wait3A_72 = tpu.memref_slice %arg9[%dma_wait3A_66, %dma_wait3A_71] : memref<250x80xi32, #tpu.memory_space<vmem>> -> memref<1x80xi32, #tpu.memory_space<vmem>>
    %dma_wait3A_73 = tpu.memref_squeeze %dma_wait3A_72 : memref<1x80xi32, #tpu.memory_space<vmem>> -> memref<80xi32, #tpu.memory_space<vmem>>
    %dma_wait3A_74 = arith.constant 0 : i32
    %dma_wait3A_75 = tpu.memref_slice %arg13[%dma_wait3A_74] : memref<10240xf32, #tpu.memory_space<vmem_shared>> -> memref<10240xf32, #tpu.memory_space<vmem_shared>>
    %dma_wait3A_76 = tpu.memref_slice %arg12[%dma_wait3A_67] : memref<5x!tpu.dma_semaphore, #tpu.memory_space<semaphore_mem>> -> memref<1x!tpu.dma_semaphore, #tpu.memory_space<semaphore_mem>>
    %dma_wait3A_77 = tpu.memref_squeeze %dma_wait3A_76 : memref<1x!tpu.dma_semaphore, #tpu.memory_space<semaphore_mem>> -> memref<!tpu.dma_semaphore, #tpu.memory_space<semaphore_mem>>
    tpu.wait_indirect_dma semaphore(%dma_wait3A_77 : memref<!tpu.dma_semaphore, #tpu.memory_space<semaphore_mem>>) src(%dma_wait3A_70 : memref<80xf32, #tpu.memory_space<vmem>>) dst(%dma_wait3A_75 : memref<10240xf32, #tpu.memory_space<vmem_shared>>)
    %barrier3A_78 = arith.constant 0 : index
    tpu.barrier barrier_id(%barrier3A_78)
    %mul3A_79 = arith.constant 320 : i32
    %mul3A_80 = arith.muli %add3A, %mul3A_79 : i32
    "tpu.region"() ({
      %run_scoped3A_91 = tpu.sem_alloc : memref<!tpu.dma_semaphore, #tpu.memory_space<semaphore_mem>>
      %dma_start3A = tpu.memref_slice %arg13[%mul3A_80] : memref<10240xf32, #tpu.memory_space<vmem_shared>> -> memref<320xf32, #tpu.memory_space<vmem_shared>>
      %dma_start3A_92 = tpu.memref_slice %arg13[%mul3A_80] : memref<10240xf32, #tpu.memory_space<vmem_shared>> -> memref<320xf32, #tpu.memory_space<vmem_shared>>
      tpu.enqueue_dma source(%dma_start3A_92 : memref<320xf32, #tpu.memory_space<vmem_shared>>) target(%arg15 : memref<320xf32, #tpu.memory_space<vmem>>) target_semaphore(%run_scoped3A_91 : memref<!tpu.dma_semaphore, #tpu.memory_space<semaphore_mem>>)
      %dma_wait3A_93 = tpu.memref_slice %arg13[%mul3A_80] : memref<10240xf32, #tpu.memory_space<vmem_shared>> -> memref<320xf32, #tpu.memory_space<vmem_shared>>
      %dma_wait3A_94 = tpu.memref_slice %arg13[%mul3A_80] : memref<10240xf32, #tpu.memory_space<vmem_shared>> -> memref<320xf32, #tpu.memory_space<vmem_shared>>
      tpu.wait_dma2 semaphore(%run_scoped3A_91 : memref<!tpu.dma_semaphore, #tpu.memory_space<semaphore_mem>>) src(%dma_wait3A_94 : memref<320xf32, #tpu.memory_space<vmem_shared>>) dst(%arg15 : memref<320xf32, #tpu.memory_space<vmem>>)
      tpu.yield
    }) : () -> ()
    "tpu.region"() ({
      %run_scoped3A_91 = tpu.sem_alloc : memref<!tpu.dma_semaphore, #tpu.memory_space<semaphore_mem>>
      tpu.enqueue_dma source(%arg5 : memref<16xf32, #tpu.memory_space<hbm>>) target(%arg19 : memref<16xf32, #tpu.memory_space<vmem>>) target_semaphore(%run_scoped3A_91 : memref<!tpu.dma_semaphore, #tpu.memory_space<semaphore_mem>>)
      tpu.wait_dma2 semaphore(%run_scoped3A_91 : memref<!tpu.dma_semaphore, #tpu.memory_space<semaphore_mem>>) src(%arg5 : memref<16xf32, #tpu.memory_space<hbm>>) dst(%arg19 : memref<16xf32, #tpu.memory_space<vmem>>)
      tpu.yield
    }) : () -> ()
    %lt3A_81 = arith.constant 31 : i32
    %lt3A_82 = arith.cmpi slt, %add3A, %lt3A_81 : i32
    %convert_element_type3A_83 = arith.extui %lt3A_82 : i1 to i32
    %cond3A_84 = arith.constant 0 : i32
    %cond3A_85 = arith.cmpi ne, %convert_element_type3A_83, %cond3A_84 : i32
    scf.if %cond3A_85 {
      %mul3A_91 = arith.constant 320 : i32
      %mul3A_92 = arith.muli %add3A, %mul3A_91 : i32
      "tpu.region"() ({
        %run_scoped3A_102 = tpu.sem_alloc : memref<!tpu.dma_semaphore, #tpu.memory_space<semaphore_mem>>
        %dma_start3A = tpu.memref_slice %arg4[%mul3A_92] : memref<10000xf32, #tpu.memory_space<hbm>> -> memref<320xf32, #tpu.memory_space<hbm>>
        %dma_start3A_103 = tpu.memref_slice %arg4[%mul3A_92] : memref<10000xf32, #tpu.memory_space<hbm>> -> memref<320xf32, #tpu.memory_space<hbm>>
        tpu.enqueue_dma source(%dma_start3A_103 : memref<320xf32, #tpu.memory_space<hbm>>) target(%arg16 : memref<320xf32, #tpu.memory_space<vmem>>) target_semaphore(%run_scoped3A_102 : memref<!tpu.dma_semaphore, #tpu.memory_space<semaphore_mem>>)
        %dma_wait3A_104 = tpu.memref_slice %arg4[%mul3A_92] : memref<10000xf32, #tpu.memory_space<hbm>> -> memref<320xf32, #tpu.memory_space<hbm>>
        %dma_wait3A_105 = tpu.memref_slice %arg4[%mul3A_92] : memref<10000xf32, #tpu.memory_space<hbm>> -> memref<320xf32, #tpu.memory_space<hbm>>
        tpu.wait_dma2 semaphore(%run_scoped3A_102 : memref<!tpu.dma_semaphore, #tpu.memory_space<semaphore_mem>>) src(%dma_wait3A_105 : memref<320xf32, #tpu.memory_space<hbm>>) dst(%arg16 : memref<320xf32, #tpu.memory_space<vmem>>)
        tpu.yield
      }) : () -> ()
      %mul3A_93 = arith.constant 320 : i32
      %mul3A_94 = arith.muli %add3A, %mul3A_93 : i32
      "tpu.region"() ({
        %run_scoped3A_102 = tpu.sem_alloc : memref<!tpu.dma_semaphore, #tpu.memory_space<semaphore_mem>>
        %dma_start3A = tpu.memref_slice %arg14[%mul3A_94] : memref<10240xf32, #tpu.memory_space<vmem_shared>> -> memref<320xf32, #tpu.memory_space<vmem_shared>>
        %dma_start3A_103 = tpu.memref_slice %arg14[%mul3A_94] : memref<10240xf32, #tpu.memory_space<vmem_shared>> -> memref<320xf32, #tpu.memory_space<vmem_shared>>
        tpu.enqueue_dma source(%dma_start3A_103 : memref<320xf32, #tpu.memory_space<vmem_shared>>) target(%arg17 : memref<320xf32, #tpu.memory_space<vmem>>) target_semaphore(%run_scoped3A_102 : memref<!tpu.dma_semaphore, #tpu.memory_space<semaphore_mem>>)
        %dma_wait3A_104 = tpu.memref_slice %arg14[%mul3A_94] : memref<10240xf32, #tpu.memory_space<vmem_shared>> -> memref<320xf32, #tpu.memory_space<vmem_shared>>
        %dma_wait3A_105 = tpu.memref_slice %arg14[%mul3A_94] : memref<10240xf32, #tpu.memory_space<vmem_shared>> -> memref<320xf32, #tpu.memory_space<vmem_shared>>
        tpu.wait_dma2 semaphore(%run_scoped3A_102 : memref<!tpu.dma_semaphore, #tpu.memory_space<semaphore_mem>>) src(%dma_wait3A_105 : memref<320xf32, #tpu.memory_space<vmem_shared>>) dst(%arg17 : memref<320xf32, #tpu.memory_space<vmem>>)
        tpu.yield
      }) : () -> ()
      %scan3A_95 = arith.constant 0 : i32
      %scan3A_96 = arith.constant 20 : i32
      %scan3A_97 = arith.addi %scan3A_95, %scan3A_96 : i32
      %scan3A_98 = arith.constant 1 : i32
      scf.for %scan3A_102 = %scan3A_95 to %scan3A_97 step %scan3A_98  : i32 {
        %mul3A_103 = arith.constant 16 : i32
        %mul3A_104 = arith.muli %scan3A_102, %mul3A_103 : i32
        %multiple_of3A = tpu.assume_multiple %mul3A_104, 16 : i32
        %get3A = arith.index_cast %multiple_of3A : i32 to index
        %get3A_105 = tpu.vector_load %arg15[%get3A] {strides = array<i32>} : memref<320xf32, #tpu.memory_space<vmem>>, vector<16xf32>,
        %get3A_106 = vector.shape_cast %get3A_105 : vector<16xf32> to vector<16xf32>
        %get3A_107 = arith.index_cast %multiple_of3A : i32 to index
        %get3A_108 = tpu.vector_load %arg16[%get3A_107] {strides = array<i32>} : memref<320xf32, #tpu.memory_space<vmem>>, vector<16xf32>,
        %get3A_109 = vector.shape_cast %get3A_108 : vector<16xf32> to vector<16xf32>
        %get3A_110 = arith.index_cast %multiple_of3A : i32 to index
        %get3A_111 = tpu.vector_load %arg17[%get3A_110] {strides = array<i32>} : memref<320xf32, #tpu.memory_space<vmem>>, vector<16xf32>,
        %get3A_112 = vector.shape_cast %get3A_111 : vector<16xf32> to vector<16xf32>
        %add3A_113 = arith.addf %get3A_106, %get3A_112 : vector<16xf32>
        %mul3A_114 = arith.mulf %add3A_113, %get3A_109 : vector<16xf32>
        %get3A_115 = arith.constant 0 : index
        %get3A_116 = tpu.vector_load %arg19[%get3A_115] {strides = array<i32>} : memref<16xf32, #tpu.memory_space<vmem>>, vector<16xf32>,
        %get3A_117 = vector.shape_cast %get3A_116 : vector<16xf32> to vector<16xf32>
        %add3A_118 = arith.addf %mul3A_114, %get3A_117 : vector<16xf32>
        %swap3A = arith.index_cast %multiple_of3A : i32 to index
        %swap3A_119 = tpu.vector_load %arg18[%swap3A] {strides = array<i32>} : memref<320xf32, #tpu.memory_space<vmem>>, vector<16xf32>,
        %swap3A_120 = vector.shape_cast %swap3A_119 : vector<16xf32> to vector<16xf32>
        %swap3A_121 = vector.shape_cast %add3A_118 : vector<16xf32> to vector<16xf32>
        tpu.vector_store %arg18[%swap3A], %swap3A_121 {strides = array<i32>} : memref<320xf32, #tpu.memory_space<vmem>>, vector<16xf32>,
      }
      %scan3A_99 = arith.constant 20 : i32
      %mul3A_100 = arith.constant 320 : i32
      %mul3A_101 = arith.muli %add3A, %mul3A_100 : i32
      "tpu.region"() ({
        %run_scoped3A_102 = tpu.sem_alloc : memref<!tpu.dma_semaphore, #tpu.memory_space<semaphore_mem>>
        %dma_start3A = tpu.memref_slice %arg7[%mul3A_101] : memref<10000xf32, #tpu.memory_space<hbm>> -> memref<320xf32, #tpu.memory_space<hbm>>
        %dma_start3A_103 = tpu.memref_slice %arg7[%mul3A_101] : memref<10000xf32, #tpu.memory_space<hbm>> -> memref<320xf32, #tpu.memory_space<hbm>>
        tpu.enqueue_dma source(%arg18 : memref<320xf32, #tpu.memory_space<vmem>>) target(%dma_start3A_103 : memref<320xf32, #tpu.memory_space<hbm>>) target_semaphore(%run_scoped3A_102 : memref<!tpu.dma_semaphore, #tpu.memory_space<semaphore_mem>>)
        %dma_wait3A_104 = tpu.memref_slice %arg7[%mul3A_101] : memref<10000xf32, #tpu.memory_space<hbm>> -> memref<320xf32, #tpu.memory_space<hbm>>
        %dma_wait3A_105 = tpu.memref_slice %arg7[%mul3A_101] : memref<10000xf32, #tpu.memory_space<hbm>> -> memref<320xf32, #tpu.memory_space<hbm>>
        tpu.wait_dma2 semaphore(%run_scoped3A_102 : memref<!tpu.dma_semaphore, #tpu.memory_space<semaphore_mem>>) src(%arg18 : memref<320xf32, #tpu.memory_space<vmem>>) dst(%dma_wait3A_105 : memref<320xf32, #tpu.memory_space<hbm>>)
        tpu.yield
      }) : () -> ()
    } else {
    }
    %eq3A_86 = arith.constant 31 : i32
    %eq3A_87 = arith.cmpi eq, %add3A, %eq3A_86 : i32
    %convert_element_type3A_88 = arith.extui %eq3A_87 : i1 to i32
    %cond3A_89 = arith.constant 0 : i32
    %cond3A_90 = arith.cmpi ne, %convert_element_type3A_88, %cond3A_89 : i32
    scf.if %cond3A_90 {
      "tpu.region"() ({
        %run_scoped3A_96 = tpu.sem_alloc : memref<!tpu.dma_semaphore, #tpu.memory_space<semaphore_mem>>
        %dma_start3A = arith.constant 0 : i32
        %dma_start3A_97 = tpu.memref_slice %arg16[%dma_start3A] : memref<320xf32, #tpu.memory_space<vmem>> -> memref<80xf32, #tpu.memory_space<vmem>>
        %dma_start3A_98 = arith.constant 9920 : i32
        %dma_start3A_99 = tpu.memref_slice %arg4[%dma_start3A_98] : memref<10000xf32, #tpu.memory_space<hbm>> -> memref<80xf32, #tpu.memory_space<hbm>>
        %dma_start3A_100 = arith.constant 0 : i32
        %dma_start3A_101 = tpu.memref_slice %arg16[%dma_start3A_100] : memref<320xf32, #tpu.memory_space<vmem>> -> memref<80xf32, #tpu.memory_space<vmem>>
        %dma_start3A_102 = arith.constant 9920 : i32
        %dma_start3A_103 = tpu.memref_slice %arg4[%dma_start3A_102] : memref<10000xf32, #tpu.memory_space<hbm>> -> memref<80xf32, #tpu.memory_space<hbm>>
        tpu.enqueue_dma source(%dma_start3A_103 : memref<80xf32, #tpu.memory_space<hbm>>) target(%dma_start3A_101 : memref<80xf32, #tpu.memory_space<vmem>>) target_semaphore(%run_scoped3A_96 : memref<!tpu.dma_semaphore, #tpu.memory_space<semaphore_mem>>)
        %dma_wait3A_104 = arith.constant 0 : i32
        %dma_wait3A_105 = tpu.memref_slice %arg16[%dma_wait3A_104] : memref<320xf32, #tpu.memory_space<vmem>> -> memref<80xf32, #tpu.memory_space<vmem>>
        %dma_wait3A_106 = arith.constant 9920 : i32
        %dma_wait3A_107 = tpu.memref_slice %arg4[%dma_wait3A_106] : memref<10000xf32, #tpu.memory_space<hbm>> -> memref<80xf32, #tpu.memory_space<hbm>>
        %dma_wait3A_108 = arith.constant 0 : i32
        %dma_wait3A_109 = tpu.memref_slice %arg16[%dma_wait3A_108] : memref<320xf32, #tpu.memory_space<vmem>> -> memref<80xf32, #tpu.memory_space<vmem>>
        %dma_wait3A_110 = arith.constant 9920 : i32
        %dma_wait3A_111 = tpu.memref_slice %arg4[%dma_wait3A_110] : memref<10000xf32, #tpu.memory_space<hbm>> -> memref<80xf32, #tpu.memory_space<hbm>>
        tpu.wait_dma2 semaphore(%run_scoped3A_96 : memref<!tpu.dma_semaphore, #tpu.memory_space<semaphore_mem>>) src(%dma_wait3A_111 : memref<80xf32, #tpu.memory_space<hbm>>) dst(%dma_wait3A_109 : memref<80xf32, #tpu.memory_space<vmem>>)
        tpu.yield
      }) : () -> ()
      "tpu.region"() ({
        %run_scoped3A_96 = tpu.sem_alloc : memref<!tpu.dma_semaphore, #tpu.memory_space<semaphore_mem>>
        %dma_start3A = arith.constant 0 : i32
        %dma_start3A_97 = tpu.memref_slice %arg17[%dma_start3A] : memref<320xf32, #tpu.memory_space<vmem>> -> memref<80xf32, #tpu.memory_space<vmem>>
        %dma_start3A_98 = arith.constant 9920 : i32
        %dma_start3A_99 = tpu.memref_slice %arg14[%dma_start3A_98] : memref<10240xf32, #tpu.memory_space<vmem_shared>> -> memref<80xf32, #tpu.memory_space<vmem_shared>>
        %dma_start3A_100 = arith.constant 0 : i32
        %dma_start3A_101 = tpu.memref_slice %arg17[%dma_start3A_100] : memref<320xf32, #tpu.memory_space<vmem>> -> memref<80xf32, #tpu.memory_space<vmem>>
        %dma_start3A_102 = arith.constant 9920 : i32
        %dma_start3A_103 = tpu.memref_slice %arg14[%dma_start3A_102] : memref<10240xf32, #tpu.memory_space<vmem_shared>> -> memref<80xf32, #tpu.memory_space<vmem_shared>>
        tpu.enqueue_dma source(%dma_start3A_103 : memref<80xf32, #tpu.memory_space<vmem_shared>>) target(%dma_start3A_101 : memref<80xf32, #tpu.memory_space<vmem>>) target_semaphore(%run_scoped3A_96 : memref<!tpu.dma_semaphore, #tpu.memory_space<semaphore_mem>>)
        %dma_wait3A_104 = arith.constant 0 : i32
        %dma_wait3A_105 = tpu.memref_slice %arg17[%dma_wait3A_104] : memref<320xf32, #tpu.memory_space<vmem>> -> memref<80xf32, #tpu.memory_space<vmem>>
        %dma_wait3A_106 = arith.constant 9920 : i32
        %dma_wait3A_107 = tpu.memref_slice %arg14[%dma_wait3A_106] : memref<10240xf32, #tpu.memory_space<vmem_shared>> -> memref<80xf32, #tpu.memory_space<vmem_shared>>
        %dma_wait3A_108 = arith.constant 0 : i32
        %dma_wait3A_109 = tpu.memref_slice %arg17[%dma_wait3A_108] : memref<320xf32, #tpu.memory_space<vmem>> -> memref<80xf32, #tpu.memory_space<vmem>>
        %dma_wait3A_110 = arith.constant 9920 : i32
        %dma_wait3A_111 = tpu.memref_slice %arg14[%dma_wait3A_110] : memref<10240xf32, #tpu.memory_space<vmem_shared>> -> memref<80xf32, #tpu.memory_space<vmem_shared>>
        tpu.wait_dma2 semaphore(%run_scoped3A_96 : memref<!tpu.dma_semaphore, #tpu.memory_space<semaphore_mem>>) src(%dma_wait3A_111 : memref<80xf32, #tpu.memory_space<vmem_shared>>) dst(%dma_wait3A_109 : memref<80xf32, #tpu.memory_space<vmem>>)
        tpu.yield
      }) : () -> ()
      %scan3A_91 = arith.constant 0 : i32
      %scan3A_92 = arith.constant 5 : i32
      %scan3A_93 = arith.addi %scan3A_91, %scan3A_92 : i32
      %scan3A_94 = arith.constant 1 : i32
      scf.for %scan3A_96 = %scan3A_91 to %scan3A_93 step %scan3A_94  : i32 {
        %mul3A_97 = arith.constant 16 : i32
        %mul3A_98 = arith.muli %scan3A_96, %mul3A_97 : i32
        %multiple_of3A = tpu.assume_multiple %mul3A_98, 16 : i32
        %get3A = arith.index_cast %multiple_of3A : i32 to index
        %get3A_99 = tpu.vector_load %arg15[%get3A] {strides = array<i32>} : memref<320xf32, #tpu.memory_space<vmem>>, vector<16xf32>,
        %get3A_100 = vector.shape_cast %get3A_99 : vector<16xf32> to vector<16xf32>
        %get3A_101 = arith.index_cast %multiple_of3A : i32 to index
        %get3A_102 = tpu.vector_load %arg16[%get3A_101] {strides = array<i32>} : memref<320xf32, #tpu.memory_space<vmem>>, vector<16xf32>,
        %get3A_103 = vector.shape_cast %get3A_102 : vector<16xf32> to vector<16xf32>
        %get3A_104 = arith.index_cast %multiple_of3A : i32 to index
        %get3A_105 = tpu.vector_load %arg17[%get3A_104] {strides = array<i32>} : memref<320xf32, #tpu.memory_space<vmem>>, vector<16xf32>,
        %get3A_106 = vector.shape_cast %get3A_105 : vector<16xf32> to vector<16xf32>
        %add3A_107 = arith.addf %get3A_100, %get3A_106 : vector<16xf32>
        %mul3A_108 = arith.mulf %add3A_107, %get3A_103 : vector<16xf32>
        %get3A_109 = arith.constant 0 : index
        %get3A_110 = tpu.vector_load %arg19[%get3A_109] {strides = array<i32>} : memref<16xf32, #tpu.memory_space<vmem>>, vector<16xf32>,
        %get3A_111 = vector.shape_cast %get3A_110 : vector<16xf32> to vector<16xf32>
        %add3A_112 = arith.addf %mul3A_108, %get3A_111 : vector<16xf32>
        %swap3A = arith.index_cast %multiple_of3A : i32 to index
        %swap3A_113 = tpu.vector_load %arg18[%swap3A] {strides = array<i32>} : memref<320xf32, #tpu.memory_space<vmem>>, vector<16xf32>,
        %swap3A_114 = vector.shape_cast %swap3A_113 : vector<16xf32> to vector<16xf32>
        %swap3A_115 = vector.shape_cast %add3A_112 : vector<16xf32> to vector<16xf32>
        tpu.vector_store %arg18[%swap3A], %swap3A_115 {strides = array<i32>} : memref<320xf32, #tpu.memory_space<vmem>>, vector<16xf32>,
      }
      %scan3A_95 = arith.constant 5 : i32
      "tpu.region"() ({
        %run_scoped3A_96 = tpu.sem_alloc : memref<!tpu.dma_semaphore, #tpu.memory_space<semaphore_mem>>
        %dma_start3A = arith.constant 0 : i32
        %dma_start3A_97 = tpu.memref_slice %arg18[%dma_start3A] : memref<320xf32, #tpu.memory_space<vmem>> -> memref<80xf32, #tpu.memory_space<vmem>>
        %dma_start3A_98 = arith.constant 9920 : i32
        %dma_start3A_99 = tpu.memref_slice %arg7[%dma_start3A_98] : memref<10000xf32, #tpu.memory_space<hbm>> -> memref<80xf32, #tpu.memory_space<hbm>>
        %dma_start3A_100 = arith.constant 9920 : i32
        %dma_start3A_101 = tpu.memref_slice %arg7[%dma_start3A_100] : memref<10000xf32, #tpu.memory_space<hbm>> -> memref<80xf32, #tpu.memory_space<hbm>>
        %dma_start3A_102 = arith.constant 0 : i32
        %dma_start3A_103 = tpu.memref_slice %arg18[%dma_start3A_102] : memref<320xf32, #tpu.memory_space<vmem>> -> memref<80xf32, #tpu.memory_space<vmem>>
        tpu.enqueue_dma source(%dma_start3A_103 : memref<80xf32, #tpu.memory_space<vmem>>) target(%dma_start3A_101 : memref<80xf32, #tpu.memory_space<hbm>>) target_semaphore(%run_scoped3A_96 : memref<!tpu.dma_semaphore, #tpu.memory_space<semaphore_mem>>)
        %dma_wait3A_104 = arith.constant 0 : i32
        %dma_wait3A_105 = tpu.memref_slice %arg18[%dma_wait3A_104] : memref<320xf32, #tpu.memory_space<vmem>> -> memref<80xf32, #tpu.memory_space<vmem>>
        %dma_wait3A_106 = arith.constant 9920 : i32
        %dma_wait3A_107 = tpu.memref_slice %arg7[%dma_wait3A_106] : memref<10000xf32, #tpu.memory_space<hbm>> -> memref<80xf32, #tpu.memory_space<hbm>>
        %dma_wait3A_108 = arith.constant 9920 : i32
        %dma_wait3A_109 = tpu.memref_slice %arg7[%dma_wait3A_108] : memref<10000xf32, #tpu.memory_space<hbm>> -> memref<80xf32, #tpu.memory_space<hbm>>
        %dma_wait3A_110 = arith.constant 0 : i32
        %dma_wait3A_111 = tpu.memref_slice %arg18[%dma_wait3A_110] : memref<320xf32, #tpu.memory_space<vmem>> -> memref<80xf32, #tpu.memory_space<vmem>>
        tpu.wait_dma2 semaphore(%run_scoped3A_96 : memref<!tpu.dma_semaphore, #tpu.memory_space<semaphore_mem>>) src(%dma_wait3A_111 : memref<80xf32, #tpu.memory_space<vmem>>) dst(%dma_wait3A_109 : memref<80xf32, #tpu.memory_space<hbm>>)
        tpu.yield
      }) : () -> ()
    } else {
    }
    return
  }
}

#map = affine_map<(d0, d1) -> (0, 0, 0, 0)>
#map1 = affine_map<(d0, d1) -> (0)>
module attributes {stable_mosaic.version = 14 : i64} {
  func.func @_deg_kernel(%arg0: i32, %arg1: i32, %arg2: memref<2x16x250x80xi32, #tpu.memory_space<hbm>>, %arg3: memref<640xf32, #tpu.memory_space<hbm>>, %arg4: memref<80xf32, #tpu.memory_space<hbm>>, %arg5: memref<10240xf32, #tpu.memory_space<hbm>>, %arg6: memref<250x80xi32, #tpu.memory_space<vmem>>, %arg7: memref<80xf32, #tpu.memory_space<vmem>>, %arg8: memref<!tpu.dma_semaphore, #tpu.memory_space<semaphore_mem>>, %arg9: memref<10240xf32, #tpu.memory_space<vmem_shared>>) attributes {dimension_semantics = [#tpu.dimension_semantics<core_parallel>, #tpu.dimension_semantics<subcore_parallel>], iteration_bounds = array<i64: 2, 16>, scalar_prefetch = 0 : i64, scratch_operands = 4 : i64, tpu.core_type = #tpu.core_type<sc_vector_subcore>, window_params = [{transform_indices = #map}, {transform_indices = #map1}, {transform_indices = #map1}, {transform_indices = #map1}]} {
    %mul3A = arith.constant 2 : i32
    %mul3A_0 = arith.muli %arg1, %mul3A : i32
    %add3A = arith.addi %mul3A_0, %arg0 : i32
    %mul3A_1 = arith.constant 640 : i32
    %mul3A_2 = arith.muli %arg1, %mul3A_1 : i32
    "tpu.region"() ({
      %run_scoped3A_17 = tpu.sem_alloc : memref<!tpu.dma_semaphore, #tpu.memory_space<semaphore_mem>>
      %dma_start3A = tpu.memref_slice %arg9[%mul3A_2] : memref<10240xf32, #tpu.memory_space<vmem_shared>> -> memref<640xf32, #tpu.memory_space<vmem_shared>>
      tpu.enqueue_dma source(%arg3 : memref<640xf32, #tpu.memory_space<hbm>>) target(%dma_start3A : memref<640xf32, #tpu.memory_space<vmem_shared>>) target_semaphore(%run_scoped3A_17 : memref<!tpu.dma_semaphore, #tpu.memory_space<semaphore_mem>>)
      %dma_wait3A = tpu.memref_slice %arg9[%mul3A_2] : memref<10240xf32, #tpu.memory_space<vmem_shared>> -> memref<640xf32, #tpu.memory_space<vmem_shared>>
      tpu.wait_dma2 semaphore(%run_scoped3A_17 : memref<!tpu.dma_semaphore, #tpu.memory_space<semaphore_mem>>) src(%arg3 : memref<640xf32, #tpu.memory_space<hbm>>) dst(%dma_wait3A : memref<640xf32, #tpu.memory_space<vmem_shared>>)
      tpu.yield
    }) : () -> ()
    "tpu.region"() ({
      %run_scoped3A_17 = tpu.sem_alloc : memref<!tpu.dma_semaphore, #tpu.memory_space<semaphore_mem>>
      tpu.enqueue_dma source(%arg4 : memref<80xf32, #tpu.memory_space<hbm>>) target(%arg7 : memref<80xf32, #tpu.memory_space<vmem>>) target_semaphore(%run_scoped3A_17 : memref<!tpu.dma_semaphore, #tpu.memory_space<semaphore_mem>>)
      tpu.wait_dma2 semaphore(%run_scoped3A_17 : memref<!tpu.dma_semaphore, #tpu.memory_space<semaphore_mem>>) src(%arg4 : memref<80xf32, #tpu.memory_space<hbm>>) dst(%arg7 : memref<80xf32, #tpu.memory_space<vmem>>)
      tpu.yield
    }) : () -> ()
    %run_scoped3A = arith.constant 1 : i32
    "tpu.region"() ({
      %run_scoped3A_17 = tpu.sem_alloc : memref<!tpu.dma_semaphore, #tpu.memory_space<semaphore_mem>>
      %dma_start3A = arith.constant 0 : i32
      %dma_start3A_18 = arith.constant 0 : i32
      %dma_start3A_19 = tpu.memref_slice %arg2[%run_scoped3A, %arg1, %dma_start3A, %dma_start3A_18] : memref<2x16x250x80xi32, #tpu.memory_space<hbm>> -> memref<1x1x250x80xi32, #tpu.memory_space<hbm>>
      %dma_start3A_20 = tpu.memref_squeeze %dma_start3A_19 : memref<1x1x250x80xi32, #tpu.memory_space<hbm>> -> memref<250x80xi32, #tpu.memory_space<hbm>>
      %dma_start3A_21 = arith.constant 0 : i32
      %dma_start3A_22 = arith.constant 0 : i32
      %dma_start3A_23 = tpu.memref_slice %arg2[%run_scoped3A, %arg1, %dma_start3A_21, %dma_start3A_22] : memref<2x16x250x80xi32, #tpu.memory_space<hbm>> -> memref<1x1x250x80xi32, #tpu.memory_space<hbm>>
      %dma_start3A_24 = tpu.memref_squeeze %dma_start3A_23 : memref<1x1x250x80xi32, #tpu.memory_space<hbm>> -> memref<250x80xi32, #tpu.memory_space<hbm>>
      tpu.enqueue_dma source(%dma_start3A_24 : memref<250x80xi32, #tpu.memory_space<hbm>>) target(%arg6 : memref<250x80xi32, #tpu.memory_space<vmem>>) target_semaphore(%run_scoped3A_17 : memref<!tpu.dma_semaphore, #tpu.memory_space<semaphore_mem>>)
      %dma_wait3A = arith.constant 0 : i32
      %dma_wait3A_25 = arith.constant 0 : i32
      %dma_wait3A_26 = tpu.memref_slice %arg2[%run_scoped3A, %arg1, %dma_wait3A, %dma_wait3A_25] : memref<2x16x250x80xi32, #tpu.memory_space<hbm>> -> memref<1x1x250x80xi32, #tpu.memory_space<hbm>>
      %dma_wait3A_27 = tpu.memref_squeeze %dma_wait3A_26 : memref<1x1x250x80xi32, #tpu.memory_space<hbm>> -> memref<250x80xi32, #tpu.memory_space<hbm>>
      %dma_wait3A_28 = arith.constant 0 : i32
      %dma_wait3A_29 = arith.constant 0 : i32
      %dma_wait3A_30 = tpu.memref_slice %arg2[%run_scoped3A, %arg1, %dma_wait3A_28, %dma_wait3A_29] : memref<2x16x250x80xi32, #tpu.memory_space<hbm>> -> memref<1x1x250x80xi32, #tpu.memory_space<hbm>>
      %dma_wait3A_31 = tpu.memref_squeeze %dma_wait3A_30 : memref<1x1x250x80xi32, #tpu.memory_space<hbm>> -> memref<250x80xi32, #tpu.memory_space<hbm>>
      tpu.wait_dma2 semaphore(%run_scoped3A_17 : memref<!tpu.dma_semaphore, #tpu.memory_space<semaphore_mem>>) src(%dma_wait3A_31 : memref<250x80xi32, #tpu.memory_space<hbm>>) dst(%arg6 : memref<250x80xi32, #tpu.memory_space<vmem>>)
      tpu.yield
    }) : () -> ()
    %barrier3A = arith.constant 0 : index
    tpu.barrier barrier_id(%barrier3A)
    %scan3A = arith.constant 0 : i32
    %scan3A_3 = arith.constant 250 : i32
    %scan3A_4 = arith.addi %scan3A, %scan3A_3 : i32
    %scan3A_5 = arith.constant 1 : i32
    scf.for %scan3A_17 = %scan3A to %scan3A_4 step %scan3A_5  : i32 {
      %dma_start3A = arith.constant 0 : i32
      %dma_start3A_18 = tpu.memref_slice %arg6[%scan3A_17, %dma_start3A] : memref<250x80xi32, #tpu.memory_space<vmem>> -> memref<1x80xi32, #tpu.memory_space<vmem>>
      %dma_start3A_19 = tpu.memref_squeeze %dma_start3A_18 : memref<1x80xi32, #tpu.memory_space<vmem>> -> memref<80xi32, #tpu.memory_space<vmem>>
      %dma_start3A_20 = arith.constant 0 : i32
      %dma_start3A_21 = tpu.memref_slice %arg9[%dma_start3A_20] : memref<10240xf32, #tpu.memory_space<vmem_shared>> -> memref<10240xf32, #tpu.memory_space<vmem_shared>>
      tpu.enqueue_indirect_dma source(%arg7 : memref<80xf32, #tpu.memory_space<vmem>>) target(%dma_start3A_21 : memref<10240xf32, #tpu.memory_space<vmem_shared>>) offsets(%dma_start3A_19 : memref<80xi32, #tpu.memory_space<vmem>>) semaphore(%arg8 : memref<!tpu.dma_semaphore, #tpu.memory_space<semaphore_mem>>) {add = true}
    }
    %scan3A_6 = arith.constant 250 : i32
    %scan3A_7 = arith.constant 0 : i32
    %scan3A_8 = arith.constant 250 : i32
    %scan3A_9 = arith.addi %scan3A_7, %scan3A_8 : i32
    %scan3A_10 = arith.constant 1 : i32
    scf.for %scan3A_17 = %scan3A_7 to %scan3A_9 step %scan3A_10  : i32 {
      %dma_wait3A = arith.constant 0 : i32
      %dma_wait3A_18 = tpu.memref_slice %arg6[%scan3A_17, %dma_wait3A] : memref<250x80xi32, #tpu.memory_space<vmem>> -> memref<1x80xi32, #tpu.memory_space<vmem>>
      %dma_wait3A_19 = tpu.memref_squeeze %dma_wait3A_18 : memref<1x80xi32, #tpu.memory_space<vmem>> -> memref<80xi32, #tpu.memory_space<vmem>>
      %dma_wait3A_20 = arith.constant 0 : i32
      %dma_wait3A_21 = tpu.memref_slice %arg9[%dma_wait3A_20] : memref<10240xf32, #tpu.memory_space<vmem_shared>> -> memref<10240xf32, #tpu.memory_space<vmem_shared>>
      tpu.wait_indirect_dma semaphore(%arg8 : memref<!tpu.dma_semaphore, #tpu.memory_space<semaphore_mem>>) src(%arg7 : memref<80xf32, #tpu.memory_space<vmem>>) dst(%dma_wait3A_21 : memref<10240xf32, #tpu.memory_space<vmem_shared>>)
    }
    %scan3A_11 = arith.constant 250 : i32
    %barrier3A_12 = arith.constant 0 : index
    tpu.barrier barrier_id(%barrier3A_12)
    %mul3A_13 = arith.constant 320 : i32
    %mul3A_14 = arith.muli %add3A, %mul3A_13 : i32
    %mul3A_15 = arith.constant 320 : i32
    %mul3A_16 = arith.muli %add3A, %mul3A_15 : i32
    "tpu.region"() ({
      %run_scoped3A_17 = tpu.sem_alloc : memref<!tpu.dma_semaphore, #tpu.memory_space<semaphore_mem>>
      %dma_start3A = tpu.memref_slice %arg5[%mul3A_16] : memref<10240xf32, #tpu.memory_space<hbm>> -> memref<320xf32, #tpu.memory_space<hbm>>
      %dma_start3A_18 = tpu.memref_slice %arg9[%mul3A_14] : memref<10240xf32, #tpu.memory_space<vmem_shared>> -> memref<320xf32, #tpu.memory_space<vmem_shared>>
      tpu.enqueue_dma source(%dma_start3A_18 : memref<320xf32, #tpu.memory_space<vmem_shared>>) target(%dma_start3A : memref<320xf32, #tpu.memory_space<hbm>>) target_semaphore(%run_scoped3A_17 : memref<!tpu.dma_semaphore, #tpu.memory_space<semaphore_mem>>)
      %dma_wait3A = tpu.memref_slice %arg5[%mul3A_16] : memref<10240xf32, #tpu.memory_space<hbm>> -> memref<320xf32, #tpu.memory_space<hbm>>
      %dma_wait3A_19 = tpu.memref_slice %arg9[%mul3A_14] : memref<10240xf32, #tpu.memory_space<vmem_shared>> -> memref<320xf32, #tpu.memory_space<vmem_shared>>
      tpu.wait_dma2 semaphore(%run_scoped3A_17 : memref<!tpu.dma_semaphore, #tpu.memory_space<semaphore_mem>>) src(%dma_wait3A_19 : memref<320xf32, #tpu.memory_space<vmem_shared>>) dst(%dma_wait3A : memref<320xf32, #tpu.memory_space<hbm>>)
      tpu.yield
    }) : () -> ()
    return
  }
}

#map = affine_map<(d0, d1) -> (0, 0, 0, 0)>
#map1 = affine_map<(d0, d1) -> (0, 0)>
#map2 = affine_map<(d0, d1) -> (0, 0, 0)>
module attributes {stable_mosaic.version = 14 : i64} {
  func.func @_agg_rows_kernel(%arg0: i32, %arg1: i32, %arg2: memref<2x32x125x80xi32, #tpu.memory_space<hbm>>, %arg3: memref<10000x16xf32, #tpu.memory_space<hbm>>, %arg4: memref<640x16xf32, #tpu.memory_space<hbm>>, %arg5: memref<2x10240x16xf32, #tpu.memory_space<hbm>>, %arg6: memref<125x80xi32, #tpu.memory_space<vmem>>, %arg7: memref<125x80xi32, #tpu.memory_space<vmem>>, %arg8: memref<5x80x16xf32, #tpu.memory_space<vmem>>, %arg9: memref<5x!tpu.dma_semaphore, #tpu.memory_space<semaphore_mem>>, %arg10: memref<5x!tpu.dma_semaphore, #tpu.memory_space<semaphore_mem>>, %arg11: memref<10240x16xf32, #tpu.memory_space<vmem_shared>>, %arg12: memref<10240x16xf32, #tpu.memory_space<vmem_shared>>) attributes {dimension_semantics = [#tpu.dimension_semantics<core_parallel>, #tpu.dimension_semantics<subcore_parallel>], iteration_bounds = array<i64: 2, 16>, scalar_prefetch = 0 : i64, scratch_operands = 7 : i64, tpu.core_type = #tpu.core_type<sc_vector_subcore>, window_params = [{transform_indices = #map}, {transform_indices = #map1}, {transform_indices = #map1}, {transform_indices = #map2}]} {
    %mul3A = arith.constant 2 : i32
    %mul3A_0 = arith.muli %arg1, %mul3A : i32
    %add3A = arith.addi %mul3A_0, %arg0 : i32
    %mul3A_1 = arith.constant 640 : i32
    %mul3A_2 = arith.muli %arg1, %mul3A_1 : i32
    "tpu.region"() ({
      %run_scoped3A_93 = tpu.sem_alloc : memref<!tpu.dma_semaphore, #tpu.memory_space<semaphore_mem>>
      %dma_start3A = arith.constant 0 : i32
      %dma_start3A_94 = tpu.memref_slice %arg11[%mul3A_2, %dma_start3A] : memref<10240x16xf32, #tpu.memory_space<vmem_shared>> -> memref<640x16xf32, #tpu.memory_space<vmem_shared>>
      tpu.enqueue_dma source(%arg4 : memref<640x16xf32, #tpu.memory_space<hbm>>) target(%dma_start3A_94 : memref<640x16xf32, #tpu.memory_space<vmem_shared>>) target_semaphore(%run_scoped3A_93 : memref<!tpu.dma_semaphore, #tpu.memory_space<semaphore_mem>>)
      %dma_wait3A_95 = arith.constant 0 : i32
      %dma_wait3A_96 = tpu.memref_slice %arg11[%mul3A_2, %dma_wait3A_95] : memref<10240x16xf32, #tpu.memory_space<vmem_shared>> -> memref<640x16xf32, #tpu.memory_space<vmem_shared>>
      tpu.wait_dma2 semaphore(%run_scoped3A_93 : memref<!tpu.dma_semaphore, #tpu.memory_space<semaphore_mem>>) src(%arg4 : memref<640x16xf32, #tpu.memory_space<hbm>>) dst(%dma_wait3A_96 : memref<640x16xf32, #tpu.memory_space<vmem_shared>>)
      tpu.yield
    }) : () -> ()
    %run_scoped3A = arith.constant 0 : i32
    "tpu.region"() ({
      %run_scoped3A_93 = tpu.sem_alloc : memref<!tpu.dma_semaphore, #tpu.memory_space<semaphore_mem>>
      %dma_start3A = arith.constant 0 : i32
      %dma_start3A_94 = arith.constant 0 : i32
      %dma_start3A_95 = tpu.memref_slice %arg2[%run_scoped3A, %add3A, %dma_start3A, %dma_start3A_94] : memref<2x32x125x80xi32, #tpu.memory_space<hbm>> -> memref<1x1x125x80xi32, #tpu.memory_space<hbm>>
      %dma_start3A_96 = tpu.memref_squeeze %dma_start3A_95 : memref<1x1x125x80xi32, #tpu.memory_space<hbm>> -> memref<125x80xi32, #tpu.memory_space<hbm>>
      %dma_start3A_97 = arith.constant 0 : i32
      %dma_start3A_98 = arith.constant 0 : i32
      %dma_start3A_99 = tpu.memref_slice %arg2[%run_scoped3A, %add3A, %dma_start3A_97, %dma_start3A_98] : memref<2x32x125x80xi32, #tpu.memory_space<hbm>> -> memref<1x1x125x80xi32, #tpu.memory_space<hbm>>
      %dma_start3A_100 = tpu.memref_squeeze %dma_start3A_99 : memref<1x1x125x80xi32, #tpu.memory_space<hbm>> -> memref<125x80xi32, #tpu.memory_space<hbm>>
      tpu.enqueue_dma source(%dma_start3A_100 : memref<125x80xi32, #tpu.memory_space<hbm>>) target(%arg6 : memref<125x80xi32, #tpu.memory_space<vmem>>) target_semaphore(%run_scoped3A_93 : memref<!tpu.dma_semaphore, #tpu.memory_space<semaphore_mem>>)
      %dma_wait3A_101 = arith.constant 0 : i32
      %dma_wait3A_102 = arith.constant 0 : i32
      %dma_wait3A_103 = tpu.memref_slice %arg2[%run_scoped3A, %add3A, %dma_wait3A_101, %dma_wait3A_102] : memref<2x32x125x80xi32, #tpu.memory_space<hbm>> -> memref<1x1x125x80xi32, #tpu.memory_space<hbm>>
      %dma_wait3A_104 = tpu.memref_squeeze %dma_wait3A_103 : memref<1x1x125x80xi32, #tpu.memory_space<hbm>> -> memref<125x80xi32, #tpu.memory_space<hbm>>
      %dma_wait3A_105 = arith.constant 0 : i32
      %dma_wait3A_106 = arith.constant 0 : i32
      %dma_wait3A_107 = tpu.memref_slice %arg2[%run_scoped3A, %add3A, %dma_wait3A_105, %dma_wait3A_106] : memref<2x32x125x80xi32, #tpu.memory_space<hbm>> -> memref<1x1x125x80xi32, #tpu.memory_space<hbm>>
      %dma_wait3A_108 = tpu.memref_squeeze %dma_wait3A_107 : memref<1x1x125x80xi32, #tpu.memory_space<hbm>> -> memref<125x80xi32, #tpu.memory_space<hbm>>
      tpu.wait_dma2 semaphore(%run_scoped3A_93 : memref<!tpu.dma_semaphore, #tpu.memory_space<semaphore_mem>>) src(%dma_wait3A_108 : memref<125x80xi32, #tpu.memory_space<hbm>>) dst(%arg6 : memref<125x80xi32, #tpu.memory_space<vmem>>)
      tpu.yield
    }) : () -> ()
    %run_scoped3A_3 = arith.constant 1 : i32
    "tpu.region"() ({
      %run_scoped3A_93 = tpu.sem_alloc : memref<!tpu.dma_semaphore, #tpu.memory_space<semaphore_mem>>
      %dma_start3A = arith.constant 0 : i32
      %dma_start3A_94 = arith.constant 0 : i32
      %dma_start3A_95 = tpu.memref_slice %arg2[%run_scoped3A_3, %add3A, %dma_start3A, %dma_start3A_94] : memref<2x32x125x80xi32, #tpu.memory_space<hbm>> -> memref<1x1x125x80xi32, #tpu.memory_space<hbm>>
      %dma_start3A_96 = tpu.memref_squeeze %dma_start3A_95 : memref<1x1x125x80xi32, #tpu.memory_space<hbm>> -> memref<125x80xi32, #tpu.memory_space<hbm>>
      %dma_start3A_97 = arith.constant 0 : i32
      %dma_start3A_98 = arith.constant 0 : i32
      %dma_start3A_99 = tpu.memref_slice %arg2[%run_scoped3A_3, %add3A, %dma_start3A_97, %dma_start3A_98] : memref<2x32x125x80xi32, #tpu.memory_space<hbm>> -> memref<1x1x125x80xi32, #tpu.memory_space<hbm>>
      %dma_start3A_100 = tpu.memref_squeeze %dma_start3A_99 : memref<1x1x125x80xi32, #tpu.memory_space<hbm>> -> memref<125x80xi32, #tpu.memory_space<hbm>>
      tpu.enqueue_dma source(%dma_start3A_100 : memref<125x80xi32, #tpu.memory_space<hbm>>) target(%arg7 : memref<125x80xi32, #tpu.memory_space<vmem>>) target_semaphore(%run_scoped3A_93 : memref<!tpu.dma_semaphore, #tpu.memory_space<semaphore_mem>>)
      %dma_wait3A_101 = arith.constant 0 : i32
      %dma_wait3A_102 = arith.constant 0 : i32
      %dma_wait3A_103 = tpu.memref_slice %arg2[%run_scoped3A_3, %add3A, %dma_wait3A_101, %dma_wait3A_102] : memref<2x32x125x80xi32, #tpu.memory_space<hbm>> -> memref<1x1x125x80xi32, #tpu.memory_space<hbm>>
      %dma_wait3A_104 = tpu.memref_squeeze %dma_wait3A_103 : memref<1x1x125x80xi32, #tpu.memory_space<hbm>> -> memref<125x80xi32, #tpu.memory_space<hbm>>
      %dma_wait3A_105 = arith.constant 0 : i32
      %dma_wait3A_106 = arith.constant 0 : i32
      %dma_wait3A_107 = tpu.memref_slice %arg2[%run_scoped3A_3, %add3A, %dma_wait3A_105, %dma_wait3A_106] : memref<2x32x125x80xi32, #tpu.memory_space<hbm>> -> memref<1x1x125x80xi32, #tpu.memory_space<hbm>>
      %dma_wait3A_108 = tpu.memref_squeeze %dma_wait3A_107 : memref<1x1x125x80xi32, #tpu.memory_space<hbm>> -> memref<125x80xi32, #tpu.memory_space<hbm>>
      tpu.wait_dma2 semaphore(%run_scoped3A_93 : memref<!tpu.dma_semaphore, #tpu.memory_space<semaphore_mem>>) src(%dma_wait3A_108 : memref<125x80xi32, #tpu.memory_space<hbm>>) dst(%arg7 : memref<125x80xi32, #tpu.memory_space<vmem>>)
      tpu.yield
    }) : () -> ()
    %lt3A = arith.constant 15 : i32
    %lt3A_4 = arith.cmpi slt, %arg1, %lt3A : i32
    %convert_element_type3A = arith.extui %lt3A_4 : i1 to i32
    %cond3A = arith.constant 0 : i32
    %cond3A_5 = arith.cmpi ne, %convert_element_type3A, %cond3A : i32
    scf.if %cond3A_5 {
      %mul3A_93 = arith.constant 640 : i32
      %mul3A_94 = arith.muli %arg1, %mul3A_93 : i32
      %mul3A_95 = arith.constant 640 : i32
      %mul3A_96 = arith.muli %arg1, %mul3A_95 : i32
      "tpu.region"() ({
        %run_scoped3A_97 = tpu.sem_alloc : memref<!tpu.dma_semaphore, #tpu.memory_space<semaphore_mem>>
        %dma_start3A = arith.constant 0 : i32
        %dma_start3A_98 = tpu.memref_slice %arg12[%mul3A_96, %dma_start3A] : memref<10240x16xf32, #tpu.memory_space<vmem_shared>> -> memref<640x16xf32, #tpu.memory_space<vmem_shared>>
        %dma_start3A_99 = arith.constant 0 : i32
        %dma_start3A_100 = tpu.memref_slice %arg3[%mul3A_94, %dma_start3A_99] : memref<10000x16xf32, #tpu.memory_space<hbm>> -> memref<640x16xf32, #tpu.memory_space<hbm>>
        tpu.enqueue_dma source(%dma_start3A_100 : memref<640x16xf32, #tpu.memory_space<hbm>>) target(%dma_start3A_98 : memref<640x16xf32, #tpu.memory_space<vmem_shared>>) target_semaphore(%run_scoped3A_97 : memref<!tpu.dma_semaphore, #tpu.memory_space<semaphore_mem>>)
        %dma_wait3A_101 = arith.constant 0 : i32
        %dma_wait3A_102 = tpu.memref_slice %arg12[%mul3A_96, %dma_wait3A_101] : memref<10240x16xf32, #tpu.memory_space<vmem_shared>> -> memref<640x16xf32, #tpu.memory_space<vmem_shared>>
        %dma_wait3A_103 = arith.constant 0 : i32
        %dma_wait3A_104 = tpu.memref_slice %arg3[%mul3A_94, %dma_wait3A_103] : memref<10000x16xf32, #tpu.memory_space<hbm>> -> memref<640x16xf32, #tpu.memory_space<hbm>>
        tpu.wait_dma2 semaphore(%run_scoped3A_97 : memref<!tpu.dma_semaphore, #tpu.memory_space<semaphore_mem>>) src(%dma_wait3A_104 : memref<640x16xf32, #tpu.memory_space<hbm>>) dst(%dma_wait3A_102 : memref<640x16xf32, #tpu.memory_space<vmem_shared>>)
        tpu.yield
      }) : () -> ()
    } else {
    }
    %eq3A = arith.constant 15 : i32
    %eq3A_6 = arith.cmpi eq, %arg1, %eq3A : i32
    %convert_element_type3A_7 = arith.extui %eq3A_6 : i1 to i32
    %cond3A_8 = arith.constant 0 : i32
    %cond3A_9 = arith.cmpi ne, %convert_element_type3A_7, %cond3A_8 : i32
    scf.if %cond3A_9 {
      "tpu.region"() ({
        %run_scoped3A_93 = tpu.sem_alloc : memref<!tpu.dma_semaphore, #tpu.memory_space<semaphore_mem>>
        %dma_start3A = arith.constant 9600 : i32
        %dma_start3A_94 = arith.constant 0 : i32
        %dma_start3A_95 = tpu.memref_slice %arg12[%dma_start3A, %dma_start3A_94] : memref<10240x16xf32, #tpu.memory_space<vmem_shared>> -> memref<400x16xf32, #tpu.memory_space<vmem_shared>>
        %dma_start3A_96 = arith.constant 9600 : i32
        %dma_start3A_97 = arith.constant 0 : i32
        %dma_start3A_98 = tpu.memref_slice %arg3[%dma_start3A_96, %dma_start3A_97] : memref<10000x16xf32, #tpu.memory_space<hbm>> -> memref<400x16xf32, #tpu.memory_space<hbm>>
        tpu.enqueue_dma source(%dma_start3A_98 : memref<400x16xf32, #tpu.memory_space<hbm>>) target(%dma_start3A_95 : memref<400x16xf32, #tpu.memory_space<vmem_shared>>) target_semaphore(%run_scoped3A_93 : memref<!tpu.dma_semaphore, #tpu.memory_space<semaphore_mem>>)
        %dma_wait3A_99 = arith.constant 9600 : i32
        %dma_wait3A_100 = arith.constant 0 : i32
        %dma_wait3A_101 = tpu.memref_slice %arg12[%dma_wait3A_99, %dma_wait3A_100] : memref<10240x16xf32, #tpu.memory_space<vmem_shared>> -> memref<400x16xf32, #tpu.memory_space<vmem_shared>>
        %dma_wait3A_102 = arith.constant 9600 : i32
        %dma_wait3A_103 = arith.constant 0 : i32
        %dma_wait3A_104 = tpu.memref_slice %arg3[%dma_wait3A_102, %dma_wait3A_103] : memref<10000x16xf32, #tpu.memory_space<hbm>> -> memref<400x16xf32, #tpu.memory_space<hbm>>
        tpu.wait_dma2 semaphore(%run_scoped3A_93 : memref<!tpu.dma_semaphore, #tpu.memory_space<semaphore_mem>>) src(%dma_wait3A_104 : memref<400x16xf32, #tpu.memory_space<hbm>>) dst(%dma_wait3A_101 : memref<400x16xf32, #tpu.memory_space<vmem_shared>>)
        tpu.yield
      }) : () -> ()
    } else {
    }
    %barrier3A = arith.constant 0 : index
    tpu.barrier barrier_id(%barrier3A)
    %scan3A = arith.constant 0 : i32
    %scan3A_10 = arith.constant 25 : i32
    %scan3A_11 = arith.addi %scan3A, %scan3A_10 : i32
    %scan3A_12 = arith.constant 1 : i32
    scf.for %scan3A_93 = %scan3A to %scan3A_11 step %scan3A_12  : i32 {
      %mul3A_94 = arith.constant 5 : i32
      %mul3A_95 = arith.muli %scan3A_93, %mul3A_94 : i32
      %gt3A = arith.constant 0 : i32
      %gt3A_96 = arith.cmpi sgt, %scan3A_93, %gt3A : i32
      %convert_element_type3A_97 = arith.extui %gt3A_96 : i1 to i32
      %cond3A_98 = arith.constant 0 : i32
      %cond3A_99 = arith.cmpi ne, %convert_element_type3A_97, %cond3A_98 : i32
      scf.if %cond3A_99 {
        %sub3A = arith.constant 5 : i32
        %sub3A_359 = arith.subi %mul3A_95, %sub3A : i32
        %add3A_360 = arith.constant 0 : i32
        %add3A_361 = arith.addi %sub3A_359, %add3A_360 : i32
        %dma_wait3A_362 = arith.constant 0 : i32
        %dma_wait3A_363 = arith.constant 0 : i32
        %dma_wait3A_364 = arith.constant 0 : i32
        %dma_wait3A_365 = arith.constant 0 : i32
        %dma_wait3A_366 = tpu.memref_slice %arg8[%dma_wait3A_362, %dma_wait3A_364, %dma_wait3A_365] : memref<5x80x16xf32, #tpu.memory_space<vmem>> -> memref<1x80x16xf32, #tpu.memory_space<vmem>>
        %dma_wait3A_367 = tpu.memref_squeeze %dma_wait3A_366 : memref<1x80x16xf32, #tpu.memory_space<vmem>> -> memref<80x16xf32, #tpu.memory_space<vmem>>
        %dma_wait3A_368 = arith.constant 0 : i32
        %dma_wait3A_369 = tpu.memref_slice %arg7[%add3A_361, %dma_wait3A_368] : memref<125x80xi32, #tpu.memory_space<vmem>> -> memref<1x80xi32, #tpu.memory_space<vmem>>
        %dma_wait3A_370 = tpu.memref_squeeze %dma_wait3A_369 : memref<1x80xi32, #tpu.memory_space<vmem>> -> memref<80xi32, #tpu.memory_space<vmem>>
        %dma_wait3A_371 = arith.constant 0 : i32
        %dma_wait3A_372 = arith.constant 0 : i32
        %dma_wait3A_373 = tpu.memref_slice %arg11[%dma_wait3A_371, %dma_wait3A_372] : memref<10240x16xf32, #tpu.memory_space<vmem_shared>> -> memref<10240x16xf32, #tpu.memory_space<vmem_shared>>
        %dma_wait3A_374 = tpu.memref_slice %arg10[%dma_wait3A_363] : memref<5x!tpu.dma_semaphore, #tpu.memory_space<semaphore_mem>> -> memref<1x!tpu.dma_semaphore, #tpu.memory_space<semaphore_mem>>
        %dma_wait3A_375 = tpu.memref_squeeze %dma_wait3A_374 : memref<1x!tpu.dma_semaphore, #tpu.memory_space<semaphore_mem>> -> memref<!tpu.dma_semaphore, #tpu.memory_space<semaphore_mem>>
        tpu.wait_indirect_dma semaphore(%dma_wait3A_375 : memref<!tpu.dma_semaphore, #tpu.memory_space<semaphore_mem>>) src(%dma_wait3A_367 : memref<80x16xf32, #tpu.memory_space<vmem>>) dst(%dma_wait3A_373 : memref<10240x16xf32, #tpu.memory_space<vmem_shared>>)
      } else {
      }
      %add3A_100 = arith.constant 0 : i32
      %add3A_101 = arith.addi %mul3A_95, %add3A_100 : i32
      %dma_start3A = arith.constant 0 : i32
      %dma_start3A_102 = arith.constant 0 : i32
      %dma_start3A_103 = arith.constant 0 : i32
      %dma_start3A_104 = arith.constant 0 : i32
      %dma_start3A_105 = tpu.memref_slice %arg8[%dma_start3A, %dma_start3A_103, %dma_start3A_104] : memref<5x80x16xf32, #tpu.memory_space<vmem>> -> memref<1x80x16xf32, #tpu.memory_space<vmem>>
      %dma_start3A_106 = tpu.memref_squeeze %dma_start3A_105 : memref<1x80x16xf32, #tpu.memory_space<vmem>> -> memref<80x16xf32, #tpu.memory_space<vmem>>
      %dma_start3A_107 = arith.constant 0 : i32
      %dma_start3A_108 = tpu.memref_slice %arg6[%add3A_101, %dma_start3A_107] : memref<125x80xi32, #tpu.memory_space<vmem>> -> memref<1x80xi32, #tpu.memory_space<vmem>>
      %dma_start3A_109 = tpu.memref_squeeze %dma_start3A_108 : memref<1x80xi32, #tpu.memory_space<vmem>> -> memref<80xi32, #tpu.memory_space<vmem>>
      %dma_start3A_110 = arith.constant 0 : i32
      %dma_start3A_111 = arith.constant 0 : i32
      %dma_start3A_112 = tpu.memref_slice %arg12[%dma_start3A_110, %dma_start3A_111] : memref<10240x16xf32, #tpu.memory_space<vmem_shared>> -> memref<10240x16xf32, #tpu.memory_space<vmem_shared>>
      %dma_start3A_113 = tpu.memref_slice %arg9[%dma_start3A_102] : memref<5x!tpu.dma_semaphore, #tpu.memory_space<semaphore_mem>> -> memref<1x!tpu.dma_semaphore, #tpu.memory_space<semaphore_mem>>
      %dma_start3A_114 = tpu.memref_squeeze %dma_start3A_113 : memref<1x!tpu.dma_semaphore, #tpu.memory_space<semaphore_mem>> -> memref<!tpu.dma_semaphore, #tpu.memory_space<semaphore_mem>>
      tpu.enqueue_indirect_dma source(%dma_start3A_112 : memref<10240x16xf32, #tpu.memory_space<vmem_shared>>) target(%dma_start3A_106 : memref<80x16xf32, #tpu.memory_space<vmem>>) offsets(%dma_start3A_109 : memref<80xi32, #tpu.memory_space<vmem>>) semaphore(%dma_start3A_114 : memref<!tpu.dma_semaphore, #tpu.memory_space<semaphore_mem>>)
      %gt3A_115 = arith.constant 0 : i32
      %gt3A_116 = arith.cmpi sgt, %scan3A_93, %gt3A_115 : i32
      %convert_element_type3A_117 = arith.extui %gt3A_116 : i1 to i32
      %cond3A_118 = arith.constant 0 : i32
      %cond3A_119 = arith.cmpi ne, %convert_element_type3A_117, %cond3A_118 : i32
      scf.if %cond3A_119 {
        %sub3A = arith.constant 5 : i32
        %sub3A_359 = arith.subi %mul3A_95, %sub3A : i32
        %add3A_360 = arith.constant 1 : i32
        %add3A_361 = arith.addi %sub3A_359, %add3A_360 : i32
        %dma_wait3A_362 = arith.constant 1 : i32
        %dma_wait3A_363 = arith.constant 1 : i32
        %dma_wait3A_364 = arith.constant 0 : i32
        %dma_wait3A_365 = arith.constant 0 : i32
        %dma_wait3A_366 = tpu.memref_slice %arg8[%dma_wait3A_362, %dma_wait3A_364, %dma_wait3A_365] : memref<5x80x16xf32, #tpu.memory_space<vmem>> -> memref<1x80x16xf32, #tpu.memory_space<vmem>>
        %dma_wait3A_367 = tpu.memref_squeeze %dma_wait3A_366 : memref<1x80x16xf32, #tpu.memory_space<vmem>> -> memref<80x16xf32, #tpu.memory_space<vmem>>
        %dma_wait3A_368 = arith.constant 0 : i32
        %dma_wait3A_369 = tpu.memref_slice %arg7[%add3A_361, %dma_wait3A_368] : memref<125x80xi32, #tpu.memory_space<vmem>> -> memref<1x80xi32, #tpu.memory_space<vmem>>
        %dma_wait3A_370 = tpu.memref_squeeze %dma_wait3A_369 : memref<1x80xi32, #tpu.memory_space<vmem>> -> memref<80xi32, #tpu.memory_space<vmem>>
        %dma_wait3A_371 = arith.constant 0 : i32
        %dma_wait3A_372 = arith.constant 0 : i32
        %dma_wait3A_373 = tpu.memref_slice %arg11[%dma_wait3A_371, %dma_wait3A_372] : memref<10240x16xf32, #tpu.memory_space<vmem_shared>> -> memref<10240x16xf32, #tpu.memory_space<vmem_shared>>
        %dma_wait3A_374 = tpu.memref_slice %arg10[%dma_wait3A_363] : memref<5x!tpu.dma_semaphore, #tpu.memory_space<semaphore_mem>> -> memref<1x!tpu.dma_semaphore, #tpu.memory_space<semaphore_mem>>
        %dma_wait3A_375 = tpu.memref_squeeze %dma_wait3A_374 : memref<1x!tpu.dma_semaphore, #tpu.memory_space<semaphore_mem>> -> memref<!tpu.dma_semaphore, #tpu.memory_space<semaphore_mem>>
        tpu.wait_indirect_dma semaphore(%dma_wait3A_375 : memref<!tpu.dma_semaphore, #tpu.memory_space<semaphore_mem>>) src(%dma_wait3A_367 : memref<80x16xf32, #tpu.memory_space<vmem>>) dst(%dma_wait3A_373 : memref<10240x16xf32, #tpu.memory_space<vmem_shared>>)
      } else {
      }
      %add3A_120 = arith.constant 1 : i32
      %add3A_121 = arith.addi %mul3A_95, %add3A_120 : i32
      %dma_start3A_122 = arith.constant 1 : i32
      %dma_start3A_123 = arith.constant 1 : i32
      %dma_start3A_124 = arith.constant 0 : i32
      %dma_start3A_125 = arith.constant 0 : i32
      %dma_start3A_126 = tpu.memref_slice %arg8[%dma_start3A_122, %dma_start3A_124, %dma_start3A_125] : memref<5x80x16xf32, #tpu.memory_space<vmem>> -> memref<1x80x16xf32, #tpu.memory_space<vmem>>
      %dma_start3A_127 = tpu.memref_squeeze %dma_start3A_126 : memref<1x80x16xf32, #tpu.memory_space<vmem>> -> memref<80x16xf32, #tpu.memory_space<vmem>>
      %dma_start3A_128 = arith.constant 0 : i32
      %dma_start3A_129 = tpu.memref_slice %arg6[%add3A_121, %dma_start3A_128] : memref<125x80xi32, #tpu.memory_space<vmem>> -> memref<1x80xi32, #tpu.memory_space<vmem>>
      %dma_start3A_130 = tpu.memref_squeeze %dma_start3A_129 : memref<1x80xi32, #tpu.memory_space<vmem>> -> memref<80xi32, #tpu.memory_space<vmem>>
      %dma_start3A_131 = arith.constant 0 : i32
      %dma_start3A_132 = arith.constant 0 : i32
      %dma_start3A_133 = tpu.memref_slice %arg12[%dma_start3A_131, %dma_start3A_132] : memref<10240x16xf32, #tpu.memory_space<vmem_shared>> -> memref<10240x16xf32, #tpu.memory_space<vmem_shared>>
      %dma_start3A_134 = tpu.memref_slice %arg9[%dma_start3A_123] : memref<5x!tpu.dma_semaphore, #tpu.memory_space<semaphore_mem>> -> memref<1x!tpu.dma_semaphore, #tpu.memory_space<semaphore_mem>>
      %dma_start3A_135 = tpu.memref_squeeze %dma_start3A_134 : memref<1x!tpu.dma_semaphore, #tpu.memory_space<semaphore_mem>> -> memref<!tpu.dma_semaphore, #tpu.memory_space<semaphore_mem>>
      tpu.enqueue_indirect_dma source(%dma_start3A_133 : memref<10240x16xf32, #tpu.memory_space<vmem_shared>>) target(%dma_start3A_127 : memref<80x16xf32, #tpu.memory_space<vmem>>) offsets(%dma_start3A_130 : memref<80xi32, #tpu.memory_space<vmem>>) semaphore(%dma_start3A_135 : memref<!tpu.dma_semaphore, #tpu.memory_space<semaphore_mem>>)
      %gt3A_136 = arith.constant 0 : i32
      %gt3A_137 = arith.cmpi sgt, %scan3A_93, %gt3A_136 : i32
      %convert_element_type3A_138 = arith.extui %gt3A_137 : i1 to i32
      %cond3A_139 = arith.constant 0 : i32
      %cond3A_140 = arith.cmpi ne, %convert_element_type3A_138, %cond3A_139 : i32
      scf.if %cond3A_140 {
        %sub3A = arith.constant 5 : i32
        %sub3A_359 = arith.subi %mul3A_95, %sub3A : i32
        %add3A_360 = arith.constant 2 : i32
        %add3A_361 = arith.addi %sub3A_359, %add3A_360 : i32
        %dma_wait3A_362 = arith.constant 2 : i32
        %dma_wait3A_363 = arith.constant 2 : i32
        %dma_wait3A_364 = arith.constant 0 : i32
        %dma_wait3A_365 = arith.constant 0 : i32
        %dma_wait3A_366 = tpu.memref_slice %arg8[%dma_wait3A_362, %dma_wait3A_364, %dma_wait3A_365] : memref<5x80x16xf32, #tpu.memory_space<vmem>> -> memref<1x80x16xf32, #tpu.memory_space<vmem>>
        %dma_wait3A_367 = tpu.memref_squeeze %dma_wait3A_366 : memref<1x80x16xf32, #tpu.memory_space<vmem>> -> memref<80x16xf32, #tpu.memory_space<vmem>>
        %dma_wait3A_368 = arith.constant 0 : i32
        %dma_wait3A_369 = tpu.memref_slice %arg7[%add3A_361, %dma_wait3A_368] : memref<125x80xi32, #tpu.memory_space<vmem>> -> memref<1x80xi32, #tpu.memory_space<vmem>>
        %dma_wait3A_370 = tpu.memref_squeeze %dma_wait3A_369 : memref<1x80xi32, #tpu.memory_space<vmem>> -> memref<80xi32, #tpu.memory_space<vmem>>
        %dma_wait3A_371 = arith.constant 0 : i32
        %dma_wait3A_372 = arith.constant 0 : i32
        %dma_wait3A_373 = tpu.memref_slice %arg11[%dma_wait3A_371, %dma_wait3A_372] : memref<10240x16xf32, #tpu.memory_space<vmem_shared>> -> memref<10240x16xf32, #tpu.memory_space<vmem_shared>>
        %dma_wait3A_374 = tpu.memref_slice %arg10[%dma_wait3A_363] : memref<5x!tpu.dma_semaphore, #tpu.memory_space<semaphore_mem>> -> memref<1x!tpu.dma_semaphore, #tpu.memory_space<semaphore_mem>>
        %dma_wait3A_375 = tpu.memref_squeeze %dma_wait3A_374 : memref<1x!tpu.dma_semaphore, #tpu.memory_space<semaphore_mem>> -> memref<!tpu.dma_semaphore, #tpu.memory_space<semaphore_mem>>
        tpu.wait_indirect_dma semaphore(%dma_wait3A_375 : memref<!tpu.dma_semaphore, #tpu.memory_space<semaphore_mem>>) src(%dma_wait3A_367 : memref<80x16xf32, #tpu.memory_space<vmem>>) dst(%dma_wait3A_373 : memref<10240x16xf32, #tpu.memory_space<vmem_shared>>)
      } else {
      }
      %add3A_141 = arith.constant 2 : i32
      %add3A_142 = arith.addi %mul3A_95, %add3A_141 : i32
      %dma_start3A_143 = arith.constant 2 : i32
      %dma_start3A_144 = arith.constant 2 : i32
      %dma_start3A_145 = arith.constant 0 : i32
      %dma_start3A_146 = arith.constant 0 : i32
      %dma_start3A_147 = tpu.memref_slice %arg8[%dma_start3A_143, %dma_start3A_145, %dma_start3A_146] : memref<5x80x16xf32, #tpu.memory_space<vmem>> -> memref<1x80x16xf32, #tpu.memory_space<vmem>>
      %dma_start3A_148 = tpu.memref_squeeze %dma_start3A_147 : memref<1x80x16xf32, #tpu.memory_space<vmem>> -> memref<80x16xf32, #tpu.memory_space<vmem>>
      %dma_start3A_149 = arith.constant 0 : i32
      %dma_start3A_150 = tpu.memref_slice %arg6[%add3A_142, %dma_start3A_149] : memref<125x80xi32, #tpu.memory_space<vmem>> -> memref<1x80xi32, #tpu.memory_space<vmem>>
      %dma_start3A_151 = tpu.memref_squeeze %dma_start3A_150 : memref<1x80xi32, #tpu.memory_space<vmem>> -> memref<80xi32, #tpu.memory_space<vmem>>
      %dma_start3A_152 = arith.constant 0 : i32
      %dma_start3A_153 = arith.constant 0 : i32
      %dma_start3A_154 = tpu.memref_slice %arg12[%dma_start3A_152, %dma_start3A_153] : memref<10240x16xf32, #tpu.memory_space<vmem_shared>> -> memref<10240x16xf32, #tpu.memory_space<vmem_shared>>
      %dma_start3A_155 = tpu.memref_slice %arg9[%dma_start3A_144] : memref<5x!tpu.dma_semaphore, #tpu.memory_space<semaphore_mem>> -> memref<1x!tpu.dma_semaphore, #tpu.memory_space<semaphore_mem>>
      %dma_start3A_156 = tpu.memref_squeeze %dma_start3A_155 : memref<1x!tpu.dma_semaphore, #tpu.memory_space<semaphore_mem>> -> memref<!tpu.dma_semaphore, #tpu.memory_space<semaphore_mem>>
      tpu.enqueue_indirect_dma source(%dma_start3A_154 : memref<10240x16xf32, #tpu.memory_space<vmem_shared>>) target(%dma_start3A_148 : memref<80x16xf32, #tpu.memory_space<vmem>>) offsets(%dma_start3A_151 : memref<80xi32, #tpu.memory_space<vmem>>) semaphore(%dma_start3A_156 : memref<!tpu.dma_semaphore, #tpu.memory_space<semaphore_mem>>)
      %gt3A_157 = arith.constant 0 : i32
      %gt3A_158 = arith.cmpi sgt, %scan3A_93, %gt3A_157 : i32
      %convert_element_type3A_159 = arith.extui %gt3A_158 : i1 to i32
      %cond3A_160 = arith.constant 0 : i32
      %cond3A_161 = arith.cmpi ne, %convert_element_type3A_159, %cond3A_160 : i32
      scf.if %cond3A_161 {
        %sub3A = arith.constant 5 : i32
        %sub3A_359 = arith.subi %mul3A_95, %sub3A : i32
        %add3A_360 = arith.constant 3 : i32
        %add3A_361 = arith.addi %sub3A_359, %add3A_360 : i32
        %dma_wait3A_362 = arith.constant 3 : i32
        %dma_wait3A_363 = arith.constant 3 : i32
        %dma_wait3A_364 = arith.constant 0 : i32
        %dma_wait3A_365 = arith.constant 0 : i32
        %dma_wait3A_366 = tpu.memref_slice %arg8[%dma_wait3A_362, %dma_wait3A_364, %dma_wait3A_365] : memref<5x80x16xf32, #tpu.memory_space<vmem>> -> memref<1x80x16xf32, #tpu.memory_space<vmem>>
        %dma_wait3A_367 = tpu.memref_squeeze %dma_wait3A_366 : memref<1x80x16xf32, #tpu.memory_space<vmem>> -> memref<80x16xf32, #tpu.memory_space<vmem>>
        %dma_wait3A_368 = arith.constant 0 : i32
        %dma_wait3A_369 = tpu.memref_slice %arg7[%add3A_361, %dma_wait3A_368] : memref<125x80xi32, #tpu.memory_space<vmem>> -> memref<1x80xi32, #tpu.memory_space<vmem>>
        %dma_wait3A_370 = tpu.memref_squeeze %dma_wait3A_369 : memref<1x80xi32, #tpu.memory_space<vmem>> -> memref<80xi32, #tpu.memory_space<vmem>>
        %dma_wait3A_371 = arith.constant 0 : i32
        %dma_wait3A_372 = arith.constant 0 : i32
        %dma_wait3A_373 = tpu.memref_slice %arg11[%dma_wait3A_371, %dma_wait3A_372] : memref<10240x16xf32, #tpu.memory_space<vmem_shared>> -> memref<10240x16xf32, #tpu.memory_space<vmem_shared>>
        %dma_wait3A_374 = tpu.memref_slice %arg10[%dma_wait3A_363] : memref<5x!tpu.dma_semaphore, #tpu.memory_space<semaphore_mem>> -> memref<1x!tpu.dma_semaphore, #tpu.memory_space<semaphore_mem>>
        %dma_wait3A_375 = tpu.memref_squeeze %dma_wait3A_374 : memref<1x!tpu.dma_semaphore, #tpu.memory_space<semaphore_mem>> -> memref<!tpu.dma_semaphore, #tpu.memory_space<semaphore_mem>>
        tpu.wait_indirect_dma semaphore(%dma_wait3A_375 : memref<!tpu.dma_semaphore, #tpu.memory_space<semaphore_mem>>) src(%dma_wait3A_367 : memref<80x16xf32, #tpu.memory_space<vmem>>) dst(%dma_wait3A_373 : memref<10240x16xf32, #tpu.memory_space<vmem_shared>>)
      } else {
      }
      %add3A_162 = arith.constant 3 : i32
      %add3A_163 = arith.addi %mul3A_95, %add3A_162 : i32
      %dma_start3A_164 = arith.constant 3 : i32
      %dma_start3A_165 = arith.constant 3 : i32
      %dma_start3A_166 = arith.constant 0 : i32
      %dma_start3A_167 = arith.constant 0 : i32
      %dma_start3A_168 = tpu.memref_slice %arg8[%dma_start3A_164, %dma_start3A_166, %dma_start3A_167] : memref<5x80x16xf32, #tpu.memory_space<vmem>> -> memref<1x80x16xf32, #tpu.memory_space<vmem>>
      %dma_start3A_169 = tpu.memref_squeeze %dma_start3A_168 : memref<1x80x16xf32, #tpu.memory_space<vmem>> -> memref<80x16xf32, #tpu.memory_space<vmem>>
      %dma_start3A_170 = arith.constant 0 : i32
      %dma_start3A_171 = tpu.memref_slice %arg6[%add3A_163, %dma_start3A_170] : memref<125x80xi32, #tpu.memory_space<vmem>> -> memref<1x80xi32, #tpu.memory_space<vmem>>
      %dma_start3A_172 = tpu.memref_squeeze %dma_start3A_171 : memref<1x80xi32, #tpu.memory_space<vmem>> -> memref<80xi32, #tpu.memory_space<vmem>>
      %dma_start3A_173 = arith.constant 0 : i32
      %dma_start3A_174 = arith.constant 0 : i32
      %dma_start3A_175 = tpu.memref_slice %arg12[%dma_start3A_173, %dma_start3A_174] : memref<10240x16xf32, #tpu.memory_space<vmem_shared>> -> memref<10240x16xf32, #tpu.memory_space<vmem_shared>>
      %dma_start3A_176 = tpu.memref_slice %arg9[%dma_start3A_165] : memref<5x!tpu.dma_semaphore, #tpu.memory_space<semaphore_mem>> -> memref<1x!tpu.dma_semaphore, #tpu.memory_space<semaphore_mem>>
      %dma_start3A_177 = tpu.memref_squeeze %dma_start3A_176 : memref<1x!tpu.dma_semaphore, #tpu.memory_space<semaphore_mem>> -> memref<!tpu.dma_semaphore, #tpu.memory_space<semaphore_mem>>
      tpu.enqueue_indirect_dma source(%dma_start3A_175 : memref<10240x16xf32, #tpu.memory_space<vmem_shared>>) target(%dma_start3A_169 : memref<80x16xf32, #tpu.memory_space<vmem>>) offsets(%dma_start3A_172 : memref<80xi32, #tpu.memory_space<vmem>>) semaphore(%dma_start3A_177 : memref<!tpu.dma_semaphore, #tpu.memory_space<semaphore_mem>>)
      %gt3A_178 = arith.constant 0 : i32
      %gt3A_179 = arith.cmpi sgt, %scan3A_93, %gt3A_178 : i32
      %convert_element_type3A_180 = arith.extui %gt3A_179 : i1 to i32
      %cond3A_181 = arith.constant 0 : i32
      %cond3A_182 = arith.cmpi ne, %convert_element_type3A_180, %cond3A_181 : i32
      scf.if %cond3A_182 {
        %sub3A = arith.constant 5 : i32
        %sub3A_359 = arith.subi %mul3A_95, %sub3A : i32
        %add3A_360 = arith.constant 4 : i32
        %add3A_361 = arith.addi %sub3A_359, %add3A_360 : i32
        %dma_wait3A_362 = arith.constant 4 : i32
        %dma_wait3A_363 = arith.constant 4 : i32
        %dma_wait3A_364 = arith.constant 0 : i32
        %dma_wait3A_365 = arith.constant 0 : i32
        %dma_wait3A_366 = tpu.memref_slice %arg8[%dma_wait3A_362, %dma_wait3A_364, %dma_wait3A_365] : memref<5x80x16xf32, #tpu.memory_space<vmem>> -> memref<1x80x16xf32, #tpu.memory_space<vmem>>
        %dma_wait3A_367 = tpu.memref_squeeze %dma_wait3A_366 : memref<1x80x16xf32, #tpu.memory_space<vmem>> -> memref<80x16xf32, #tpu.memory_space<vmem>>
        %dma_wait3A_368 = arith.constant 0 : i32
        %dma_wait3A_369 = tpu.memref_slice %arg7[%add3A_361, %dma_wait3A_368] : memref<125x80xi32, #tpu.memory_space<vmem>> -> memref<1x80xi32, #tpu.memory_space<vmem>>
        %dma_wait3A_370 = tpu.memref_squeeze %dma_wait3A_369 : memref<1x80xi32, #tpu.memory_space<vmem>> -> memref<80xi32, #tpu.memory_space<vmem>>
        %dma_wait3A_371 = arith.constant 0 : i32
        %dma_wait3A_372 = arith.constant 0 : i32
        %dma_wait3A_373 = tpu.memref_slice %arg11[%dma_wait3A_371, %dma_wait3A_372] : memref<10240x16xf32, #tpu.memory_space<vmem_shared>> -> memref<10240x16xf32, #tpu.memory_space<vmem_shared>>
        %dma_wait3A_374 = tpu.memref_slice %arg10[%dma_wait3A_363] : memref<5x!tpu.dma_semaphore, #tpu.memory_space<semaphore_mem>> -> memref<1x!tpu.dma_semaphore, #tpu.memory_space<semaphore_mem>>
        %dma_wait3A_375 = tpu.memref_squeeze %dma_wait3A_374 : memref<1x!tpu.dma_semaphore, #tpu.memory_space<semaphore_mem>> -> memref<!tpu.dma_semaphore, #tpu.memory_space<semaphore_mem>>
        tpu.wait_indirect_dma semaphore(%dma_wait3A_375 : memref<!tpu.dma_semaphore, #tpu.memory_space<semaphore_mem>>) src(%dma_wait3A_367 : memref<80x16xf32, #tpu.memory_space<vmem>>) dst(%dma_wait3A_373 : memref<10240x16xf32, #tpu.memory_space<vmem_shared>>)
      } else {
      }
      %add3A_183 = arith.constant 4 : i32
      %add3A_184 = arith.addi %mul3A_95, %add3A_183 : i32
      %dma_start3A_185 = arith.constant 4 : i32
      %dma_start3A_186 = arith.constant 4 : i32
      %dma_start3A_187 = arith.constant 0 : i32
      %dma_start3A_188 = arith.constant 0 : i32
      %dma_start3A_189 = tpu.memref_slice %arg8[%dma_start3A_185, %dma_start3A_187, %dma_start3A_188] : memref<5x80x16xf32, #tpu.memory_space<vmem>> -> memref<1x80x16xf32, #tpu.memory_space<vmem>>
      %dma_start3A_190 = tpu.memref_squeeze %dma_start3A_189 : memref<1x80x16xf32, #tpu.memory_space<vmem>> -> memref<80x16xf32, #tpu.memory_space<vmem>>
      %dma_start3A_191 = arith.constant 0 : i32
      %dma_start3A_192 = tpu.memref_slice %arg6[%add3A_184, %dma_start3A_191] : memref<125x80xi32, #tpu.memory_space<vmem>> -> memref<1x80xi32, #tpu.memory_space<vmem>>
      %dma_start3A_193 = tpu.memref_squeeze %dma_start3A_192 : memref<1x80xi32, #tpu.memory_space<vmem>> -> memref<80xi32, #tpu.memory_space<vmem>>
      %dma_start3A_194 = arith.constant 0 : i32
      %dma_start3A_195 = arith.constant 0 : i32
      %dma_start3A_196 = tpu.memref_slice %arg12[%dma_start3A_194, %dma_start3A_195] : memref<10240x16xf32, #tpu.memory_space<vmem_shared>> -> memref<10240x16xf32, #tpu.memory_space<vmem_shared>>
      %dma_start3A_197 = tpu.memref_slice %arg9[%dma_start3A_186] : memref<5x!tpu.dma_semaphore, #tpu.memory_space<semaphore_mem>> -> memref<1x!tpu.dma_semaphore, #tpu.memory_space<semaphore_mem>>
      %dma_start3A_198 = tpu.memref_squeeze %dma_start3A_197 : memref<1x!tpu.dma_semaphore, #tpu.memory_space<semaphore_mem>> -> memref<!tpu.dma_semaphore, #tpu.memory_space<semaphore_mem>>
      tpu.enqueue_indirect_dma source(%dma_start3A_196 : memref<10240x16xf32, #tpu.memory_space<vmem_shared>>) target(%dma_start3A_190 : memref<80x16xf32, #tpu.memory_space<vmem>>) offsets(%dma_start3A_193 : memref<80xi32, #tpu.memory_space<vmem>>) semaphore(%dma_start3A_198 : memref<!tpu.dma_semaphore, #tpu.memory_space<semaphore_mem>>)
      %add3A_199 = arith.constant 0 : i32
      %add3A_200 = arith.addi %mul3A_95, %add3A_199 : i32
      %dma_wait3A_201 = arith.constant 0 : i32
      %dma_wait3A_202 = arith.constant 0 : i32
      %dma_wait3A_203 = arith.constant 0 : i32
      %dma_wait3A_204 = arith.constant 0 : i32
      %dma_wait3A_205 = tpu.memref_slice %arg8[%dma_wait3A_201, %dma_wait3A_203, %dma_wait3A_204] : memref<5x80x16xf32, #tpu.memory_space<vmem>> -> memref<1x80x16xf32, #tpu.memory_space<vmem>>
      %dma_wait3A_206 = tpu.memref_squeeze %dma_wait3A_205 : memref<1x80x16xf32, #tpu.memory_space<vmem>> -> memref<80x16xf32, #tpu.memory_space<vmem>>
      %dma_wait3A_207 = arith.constant 0 : i32
      %dma_wait3A_208 = tpu.memref_slice %arg6[%add3A_200, %dma_wait3A_207] : memref<125x80xi32, #tpu.memory_space<vmem>> -> memref<1x80xi32, #tpu.memory_space<vmem>>
      %dma_wait3A_209 = tpu.memref_squeeze %dma_wait3A_208 : memref<1x80xi32, #tpu.memory_space<vmem>> -> memref<80xi32, #tpu.memory_space<vmem>>
      %dma_wait3A_210 = arith.constant 0 : i32
      %dma_wait3A_211 = arith.constant 0 : i32
      %dma_wait3A_212 = tpu.memref_slice %arg12[%dma_wait3A_210, %dma_wait3A_211] : memref<10240x16xf32, #tpu.memory_space<vmem_shared>> -> memref<10240x16xf32, #tpu.memory_space<vmem_shared>>
      %dma_wait3A_213 = tpu.memref_slice %arg9[%dma_wait3A_202] : memref<5x!tpu.dma_semaphore, #tpu.memory_space<semaphore_mem>> -> memref<1x!tpu.dma_semaphore, #tpu.memory_space<semaphore_mem>>
      %dma_wait3A_214 = tpu.memref_squeeze %dma_wait3A_213 : memref<1x!tpu.dma_semaphore, #tpu.memory_space<semaphore_mem>> -> memref<!tpu.dma_semaphore, #tpu.memory_space<semaphore_mem>>
      tpu.wait_indirect_dma semaphore(%dma_wait3A_214 : memref<!tpu.dma_semaphore, #tpu.memory_space<semaphore_mem>>) src(%dma_wait3A_212 : memref<10240x16xf32, #tpu.memory_space<vmem_shared>>) dst(%dma_wait3A_206 : memref<80x16xf32, #tpu.memory_space<vmem>>)
      %add3A_215 = arith.constant 0 : i32
      %add3A_216 = arith.addi %mul3A_95, %add3A_215 : i32
      %dma_start3A_217 = arith.constant 0 : i32
      %dma_start3A_218 = arith.constant 0 : i32
      %dma_start3A_219 = arith.constant 0 : i32
      %dma_start3A_220 = arith.constant 0 : i32
      %dma_start3A_221 = tpu.memref_slice %arg8[%dma_start3A_217, %dma_start3A_219, %dma_start3A_220] : memref<5x80x16xf32, #tpu.memory_space<vmem>> -> memref<1x80x16xf32, #tpu.memory_space<vmem>>
      %dma_start3A_222 = tpu.memref_squeeze %dma_start3A_221 : memref<1x80x16xf32, #tpu.memory_space<vmem>> -> memref<80x16xf32, #tpu.memory_space<vmem>>
      %dma_start3A_223 = arith.constant 0 : i32
      %dma_start3A_224 = tpu.memref_slice %arg7[%add3A_216, %dma_start3A_223] : memref<125x80xi32, #tpu.memory_space<vmem>> -> memref<1x80xi32, #tpu.memory_space<vmem>>
      %dma_start3A_225 = tpu.memref_squeeze %dma_start3A_224 : memref<1x80xi32, #tpu.memory_space<vmem>> -> memref<80xi32, #tpu.memory_space<vmem>>
      %dma_start3A_226 = arith.constant 0 : i32
      %dma_start3A_227 = arith.constant 0 : i32
      %dma_start3A_228 = tpu.memref_slice %arg11[%dma_start3A_226, %dma_start3A_227] : memref<10240x16xf32, #tpu.memory_space<vmem_shared>> -> memref<10240x16xf32, #tpu.memory_space<vmem_shared>>
      %dma_start3A_229 = tpu.memref_slice %arg10[%dma_start3A_218] : memref<5x!tpu.dma_semaphore, #tpu.memory_space<semaphore_mem>> -> memref<1x!tpu.dma_semaphore, #tpu.memory_space<semaphore_mem>>
      %dma_start3A_230 = tpu.memref_squeeze %dma_start3A_229 : memref<1x!tpu.dma_semaphore, #tpu.memory_space<semaphore_mem>> -> memref<!tpu.dma_semaphore, #tpu.memory_space<semaphore_mem>>
      tpu.enqueue_indirect_dma source(%dma_start3A_222 : memref<80x16xf32, #tpu.memory_space<vmem>>) target(%dma_start3A_228 : memref<10240x16xf32, #tpu.memory_space<vmem_shared>>) offsets(%dma_start3A_225 : memref<80xi32, #tpu.memory_space<vmem>>) semaphore(%dma_start3A_230 : memref<!tpu.dma_semaphore, #tpu.memory_space<semaphore_mem>>) {add = true}
      %add3A_231 = arith.constant 1 : i32
      %add3A_232 = arith.addi %mul3A_95, %add3A_231 : i32
      %dma_wait3A_233 = arith.constant 1 : i32
      %dma_wait3A_234 = arith.constant 1 : i32
      %dma_wait3A_235 = arith.constant 0 : i32
      %dma_wait3A_236 = arith.constant 0 : i32
      %dma_wait3A_237 = tpu.memref_slice %arg8[%dma_wait3A_233, %dma_wait3A_235, %dma_wait3A_236] : memref<5x80x16xf32, #tpu.memory_space<vmem>> -> memref<1x80x16xf32, #tpu.memory_space<vmem>>
      %dma_wait3A_238 = tpu.memref_squeeze %dma_wait3A_237 : memref<1x80x16xf32, #tpu.memory_space<vmem>> -> memref<80x16xf32, #tpu.memory_space<vmem>>
      %dma_wait3A_239 = arith.constant 0 : i32
      %dma_wait3A_240 = tpu.memref_slice %arg6[%add3A_232, %dma_wait3A_239] : memref<125x80xi32, #tpu.memory_space<vmem>> -> memref<1x80xi32, #tpu.memory_space<vmem>>
      %dma_wait3A_241 = tpu.memref_squeeze %dma_wait3A_240 : memref<1x80xi32, #tpu.memory_space<vmem>> -> memref<80xi32, #tpu.memory_space<vmem>>
      %dma_wait3A_242 = arith.constant 0 : i32
      %dma_wait3A_243 = arith.constant 0 : i32
      %dma_wait3A_244 = tpu.memref_slice %arg12[%dma_wait3A_242, %dma_wait3A_243] : memref<10240x16xf32, #tpu.memory_space<vmem_shared>> -> memref<10240x16xf32, #tpu.memory_space<vmem_shared>>
      %dma_wait3A_245 = tpu.memref_slice %arg9[%dma_wait3A_234] : memref<5x!tpu.dma_semaphore, #tpu.memory_space<semaphore_mem>> -> memref<1x!tpu.dma_semaphore, #tpu.memory_space<semaphore_mem>>
      %dma_wait3A_246 = tpu.memref_squeeze %dma_wait3A_245 : memref<1x!tpu.dma_semaphore, #tpu.memory_space<semaphore_mem>> -> memref<!tpu.dma_semaphore, #tpu.memory_space<semaphore_mem>>
      tpu.wait_indirect_dma semaphore(%dma_wait3A_246 : memref<!tpu.dma_semaphore, #tpu.memory_space<semaphore_mem>>) src(%dma_wait3A_244 : memref<10240x16xf32, #tpu.memory_space<vmem_shared>>) dst(%dma_wait3A_238 : memref<80x16xf32, #tpu.memory_space<vmem>>)
      %add3A_247 = arith.constant 1 : i32
      %add3A_248 = arith.addi %mul3A_95, %add3A_247 : i32
      %dma_start3A_249 = arith.constant 1 : i32
      %dma_start3A_250 = arith.constant 1 : i32
      %dma_start3A_251 = arith.constant 0 : i32
      %dma_start3A_252 = arith.constant 0 : i32
      %dma_start3A_253 = tpu.memref_slice %arg8[%dma_start3A_249, %dma_start3A_251, %dma_start3A_252] : memref<5x80x16xf32, #tpu.memory_space<vmem>> -> memref<1x80x16xf32, #tpu.memory_space<vmem>>
      %dma_start3A_254 = tpu.memref_squeeze %dma_start3A_253 : memref<1x80x16xf32, #tpu.memory_space<vmem>> -> memref<80x16xf32, #tpu.memory_space<vmem>>
      %dma_start3A_255 = arith.constant 0 : i32
      %dma_start3A_256 = tpu.memref_slice %arg7[%add3A_248, %dma_start3A_255] : memref<125x80xi32, #tpu.memory_space<vmem>> -> memref<1x80xi32, #tpu.memory_space<vmem>>
      %dma_start3A_257 = tpu.memref_squeeze %dma_start3A_256 : memref<1x80xi32, #tpu.memory_space<vmem>> -> memref<80xi32, #tpu.memory_space<vmem>>
      %dma_start3A_258 = arith.constant 0 : i32
      %dma_start3A_259 = arith.constant 0 : i32
      %dma_start3A_260 = tpu.memref_slice %arg11[%dma_start3A_258, %dma_start3A_259] : memref<10240x16xf32, #tpu.memory_space<vmem_shared>> -> memref<10240x16xf32, #tpu.memory_space<vmem_shared>>
      %dma_start3A_261 = tpu.memref_slice %arg10[%dma_start3A_250] : memref<5x!tpu.dma_semaphore, #tpu.memory_space<semaphore_mem>> -> memref<1x!tpu.dma_semaphore, #tpu.memory_space<semaphore_mem>>
      %dma_start3A_262 = tpu.memref_squeeze %dma_start3A_261 : memref<1x!tpu.dma_semaphore, #tpu.memory_space<semaphore_mem>> -> memref<!tpu.dma_semaphore, #tpu.memory_space<semaphore_mem>>
      tpu.enqueue_indirect_dma source(%dma_start3A_254 : memref<80x16xf32, #tpu.memory_space<vmem>>) target(%dma_start3A_260 : memref<10240x16xf32, #tpu.memory_space<vmem_shared>>) offsets(%dma_start3A_257 : memref<80xi32, #tpu.memory_space<vmem>>) semaphore(%dma_start3A_262 : memref<!tpu.dma_semaphore, #tpu.memory_space<semaphore_mem>>) {add = true}
      %add3A_263 = arith.constant 2 : i32
      %add3A_264 = arith.addi %mul3A_95, %add3A_263 : i32
      %dma_wait3A_265 = arith.constant 2 : i32
      %dma_wait3A_266 = arith.constant 2 : i32
      %dma_wait3A_267 = arith.constant 0 : i32
      %dma_wait3A_268 = arith.constant 0 : i32
      %dma_wait3A_269 = tpu.memref_slice %arg8[%dma_wait3A_265, %dma_wait3A_267, %dma_wait3A_268] : memref<5x80x16xf32, #tpu.memory_space<vmem>> -> memref<1x80x16xf32, #tpu.memory_space<vmem>>
      %dma_wait3A_270 = tpu.memref_squeeze %dma_wait3A_269 : memref<1x80x16xf32, #tpu.memory_space<vmem>> -> memref<80x16xf32, #tpu.memory_space<vmem>>
      %dma_wait3A_271 = arith.constant 0 : i32
      %dma_wait3A_272 = tpu.memref_slice %arg6[%add3A_264, %dma_wait3A_271] : memref<125x80xi32, #tpu.memory_space<vmem>> -> memref<1x80xi32, #tpu.memory_space<vmem>>
      %dma_wait3A_273 = tpu.memref_squeeze %dma_wait3A_272 : memref<1x80xi32, #tpu.memory_space<vmem>> -> memref<80xi32, #tpu.memory_space<vmem>>
      %dma_wait3A_274 = arith.constant 0 : i32
      %dma_wait3A_275 = arith.constant 0 : i32
      %dma_wait3A_276 = tpu.memref_slice %arg12[%dma_wait3A_274, %dma_wait3A_275] : memref<10240x16xf32, #tpu.memory_space<vmem_shared>> -> memref<10240x16xf32, #tpu.memory_space<vmem_shared>>
      %dma_wait3A_277 = tpu.memref_slice %arg9[%dma_wait3A_266] : memref<5x!tpu.dma_semaphore, #tpu.memory_space<semaphore_mem>> -> memref<1x!tpu.dma_semaphore, #tpu.memory_space<semaphore_mem>>
      %dma_wait3A_278 = tpu.memref_squeeze %dma_wait3A_277 : memref<1x!tpu.dma_semaphore, #tpu.memory_space<semaphore_mem>> -> memref<!tpu.dma_semaphore, #tpu.memory_space<semaphore_mem>>
      tpu.wait_indirect_dma semaphore(%dma_wait3A_278 : memref<!tpu.dma_semaphore, #tpu.memory_space<semaphore_mem>>) src(%dma_wait3A_276 : memref<10240x16xf32, #tpu.memory_space<vmem_shared>>) dst(%dma_wait3A_270 : memref<80x16xf32, #tpu.memory_space<vmem>>)
      %add3A_279 = arith.constant 2 : i32
      %add3A_280 = arith.addi %mul3A_95, %add3A_279 : i32
      %dma_start3A_281 = arith.constant 2 : i32
      %dma_start3A_282 = arith.constant 2 : i32
      %dma_start3A_283 = arith.constant 0 : i32
      %dma_start3A_284 = arith.constant 0 : i32
      %dma_start3A_285 = tpu.memref_slice %arg8[%dma_start3A_281, %dma_start3A_283, %dma_start3A_284] : memref<5x80x16xf32, #tpu.memory_space<vmem>> -> memref<1x80x16xf32, #tpu.memory_space<vmem>>
      %dma_start3A_286 = tpu.memref_squeeze %dma_start3A_285 : memref<1x80x16xf32, #tpu.memory_space<vmem>> -> memref<80x16xf32, #tpu.memory_space<vmem>>
      %dma_start3A_287 = arith.constant 0 : i32
      %dma_start3A_288 = tpu.memref_slice %arg7[%add3A_280, %dma_start3A_287] : memref<125x80xi32, #tpu.memory_space<vmem>> -> memref<1x80xi32, #tpu.memory_space<vmem>>
      %dma_start3A_289 = tpu.memref_squeeze %dma_start3A_288 : memref<1x80xi32, #tpu.memory_space<vmem>> -> memref<80xi32, #tpu.memory_space<vmem>>
      %dma_start3A_290 = arith.constant 0 : i32
      %dma_start3A_291 = arith.constant 0 : i32
      %dma_start3A_292 = tpu.memref_slice %arg11[%dma_start3A_290, %dma_start3A_291] : memref<10240x16xf32, #tpu.memory_space<vmem_shared>> -> memref<10240x16xf32, #tpu.memory_space<vmem_shared>>
      %dma_start3A_293 = tpu.memref_slice %arg10[%dma_start3A_282] : memref<5x!tpu.dma_semaphore, #tpu.memory_space<semaphore_mem>> -> memref<1x!tpu.dma_semaphore, #tpu.memory_space<semaphore_mem>>
      %dma_start3A_294 = tpu.memref_squeeze %dma_start3A_293 : memref<1x!tpu.dma_semaphore, #tpu.memory_space<semaphore_mem>> -> memref<!tpu.dma_semaphore, #tpu.memory_space<semaphore_mem>>
      tpu.enqueue_indirect_dma source(%dma_start3A_286 : memref<80x16xf32, #tpu.memory_space<vmem>>) target(%dma_start3A_292 : memref<10240x16xf32, #tpu.memory_space<vmem_shared>>) offsets(%dma_start3A_289 : memref<80xi32, #tpu.memory_space<vmem>>) semaphore(%dma_start3A_294 : memref<!tpu.dma_semaphore, #tpu.memory_space<semaphore_mem>>) {add = true}
      %add3A_295 = arith.constant 3 : i32
      %add3A_296 = arith.addi %mul3A_95, %add3A_295 : i32
      %dma_wait3A_297 = arith.constant 3 : i32
      %dma_wait3A_298 = arith.constant 3 : i32
      %dma_wait3A_299 = arith.constant 0 : i32
      %dma_wait3A_300 = arith.constant 0 : i32
      %dma_wait3A_301 = tpu.memref_slice %arg8[%dma_wait3A_297, %dma_wait3A_299, %dma_wait3A_300] : memref<5x80x16xf32, #tpu.memory_space<vmem>> -> memref<1x80x16xf32, #tpu.memory_space<vmem>>
      %dma_wait3A_302 = tpu.memref_squeeze %dma_wait3A_301 : memref<1x80x16xf32, #tpu.memory_space<vmem>> -> memref<80x16xf32, #tpu.memory_space<vmem>>
      %dma_wait3A_303 = arith.constant 0 : i32
      %dma_wait3A_304 = tpu.memref_slice %arg6[%add3A_296, %dma_wait3A_303] : memref<125x80xi32, #tpu.memory_space<vmem>> -> memref<1x80xi32, #tpu.memory_space<vmem>>
      %dma_wait3A_305 = tpu.memref_squeeze %dma_wait3A_304 : memref<1x80xi32, #tpu.memory_space<vmem>> -> memref<80xi32, #tpu.memory_space<vmem>>
      %dma_wait3A_306 = arith.constant 0 : i32
      %dma_wait3A_307 = arith.constant 0 : i32
      %dma_wait3A_308 = tpu.memref_slice %arg12[%dma_wait3A_306, %dma_wait3A_307] : memref<10240x16xf32, #tpu.memory_space<vmem_shared>> -> memref<10240x16xf32, #tpu.memory_space<vmem_shared>>
      %dma_wait3A_309 = tpu.memref_slice %arg9[%dma_wait3A_298] : memref<5x!tpu.dma_semaphore, #tpu.memory_space<semaphore_mem>> -> memref<1x!tpu.dma_semaphore, #tpu.memory_space<semaphore_mem>>
      %dma_wait3A_310 = tpu.memref_squeeze %dma_wait3A_309 : memref<1x!tpu.dma_semaphore, #tpu.memory_space<semaphore_mem>> -> memref<!tpu.dma_semaphore, #tpu.memory_space<semaphore_mem>>
      tpu.wait_indirect_dma semaphore(%dma_wait3A_310 : memref<!tpu.dma_semaphore, #tpu.memory_space<semaphore_mem>>) src(%dma_wait3A_308 : memref<10240x16xf32, #tpu.memory_space<vmem_shared>>) dst(%dma_wait3A_302 : memref<80x16xf32, #tpu.memory_space<vmem>>)
      %add3A_311 = arith.constant 3 : i32
      %add3A_312 = arith.addi %mul3A_95, %add3A_311 : i32
      %dma_start3A_313 = arith.constant 3 : i32
      %dma_start3A_314 = arith.constant 3 : i32
      %dma_start3A_315 = arith.constant 0 : i32
      %dma_start3A_316 = arith.constant 0 : i32
      %dma_start3A_317 = tpu.memref_slice %arg8[%dma_start3A_313, %dma_start3A_315, %dma_start3A_316] : memref<5x80x16xf32, #tpu.memory_space<vmem>> -> memref<1x80x16xf32, #tpu.memory_space<vmem>>
      %dma_start3A_318 = tpu.memref_squeeze %dma_start3A_317 : memref<1x80x16xf32, #tpu.memory_space<vmem>> -> memref<80x16xf32, #tpu.memory_space<vmem>>
      %dma_start3A_319 = arith.constant 0 : i32
      %dma_start3A_320 = tpu.memref_slice %arg7[%add3A_312, %dma_start3A_319] : memref<125x80xi32, #tpu.memory_space<vmem>> -> memref<1x80xi32, #tpu.memory_space<vmem>>
      %dma_start3A_321 = tpu.memref_squeeze %dma_start3A_320 : memref<1x80xi32, #tpu.memory_space<vmem>> -> memref<80xi32, #tpu.memory_space<vmem>>
      %dma_start3A_322 = arith.constant 0 : i32
      %dma_start3A_323 = arith.constant 0 : i32
      %dma_start3A_324 = tpu.memref_slice %arg11[%dma_start3A_322, %dma_start3A_323] : memref<10240x16xf32, #tpu.memory_space<vmem_shared>> -> memref<10240x16xf32, #tpu.memory_space<vmem_shared>>
      %dma_start3A_325 = tpu.memref_slice %arg10[%dma_start3A_314] : memref<5x!tpu.dma_semaphore, #tpu.memory_space<semaphore_mem>> -> memref<1x!tpu.dma_semaphore, #tpu.memory_space<semaphore_mem>>
      %dma_start3A_326 = tpu.memref_squeeze %dma_start3A_325 : memref<1x!tpu.dma_semaphore, #tpu.memory_space<semaphore_mem>> -> memref<!tpu.dma_semaphore, #tpu.memory_space<semaphore_mem>>
      tpu.enqueue_indirect_dma source(%dma_start3A_318 : memref<80x16xf32, #tpu.memory_space<vmem>>) target(%dma_start3A_324 : memref<10240x16xf32, #tpu.memory_space<vmem_shared>>) offsets(%dma_start3A_321 : memref<80xi32, #tpu.memory_space<vmem>>) semaphore(%dma_start3A_326 : memref<!tpu.dma_semaphore, #tpu.memory_space<semaphore_mem>>) {add = true}
      %add3A_327 = arith.constant 4 : i32
      %add3A_328 = arith.addi %mul3A_95, %add3A_327 : i32
      %dma_wait3A_329 = arith.constant 4 : i32
      %dma_wait3A_330 = arith.constant 4 : i32
      %dma_wait3A_331 = arith.constant 0 : i32
      %dma_wait3A_332 = arith.constant 0 : i32
      %dma_wait3A_333 = tpu.memref_slice %arg8[%dma_wait3A_329, %dma_wait3A_331, %dma_wait3A_332] : memref<5x80x16xf32, #tpu.memory_space<vmem>> -> memref<1x80x16xf32, #tpu.memory_space<vmem>>
      %dma_wait3A_334 = tpu.memref_squeeze %dma_wait3A_333 : memref<1x80x16xf32, #tpu.memory_space<vmem>> -> memref<80x16xf32, #tpu.memory_space<vmem>>
      %dma_wait3A_335 = arith.constant 0 : i32
      %dma_wait3A_336 = tpu.memref_slice %arg6[%add3A_328, %dma_wait3A_335] : memref<125x80xi32, #tpu.memory_space<vmem>> -> memref<1x80xi32, #tpu.memory_space<vmem>>
      %dma_wait3A_337 = tpu.memref_squeeze %dma_wait3A_336 : memref<1x80xi32, #tpu.memory_space<vmem>> -> memref<80xi32, #tpu.memory_space<vmem>>
      %dma_wait3A_338 = arith.constant 0 : i32
      %dma_wait3A_339 = arith.constant 0 : i32
      %dma_wait3A_340 = tpu.memref_slice %arg12[%dma_wait3A_338, %dma_wait3A_339] : memref<10240x16xf32, #tpu.memory_space<vmem_shared>> -> memref<10240x16xf32, #tpu.memory_space<vmem_shared>>
      %dma_wait3A_341 = tpu.memref_slice %arg9[%dma_wait3A_330] : memref<5x!tpu.dma_semaphore, #tpu.memory_space<semaphore_mem>> -> memref<1x!tpu.dma_semaphore, #tpu.memory_space<semaphore_mem>>
      %dma_wait3A_342 = tpu.memref_squeeze %dma_wait3A_341 : memref<1x!tpu.dma_semaphore, #tpu.memory_space<semaphore_mem>> -> memref<!tpu.dma_semaphore, #tpu.memory_space<semaphore_mem>>
      tpu.wait_indirect_dma semaphore(%dma_wait3A_342 : memref<!tpu.dma_semaphore, #tpu.memory_space<semaphore_mem>>) src(%dma_wait3A_340 : memref<10240x16xf32, #tpu.memory_space<vmem_shared>>) dst(%dma_wait3A_334 : memref<80x16xf32, #tpu.memory_space<vmem>>)
      %add3A_343 = arith.constant 4 : i32
      %add3A_344 = arith.addi %mul3A_95, %add3A_343 : i32
      %dma_start3A_345 = arith.constant 4 : i32
      %dma_start3A_346 = arith.constant 4 : i32
      %dma_start3A_347 = arith.constant 0 : i32
      %dma_start3A_348 = arith.constant 0 : i32
      %dma_start3A_349 = tpu.memref_slice %arg8[%dma_start3A_345, %dma_start3A_347, %dma_start3A_348] : memref<5x80x16xf32, #tpu.memory_space<vmem>> -> memref<1x80x16xf32, #tpu.memory_space<vmem>>
      %dma_start3A_350 = tpu.memref_squeeze %dma_start3A_349 : memref<1x80x16xf32, #tpu.memory_space<vmem>> -> memref<80x16xf32, #tpu.memory_space<vmem>>
      %dma_start3A_351 = arith.constant 0 : i32
      %dma_start3A_352 = tpu.memref_slice %arg7[%add3A_344, %dma_start3A_351] : memref<125x80xi32, #tpu.memory_space<vmem>> -> memref<1x80xi32, #tpu.memory_space<vmem>>
      %dma_start3A_353 = tpu.memref_squeeze %dma_start3A_352 : memref<1x80xi32, #tpu.memory_space<vmem>> -> memref<80xi32, #tpu.memory_space<vmem>>
      %dma_start3A_354 = arith.constant 0 : i32
      %dma_start3A_355 = arith.constant 0 : i32
      %dma_start3A_356 = tpu.memref_slice %arg11[%dma_start3A_354, %dma_start3A_355] : memref<10240x16xf32, #tpu.memory_space<vmem_shared>> -> memref<10240x16xf32, #tpu.memory_space<vmem_shared>>
      %dma_start3A_357 = tpu.memref_slice %arg10[%dma_start3A_346] : memref<5x!tpu.dma_semaphore, #tpu.memory_space<semaphore_mem>> -> memref<1x!tpu.dma_semaphore, #tpu.memory_space<semaphore_mem>>
      %dma_start3A_358 = tpu.memref_squeeze %dma_start3A_357 : memref<1x!tpu.dma_semaphore, #tpu.memory_space<semaphore_mem>> -> memref<!tpu.dma_semaphore, #tpu.memory_space<semaphore_mem>>
      tpu.enqueue_indirect_dma source(%dma_start3A_350 : memref<80x16xf32, #tpu.memory_space<vmem>>) target(%dma_start3A_356 : memref<10240x16xf32, #tpu.memory_space<vmem_shared>>) offsets(%dma_start3A_353 : memref<80xi32, #tpu.memory_space<vmem>>) semaphore(%dma_start3A_358 : memref<!tpu.dma_semaphore, #tpu.memory_space<semaphore_mem>>) {add = true}
    }
    %scan3A_13 = arith.constant 25 : i32
    %dma_wait3A = arith.constant 0 : i32
    %dma_wait3A_14 = arith.constant 120 : i32
    %dma_wait3A_15 = arith.constant 0 : i32
    %dma_wait3A_16 = arith.constant 0 : i32
    %dma_wait3A_17 = arith.constant 0 : i32
    %dma_wait3A_18 = tpu.memref_slice %arg8[%dma_wait3A, %dma_wait3A_16, %dma_wait3A_17] : memref<5x80x16xf32, #tpu.memory_space<vmem>> -> memref<1x80x16xf32, #tpu.memory_space<vmem>>
    %dma_wait3A_19 = tpu.memref_squeeze %dma_wait3A_18 : memref<1x80x16xf32, #tpu.memory_space<vmem>> -> memref<80x16xf32, #tpu.memory_space<vmem>>
    %dma_wait3A_20 = arith.constant 0 : i32
    %dma_wait3A_21 = tpu.memref_slice %arg7[%dma_wait3A_14, %dma_wait3A_20] : memref<125x80xi32, #tpu.memory_space<vmem>> -> memref<1x80xi32, #tpu.memory_space<vmem>>
    %dma_wait3A_22 = tpu.memref_squeeze %dma_wait3A_21 : memref<1x80xi32, #tpu.memory_space<vmem>> -> memref<80xi32, #tpu.memory_space<vmem>>
    %dma_wait3A_23 = arith.constant 0 : i32
    %dma_wait3A_24 = arith.constant 0 : i32
    %dma_wait3A_25 = tpu.memref_slice %arg11[%dma_wait3A_23, %dma_wait3A_24] : memref<10240x16xf32, #tpu.memory_space<vmem_shared>> -> memref<10240x16xf32, #tpu.memory_space<vmem_shared>>
    %dma_wait3A_26 = tpu.memref_slice %arg10[%dma_wait3A_15] : memref<5x!tpu.dma_semaphore, #tpu.memory_space<semaphore_mem>> -> memref<1x!tpu.dma_semaphore, #tpu.memory_space<semaphore_mem>>
    %dma_wait3A_27 = tpu.memref_squeeze %dma_wait3A_26 : memref<1x!tpu.dma_semaphore, #tpu.memory_space<semaphore_mem>> -> memref<!tpu.dma_semaphore, #tpu.memory_space<semaphore_mem>>
    tpu.wait_indirect_dma semaphore(%dma_wait3A_27 : memref<!tpu.dma_semaphore, #tpu.memory_space<semaphore_mem>>) src(%dma_wait3A_19 : memref<80x16xf32, #tpu.memory_space<vmem>>) dst(%dma_wait3A_25 : memref<10240x16xf32, #tpu.memory_space<vmem_shared>>)
    %dma_wait3A_28 = arith.constant 1 : i32
    %dma_wait3A_29 = arith.constant 121 : i32
    %dma_wait3A_30 = arith.constant 1 : i32
    %dma_wait3A_31 = arith.constant 0 : i32
    %dma_wait3A_32 = arith.constant 0 : i32
    %dma_wait3A_33 = tpu.memref_slice %arg8[%dma_wait3A_28, %dma_wait3A_31, %dma_wait3A_32] : memref<5x80x16xf32, #tpu.memory_space<vmem>> -> memref<1x80x16xf32, #tpu.memory_space<vmem>>
    %dma_wait3A_34 = tpu.memref_squeeze %dma_wait3A_33 : memref<1x80x16xf32, #tpu.memory_space<vmem>> -> memref<80x16xf32, #tpu.memory_space<vmem>>
    %dma_wait3A_35 = arith.constant 0 : i32
    %dma_wait3A_36 = tpu.memref_slice %arg7[%dma_wait3A_29, %dma_wait3A_35] : memref<125x80xi32, #tpu.memory_space<vmem>> -> memref<1x80xi32, #tpu.memory_space<vmem>>
    %dma_wait3A_37 = tpu.memref_squeeze %dma_wait3A_36 : memref<1x80xi32, #tpu.memory_space<vmem>> -> memref<80xi32, #tpu.memory_space<vmem>>
    %dma_wait3A_38 = arith.constant 0 : i32
    %dma_wait3A_39 = arith.constant 0 : i32
    %dma_wait3A_40 = tpu.memref_slice %arg11[%dma_wait3A_38, %dma_wait3A_39] : memref<10240x16xf32, #tpu.memory_space<vmem_shared>> -> memref<10240x16xf32, #tpu.memory_space<vmem_shared>>
    %dma_wait3A_41 = tpu.memref_slice %arg10[%dma_wait3A_30] : memref<5x!tpu.dma_semaphore, #tpu.memory_space<semaphore_mem>> -> memref<1x!tpu.dma_semaphore, #tpu.memory_space<semaphore_mem>>
    %dma_wait3A_42 = tpu.memref_squeeze %dma_wait3A_41 : memref<1x!tpu.dma_semaphore, #tpu.memory_space<semaphore_mem>> -> memref<!tpu.dma_semaphore, #tpu.memory_space<semaphore_mem>>
    tpu.wait_indirect_dma semaphore(%dma_wait3A_42 : memref<!tpu.dma_semaphore, #tpu.memory_space<semaphore_mem>>) src(%dma_wait3A_34 : memref<80x16xf32, #tpu.memory_space<vmem>>) dst(%dma_wait3A_40 : memref<10240x16xf32, #tpu.memory_space<vmem_shared>>)
    %dma_wait3A_43 = arith.constant 2 : i32
    %dma_wait3A_44 = arith.constant 122 : i32
    %dma_wait3A_45 = arith.constant 2 : i32
    %dma_wait3A_46 = arith.constant 0 : i32
    %dma_wait3A_47 = arith.constant 0 : i32
    %dma_wait3A_48 = tpu.memref_slice %arg8[%dma_wait3A_43, %dma_wait3A_46, %dma_wait3A_47] : memref<5x80x16xf32, #tpu.memory_space<vmem>> -> memref<1x80x16xf32, #tpu.memory_space<vmem>>
    %dma_wait3A_49 = tpu.memref_squeeze %dma_wait3A_48 : memref<1x80x16xf32, #tpu.memory_space<vmem>> -> memref<80x16xf32, #tpu.memory_space<vmem>>
    %dma_wait3A_50 = arith.constant 0 : i32
    %dma_wait3A_51 = tpu.memref_slice %arg7[%dma_wait3A_44, %dma_wait3A_50] : memref<125x80xi32, #tpu.memory_space<vmem>> -> memref<1x80xi32, #tpu.memory_space<vmem>>
    %dma_wait3A_52 = tpu.memref_squeeze %dma_wait3A_51 : memref<1x80xi32, #tpu.memory_space<vmem>> -> memref<80xi32, #tpu.memory_space<vmem>>
    %dma_wait3A_53 = arith.constant 0 : i32
    %dma_wait3A_54 = arith.constant 0 : i32
    %dma_wait3A_55 = tpu.memref_slice %arg11[%dma_wait3A_53, %dma_wait3A_54] : memref<10240x16xf32, #tpu.memory_space<vmem_shared>> -> memref<10240x16xf32, #tpu.memory_space<vmem_shared>>
    %dma_wait3A_56 = tpu.memref_slice %arg10[%dma_wait3A_45] : memref<5x!tpu.dma_semaphore, #tpu.memory_space<semaphore_mem>> -> memref<1x!tpu.dma_semaphore, #tpu.memory_space<semaphore_mem>>
    %dma_wait3A_57 = tpu.memref_squeeze %dma_wait3A_56 : memref<1x!tpu.dma_semaphore, #tpu.memory_space<semaphore_mem>> -> memref<!tpu.dma_semaphore, #tpu.memory_space<semaphore_mem>>
    tpu.wait_indirect_dma semaphore(%dma_wait3A_57 : memref<!tpu.dma_semaphore, #tpu.memory_space<semaphore_mem>>) src(%dma_wait3A_49 : memref<80x16xf32, #tpu.memory_space<vmem>>) dst(%dma_wait3A_55 : memref<10240x16xf32, #tpu.memory_space<vmem_shared>>)
    %dma_wait3A_58 = arith.constant 3 : i32
    %dma_wait3A_59 = arith.constant 123 : i32
    %dma_wait3A_60 = arith.constant 3 : i32
    %dma_wait3A_61 = arith.constant 0 : i32
    %dma_wait3A_62 = arith.constant 0 : i32
    %dma_wait3A_63 = tpu.memref_slice %arg8[%dma_wait3A_58, %dma_wait3A_61, %dma_wait3A_62] : memref<5x80x16xf32, #tpu.memory_space<vmem>> -> memref<1x80x16xf32, #tpu.memory_space<vmem>>
    %dma_wait3A_64 = tpu.memref_squeeze %dma_wait3A_63 : memref<1x80x16xf32, #tpu.memory_space<vmem>> -> memref<80x16xf32, #tpu.memory_space<vmem>>
    %dma_wait3A_65 = arith.constant 0 : i32
    %dma_wait3A_66 = tpu.memref_slice %arg7[%dma_wait3A_59, %dma_wait3A_65] : memref<125x80xi32, #tpu.memory_space<vmem>> -> memref<1x80xi32, #tpu.memory_space<vmem>>
    %dma_wait3A_67 = tpu.memref_squeeze %dma_wait3A_66 : memref<1x80xi32, #tpu.memory_space<vmem>> -> memref<80xi32, #tpu.memory_space<vmem>>
    %dma_wait3A_68 = arith.constant 0 : i32
    %dma_wait3A_69 = arith.constant 0 : i32
    %dma_wait3A_70 = tpu.memref_slice %arg11[%dma_wait3A_68, %dma_wait3A_69] : memref<10240x16xf32, #tpu.memory_space<vmem_shared>> -> memref<10240x16xf32, #tpu.memory_space<vmem_shared>>
    %dma_wait3A_71 = tpu.memref_slice %arg10[%dma_wait3A_60] : memref<5x!tpu.dma_semaphore, #tpu.memory_space<semaphore_mem>> -> memref<1x!tpu.dma_semaphore, #tpu.memory_space<semaphore_mem>>
    %dma_wait3A_72 = tpu.memref_squeeze %dma_wait3A_71 : memref<1x!tpu.dma_semaphore, #tpu.memory_space<semaphore_mem>> -> memref<!tpu.dma_semaphore, #tpu.memory_space<semaphore_mem>>
    tpu.wait_indirect_dma semaphore(%dma_wait3A_72 : memref<!tpu.dma_semaphore, #tpu.memory_space<semaphore_mem>>) src(%dma_wait3A_64 : memref<80x16xf32, #tpu.memory_space<vmem>>) dst(%dma_wait3A_70 : memref<10240x16xf32, #tpu.memory_space<vmem_shared>>)
    %dma_wait3A_73 = arith.constant 4 : i32
    %dma_wait3A_74 = arith.constant 124 : i32
    %dma_wait3A_75 = arith.constant 4 : i32
    %dma_wait3A_76 = arith.constant 0 : i32
    %dma_wait3A_77 = arith.constant 0 : i32
    %dma_wait3A_78 = tpu.memref_slice %arg8[%dma_wait3A_73, %dma_wait3A_76, %dma_wait3A_77] : memref<5x80x16xf32, #tpu.memory_space<vmem>> -> memref<1x80x16xf32, #tpu.memory_space<vmem>>
    %dma_wait3A_79 = tpu.memref_squeeze %dma_wait3A_78 : memref<1x80x16xf32, #tpu.memory_space<vmem>> -> memref<80x16xf32, #tpu.memory_space<vmem>>
    %dma_wait3A_80 = arith.constant 0 : i32
    %dma_wait3A_81 = tpu.memref_slice %arg7[%dma_wait3A_74, %dma_wait3A_80] : memref<125x80xi32, #tpu.memory_space<vmem>> -> memref<1x80xi32, #tpu.memory_space<vmem>>
    %dma_wait3A_82 = tpu.memref_squeeze %dma_wait3A_81 : memref<1x80xi32, #tpu.memory_space<vmem>> -> memref<80xi32, #tpu.memory_space<vmem>>
    %dma_wait3A_83 = arith.constant 0 : i32
    %dma_wait3A_84 = arith.constant 0 : i32
    %dma_wait3A_85 = tpu.memref_slice %arg11[%dma_wait3A_83, %dma_wait3A_84] : memref<10240x16xf32, #tpu.memory_space<vmem_shared>> -> memref<10240x16xf32, #tpu.memory_space<vmem_shared>>
    %dma_wait3A_86 = tpu.memref_slice %arg10[%dma_wait3A_75] : memref<5x!tpu.dma_semaphore, #tpu.memory_space<semaphore_mem>> -> memref<1x!tpu.dma_semaphore, #tpu.memory_space<semaphore_mem>>
    %dma_wait3A_87 = tpu.memref_squeeze %dma_wait3A_86 : memref<1x!tpu.dma_semaphore, #tpu.memory_space<semaphore_mem>> -> memref<!tpu.dma_semaphore, #tpu.memory_space<semaphore_mem>>
    tpu.wait_indirect_dma semaphore(%dma_wait3A_87 : memref<!tpu.dma_semaphore, #tpu.memory_space<semaphore_mem>>) src(%dma_wait3A_79 : memref<80x16xf32, #tpu.memory_space<vmem>>) dst(%dma_wait3A_85 : memref<10240x16xf32, #tpu.memory_space<vmem_shared>>)
    %barrier3A_88 = arith.constant 0 : index
    tpu.barrier barrier_id(%barrier3A_88)
    %mul3A_89 = arith.constant 640 : i32
    %mul3A_90 = arith.muli %arg1, %mul3A_89 : i32
    %mul3A_91 = arith.constant 640 : i32
    %mul3A_92 = arith.muli %arg1, %mul3A_91 : i32
    "tpu.region"() ({
      %run_scoped3A_93 = tpu.sem_alloc : memref<!tpu.dma_semaphore, #tpu.memory_space<semaphore_mem>>
      %dma_start3A = arith.constant 0 : i32
      %dma_start3A_94 = tpu.memref_slice %arg5[%arg0, %mul3A_92, %dma_start3A] : memref<2x10240x16xf32, #tpu.memory_space<hbm>> -> memref<1x640x16xf32, #tpu.memory_space<hbm>>
      %dma_start3A_95 = tpu.memref_squeeze %dma_start3A_94 : memref<1x640x16xf32, #tpu.memory_space<hbm>> -> memref<640x16xf32, #tpu.memory_space<hbm>>
      %dma_start3A_96 = arith.constant 0 : i32
      %dma_start3A_97 = tpu.memref_slice %arg11[%mul3A_90, %dma_start3A_96] : memref<10240x16xf32, #tpu.memory_space<vmem_shared>> -> memref<640x16xf32, #tpu.memory_space<vmem_shared>>
      tpu.enqueue_dma source(%dma_start3A_97 : memref<640x16xf32, #tpu.memory_space<vmem_shared>>) target(%dma_start3A_95 : memref<640x16xf32, #tpu.memory_space<hbm>>) target_semaphore(%run_scoped3A_93 : memref<!tpu.dma_semaphore, #tpu.memory_space<semaphore_mem>>)
      %dma_wait3A_98 = arith.constant 0 : i32
      %dma_wait3A_99 = tpu.memref_slice %arg5[%arg0, %mul3A_92, %dma_wait3A_98] : memref<2x10240x16xf32, #tpu.memory_space<hbm>> -> memref<1x640x16xf32, #tpu.memory_space<hbm>>
      %dma_wait3A_100 = tpu.memref_squeeze %dma_wait3A_99 : memref<1x640x16xf32, #tpu.memory_space<hbm>> -> memref<640x16xf32, #tpu.memory_space<hbm>>
      %dma_wait3A_101 = arith.constant 0 : i32
      %dma_wait3A_102 = tpu.memref_slice %arg11[%mul3A_90, %dma_wait3A_101] : memref<10240x16xf32, #tpu.memory_space<vmem_shared>> -> memref<640x16xf32, #tpu.memory_space<vmem_shared>>
      tpu.wait_dma2 semaphore(%run_scoped3A_93 : memref<!tpu.dma_semaphore, #tpu.memory_space<semaphore_mem>>) src(%dma_wait3A_102 : memref<640x16xf32, #tpu.memory_space<vmem_shared>>) dst(%dma_wait3A_100 : memref<640x16xf32, #tpu.memory_space<hbm>>)
      tpu.yield
    }) : () -> ()
    return
  }
}

module attributes {stable_mosaic.version = 14 : i64} {
  func.func @_tc1a_body(%arg0: memref<10000x128xf32, #tpu.memory_space<vmem>>, %arg1: memref<128x16xf32, #tpu.memory_space<vmem>>, %arg2: memref<10000x16xf32, #tpu.memory_space<vmem>>) attributes {dimension_semantics = [], scalar_prefetch = 0 : i64, scratch_operands = 0 : i64, tpu.core_type = #tpu.core_type<tc>} {
    %get3A = arith.constant 0 : index
    %get3A_0 = arith.constant 0 : index
    %get3A_1 = vector.load %arg0[%get3A, %get3A_0] : memref<10000x128xf32, #tpu.memory_space<vmem>>, vector<10000x128xf32>
    %get3A_2 = arith.constant 0 : index
    %get3A_3 = arith.constant 0 : index
    %get3A_4 = vector.load %arg1[%get3A_2, %get3A_3] : memref<128x16xf32, #tpu.memory_space<vmem>>, vector<128x16xf32>
    %dot_general3A = arith.constant dense<0.000000e+00> : vector<10000x16xf32>
    %dot_general3A_5 = tpu.matmul %get3A_1, %get3A_4, %dot_general3A {dimension_numbers = #tpu.dot_dimension_numbers<[1], [0], [0], [1], [0, 0, 1, 1], [], []>, transpose_lhs_hint = false} : vector<10000x128xf32>, vector<128x16xf32>, vector<10000x16xf32> -> vector<10000x16xf32>
    %swap3A = arith.constant 0 : index
    %swap3A_6 = arith.constant 0 : index
    %swap3A_7 = vector.load %arg2[%swap3A, %swap3A_6] : memref<10000x16xf32, #tpu.memory_space<vmem>>, vector<10000x16xf32>
    tpu.vector_store %arg2[%swap3A, %swap3A_6], %dot_general3A_5 {strides = array<i32>} : memref<10000x16xf32, #tpu.memory_space<vmem>>, vector<10000x16xf32>,
    return
  }
}

module attributes {stable_mosaic.version = 14 : i64} {
  func.func @_tc1b_body(%arg0: memref<10000x16xf32, #tpu.memory_space<vmem>>, %arg1: memref<10240x1xf32, #tpu.memory_space<vmem>>, %arg2: memref<10000x16xf32, #tpu.memory_space<vmem>>, %arg3: memref<10000x1xf32, #tpu.memory_space<vmem>>) attributes {dimension_semantics = [], scalar_prefetch = 0 : i64, scratch_operands = 0 : i64, tpu.core_type = #tpu.core_type<tc>} {
    %get3A = arith.constant 0 : index
    %get3A_0 = arith.constant 0 : index
    %get3A_1 = vector.load %arg1[%get3A, %get3A_0] : memref<10240x1xf32, #tpu.memory_space<vmem>>, vector<10240x1xf32>
    %slice3A = vector.extract_strided_slice %get3A_1 {offsets = [0, 0], sizes = [10000, 1], strides = [1, 1]} : vector<10240x1xf32> to vector<10000x1xf32>
    %add3A = arith.constant 1.000000e+00 : f32
    %add3A_2 = vector.broadcast %add3A : f32 to vector<10000x1xf32>
    %add3A_3 = arith.addf %slice3A, %add3A_2 : vector<10000x1xf32>
    %rsqrt3A = math.rsqrt %add3A_3 : vector<10000x1xf32>
    %get3A_4 = arith.constant 0 : index
    %get3A_5 = arith.constant 0 : index
    %get3A_6 = vector.load %arg0[%get3A_4, %get3A_5] : memref<10000x16xf32, #tpu.memory_space<vmem>>, vector<10000x16xf32>
    %mul3A = vector.broadcast %rsqrt3A : vector<10000x1xf32> to vector<10000x16xf32>
    %mul3A_7 = arith.mulf %get3A_6, %mul3A : vector<10000x16xf32>
    %swap3A = arith.constant 0 : index
    %swap3A_8 = arith.constant 0 : index
    %swap3A_9 = vector.load %arg2[%swap3A, %swap3A_8] : memref<10000x16xf32, #tpu.memory_space<vmem>>, vector<10000x16xf32>
    tpu.vector_store %arg2[%swap3A, %swap3A_8], %mul3A_7 {strides = array<i32>} : memref<10000x16xf32, #tpu.memory_space<vmem>>, vector<10000x16xf32>,
    %swap3A_10 = arith.constant 0 : index
    %swap3A_11 = arith.constant 0 : index
    %swap3A_12 = vector.load %arg3[%swap3A_10, %swap3A_11] : memref<10000x1xf32, #tpu.memory_space<vmem>>, vector<10000x1xf32>
    tpu.vector_store %arg3[%swap3A_10, %swap3A_11], %rsqrt3A {strides = array<i32>} : memref<10000x1xf32, #tpu.memory_space<vmem>>, vector<10000x1xf32>,
    return
  }
}

module attributes {stable_mosaic.version = 14 : i64} {
  func.func @_tc2_body(%arg0: memref<2x10240x16xf32, #tpu.memory_space<vmem>>, %arg1: memref<10000x16xf32, #tpu.memory_space<vmem>>, %arg2: memref<10000x1xf32, #tpu.memory_space<vmem>>, %arg3: memref<1x16xf32, #tpu.memory_space<vmem>>, %arg4: memref<16x1xf32, #tpu.memory_space<vmem>>, %arg5: memref<10000x1xf32, #tpu.memory_space<vmem>>) attributes {dimension_semantics = [], scalar_prefetch = 0 : i64, scratch_operands = 0 : i64, tpu.core_type = #tpu.core_type<tc>} {
    %get3A = arith.constant 0 : index
    %get3A_0 = arith.constant 0 : index
    %get3A_1 = vector.load %arg2[%get3A, %get3A_0] : memref<10000x1xf32, #tpu.memory_space<vmem>>, vector<10000x1xf32>
    %get3A_2 = arith.constant 0 : index
    %get3A_3 = arith.constant 0 : index
    %get3A_4 = arith.constant 0 : index
    %get3A_5 = vector.load %arg0[%get3A_2, %get3A_3, %get3A_4] : memref<2x10240x16xf32, #tpu.memory_space<vmem>>, vector<1x10000x16xf32>
    %get3A_6 = vector.shape_cast %get3A_5 : vector<1x10000x16xf32> to vector<10000x16xf32>
    %get3A_7 = arith.constant 1 : index
    %get3A_8 = arith.constant 0 : index
    %get3A_9 = arith.constant 0 : index
    %get3A_10 = vector.load %arg0[%get3A_7, %get3A_8, %get3A_9] : memref<2x10240x16xf32, #tpu.memory_space<vmem>>, vector<1x10000x16xf32>
    %get3A_11 = vector.shape_cast %get3A_10 : vector<1x10000x16xf32> to vector<10000x16xf32>
    %add3A = arith.addf %get3A_6, %get3A_11 : vector<10000x16xf32>
    %get3A_12 = arith.constant 0 : index
    %get3A_13 = arith.constant 0 : index
    %get3A_14 = vector.load %arg1[%get3A_12, %get3A_13] : memref<10000x16xf32, #tpu.memory_space<vmem>>, vector<10000x16xf32>
    %add3A_15 = arith.addf %add3A, %get3A_14 : vector<10000x16xf32>
    %mul3A = vector.broadcast %get3A_1 : vector<10000x1xf32> to vector<10000x16xf32>
    %mul3A_16 = arith.mulf %add3A_15, %mul3A : vector<10000x16xf32>
    %get3A_17 = arith.constant 0 : index
    %get3A_18 = arith.constant 0 : index
    %get3A_19 = vector.load %arg3[%get3A_17, %get3A_18] : memref<1x16xf32, #tpu.memory_space<vmem>>, vector<1x16xf32>
    %add3A_20 = vector.broadcast %get3A_19 : vector<1x16xf32> to vector<10000x16xf32>
    %add3A_21 = arith.addf %mul3A_16, %add3A_20 : vector<10000x16xf32>
    %max3A = arith.constant 0.000000e+00 : f32
    %max3A_22 = vector.broadcast %max3A : f32 to vector<10000x16xf32>
    %max3A_23 = arith.maximumf %add3A_21, %max3A_22 : vector<10000x16xf32>
    %get3A_24 = arith.constant 0 : index
    %get3A_25 = arith.constant 0 : index
    %get3A_26 = vector.load %arg4[%get3A_24, %get3A_25] : memref<16x1xf32, #tpu.memory_space<vmem>>, vector<16x1xf32>
    %dot_general3A = arith.constant dense<0.000000e+00> : vector<10000x1xf32>
    %dot_general3A_27 = tpu.matmul %max3A_23, %get3A_26, %dot_general3A {dimension_numbers = #tpu.dot_dimension_numbers<[1], [0], [0], [1], [0, 0, 1, 1], [], []>, transpose_lhs_hint = false} : vector<10000x16xf32>, vector<16x1xf32>, vector<10000x1xf32> -> vector<10000x1xf32>
    %mul3A_28 = arith.mulf %dot_general3A_27, %get3A_1 : vector<10000x1xf32>
    %swap3A = arith.constant 0 : index
    %swap3A_29 = arith.constant 0 : index
    %swap3A_30 = vector.load %arg5[%swap3A, %swap3A_29] : memref<10000x1xf32, #tpu.memory_space<vmem>>, vector<10000x1xf32>
    tpu.vector_store %arg5[%swap3A, %swap3A_29], %mul3A_28 {strides = array<i32>} : memref<10000x1xf32, #tpu.memory_space<vmem>>, vector<10000x1xf32>,
    return
  }
}

</mosaic_0001>

<sc_bundles>
// kernel: kernel.11.cloned.1.call-start
scs
__scs_entry_jumppad:
0x0: {  	(pc) =	sbr.rel $0x88, $3  }
0x1: {  	(tag) =	ssettag $0x0;
	lr =	simm.s32 $0x1  }
0x2: {  	[smem:$0x3F9B] =	sst lr;
	_ =	strace $0xD0000000  }
0x3: {  	_ = 	snop  }
0x4: {  	_ = 	snop  }
0x5: {  	_ = 	snop  }
0x6: {  	_ = 	snop  }
0x7: {  	_ = 	snop  }
__scs_overlays_trampoline_lowered:
0x8: {  	[smem:$0x3FAA] =	sst s0  }
0x9: {  	[smem:$0x3FAB] =	sst s1  }
0xa: {  	[smem:$0x3FAC] =	sst s2  }
0xb: {  	[smem:$0x3FAD] =	sst s3  }
0xc: {  	[smem:$0x3FAE] =	sst s4  }
0xd: {  	[smem:$0x3FAF] =	sst s5  }
0xe: {  	[smem:$0x3FB0] =	sst s6  }
0xf: {  	[smem:$0x3FB1] =	sst s7  }
0x10: {  	[smem:$0x3FB2] =	sst s8  }
0x11: {  	[smem:$0x3FB3] =	sst s9;
	s0 =	simm.s32 @!p0 $0x0  }
0x12: {  	s1 =	sld [smem:$0x3F99];
	s0 =	simm.s32 @p0 $0x1  }
0x13: {  	[smem:$0x3FB4] =	sst s0;
	s0 =	simm.s32 @!p1 $0x0  }
0x14: {  	s2 =	sld [smem:$0x3F98];
	s0 =	simm.s32 @p1 $0x1  }
0x15: {  	[smem:$0x3FB5] =	sst s0;
	s0 =	simm.s32 @!p2 $0x0  }
0x16: {  	s3 =	sld [smem:$0x3FDB];
	s0 =	simm.s32 @p2 $0x1  }
0x17: {  	s4 =	simm.s32 $0x1BF5;
	[smem:$0x3FB7] =	sst s0  }
0x18: {  	s0 =	sld [smem:$0x3F9A];
	_ =	swait.ge [sflag:s4], $0x0  }
0x19: {  	s7 =	sld [smem:$0x3F9B]  }
0x1a: {  	s8 =	sadd.s32 $0xFFFFE003, lr  }
0x1b: {  	s9 =	sadd.s32 $0xFFFFFEF7, lr;
	s5 =	simm.s32 $0xFFFFFFFF;
	p2 =	slt.u32 s8, $0xFFFFF086  }
0x1c: {  	p1 =	slt.u32 s9, $0xF7A;
	s5 =	simm.s32 @!p2 $0x0  }
0x1d: {  	s5 =	simm.s32 @p1 $0x1;
	p0 =	seq.s32 s7, s2  }
0x1e: {  	s7 =	smul.u32 @!p0 $0xF7A, s2;
	p2 =	seq.s32 @!p0 s5, $0x0  }
0x1f: {  	s9 =	smul.u32 $0xF7A, s1;
	s8 =	simm.s32 @!p0 $0x1BF5;
	p2 =	por !p2, p0  }
0x20: {  	[sflag:s8] =	ssyncset.s32 @!p0 $0xFFFFF086;
	s6 =	sadd.s32 @!p0 s3, s7;
	s7 =	simm.s32 @!p0 $0x108  }
0x21: {  	s3 =	sadd.s32 s3, s9;
	s6 =	sadd.s32 @!p0 $0x88, s6;
	s7 =	simm.s32 @p2 $0x1082  }
0x22: {  	[simem:s7], [sflag:s8] =	dma.local @!p0 [hbm:s6], $0xF7A  }
0x23: {  	s9 =	sor.u32 $0xD0000000, s2;
	s6 =	simm.s32 $0x108;
	_ =	swait.ge @!p0 [sflag:s8], $0x0  }
0x24: {  	s3 =	sadd.s32 $0x88, s3;
	s6 =	simm.s32 @!p1 $0x1082;
	[sflag:s4] =	ssyncset.s32 $0xFFFFF086  }
0x25: {  	[simem:s6], [sflag:s4] =	dma.local [hbm:s3], $0xF7A  }
0x26: {  	[smem:$0x3F9B] =	sst s1;
	(tag) =	ssettag s2;
	_ =	strace s9  }
0x27: {  	s1 =	sld [smem:$0x3FAB]  }
0x28: {  	s2 =	sld [smem:$0x3FAC]  }
0x29: {  	s4 =	sld [smem:$0x3FAE]  }
0x2a: {  	p0 =	seq.s32 s5, $0x0;
	s5 =	sld [smem:$0x3FAF]  }
0x2b: {  	s6 =	sld [smem:$0x3FB0]  }
0x2c: {  	s7 =	sld [smem:$0x3FB1]  }
0x2d: {  	s3 =	simm.s32 $0x108;
	s8 =	sld [smem:$0x3FB2]  }
0x2e: {  	s3 =	simm.s32 @!p0 $0x1082;
	s9 =	sld [smem:$0x3FB3]  }
0x2f: {  	lr =	sadd.s32 s0, s3;
	s0 =	sld [smem:$0x3FAA]  }
0x30: {  	s3 =	sld [smem:$0x3FAD]  }
0x31: {  	[smem:$0x3FB6] =	sst s10  }
0x32: {  	s10 =	sld [smem:$0x3FB4];
	_ =	sdelay $0x3  }
0x33: {  	p0 =	seq.s32 s10, $0x1;
	s10 =	sld [smem:$0x3FB6];
	_ =	sdelay $0x3  }
0x34: {  	[smem:$0x3FB6] =	sst s10  }
0x35: {  	s10 =	sld [smem:$0x3FB5];
	_ =	sdelay $0x3  }
0x36: {  	p1 =	seq.s32 s10, $0x1;
	s10 =	sld [smem:$0x3FB6];
	_ =	sdelay $0x3  }
0x37: {  	[smem:$0x3FB6] =	sst s10  }
0x38: {  	s10 =	sld [smem:$0x3FB7]  }
0x39: {  	_ = 	snop;
	(pc) =	sbr.ind lr, $3  }
0x3a: {  	_ = 	snop  }
0x3b: {  	_ = 	snop  }
0x3c: {  	p2 =	seq.s32 s10, $0x1;
	s10 =	sld [smem:$0x3FB6]  }
0x3d: {  	_ =	shalt  }
0x3e: {  	_ =	shalt  }
0x3f: {  	_ =	shalt  }
0x40: {  	_ =	shalt  }
0x41: {  	_ =	shalt  }
0x42: {  	_ =	shalt  }
0x43: {  	_ =	shalt  }
0x44: {  	_ =	shalt  }
0x45: {  	_ =	shalt  }
0x46: {  	_ =	shalt  }
0x47: {  	_ =	shalt  }
0x48: {  	_ =	shalt  }
0x49: {  	_ =	shalt  }
0x4a: {  	_ =	shalt  }
0x4b: {  	_ =	shalt  }
0x4c: {  	_ =	shalt  }
0x4d: {  	_ =	shalt  }
0x4e: {  	_ =	shalt  }
0x4f: {  	_ =	shalt  }
0x50: {  	_ =	shalt  }
0x51: {  	_ =	shalt  }
0x52: {  	_ =	shalt  }
0x53: {  	_ =	shalt  }
0x54: {  	_ =	shalt  }
0x55: {  	_ =	shalt  }
0x56: {  	_ =	shalt  }
0x57: {  	_ =	shalt  }
0x58: {  	_ =	shalt  }
0x59: {  	_ =	shalt  }
0x5a: {  	_ =	shalt  }
0x5b: {  	_ =	shalt  }
0x5c: {  	_ =	shalt  }
0x5d: {  	_ =	shalt  }
0x5e: {  	_ =	shalt  }
0x5f: {  	_ =	shalt  }
0x60: {  	_ =	shalt  }
0x61: {  	_ =	shalt  }
0x62: {  	_ =	shalt  }
0x63: {  	_ =	shalt  }
0x64: {  	_ =	shalt  }
0x65: {  	_ =	shalt  }
0x66: {  	_ =	shalt  }
0x67: {  	_ =	shalt  }
0x68: {  	_ =	shalt  }
0x69: {  	_ =	shalt  }
0x6a: {  	_ =	shalt  }
0x6b: {  	_ =	shalt  }
0x6c: {  	_ =	shalt  }
0x6d: {  	_ =	shalt  }
0x6e: {  	_ =	shalt  }
0x6f: {  	_ =	shalt  }
0x70: {  	_ =	shalt  }
0x71: {  	_ =	shalt  }
0x72: {  	_ =	shalt  }
0x73: {  	_ =	shalt  }
0x74: {  	_ =	shalt  }
0x75: {  	_ =	shalt  }
0x76: {  	_ =	shalt  }
0x77: {  	_ =	shalt  }
0x78: {  	_ =	shalt  }
0x79: {  	_ =	shalt  }
0x7a: {  	_ =	shalt  }
0x7b: {  	_ =	shalt  }
0x7c: {  	_ =	shalt  }
0x7d: {  	_ =	shalt  }
0x7e: {  	_ =	shalt  }
0x7f: {  	_ =	shalt  }
0x80: {  	_ =	shalt  }
0x81: {  	_ =	shalt  }
0x82: {  	_ =	shalt  }
0x83: {  	_ =	shalt  }
0x84: {  	_ =	shalt  }
0x85: {  	_ =	shalt  }
0x86: {  	_ =	shalt  }
0x87: {  	_ =	shalt  }
.Lfunc_end0:
.L_simem_size_0:
called_computation.1_lowered:
.L_overlay_start_0:
0x88: {  	s2 =	sld [smem:$0x3FD9]  }
0x89: {  	s3 =	sld [smem:$0x3FFE];
	_ =	sdelay $0x1  }
0x8a: {  	s1 =	srdreg.scid  }
0x8b: {  	s0 =	sand.u32 $0x1, s1  }
0x8c: {  	s16 =	sshll.u32 s0, $0xA;
	s2 =	sadd.s32 s3, s2  }
0x8d: {  	s2 =	sadd.s32 s2, s16  }
0x8e: {  	[smem:$0x3FC2] =	sst s2  }
0x8f: {  	_ = 	snop  }
0x90: {  	(tm) =	ssettm $0x1  }
0x91: {  	s17 =	sld [smem:$0x3FFB];
	_ =	sdelay $0x3  }
0x92: {  	_ =	strace s17  }
0x93: {  	s2 =	sld [smem:$0x3FFC];
	_ =	sdelay $0x3  }
0x94: {  	_ =	strace s2  }
0x95: {  	s2 =	sld [smem:$0x3FFD];
	_ =	sdelay $0x3  }
0x96: {  	_ =	strace s2  }
0x97: {  	_ =	strace $0x8FFFFFFF  }
0x98: {  	s18 =	sld [smem:$0x3FDB];
	_ =	sdelay $0x1  }
0x99: {  	s19 =	simm.s32 $_scs_section_size  }
0x9a: {  	s4 =	simm.s32 $_size__tile_overlayer_lowered;
	s5 =	simm.s32 $_tile_overlayer_lowered  }
0x9b: {  	s22 =	simm.s32 $0x1BFF;
	s21 =	sshll.u32 s5, $0x1;
	s2 =	sadd.s32 s19, s18  }
0x9c: {  	s6 =	simm.s32 $0x0;
	s20 =	sshll.u32 s4, $0x1;
	s4 =	sadd.s32 s21, s2  }
0x9d: {  	[timem:s6], [sflag:s22] =	dma.local [hbm:s4], s20  }
0x9e: {  	_ =	swait.ge [sflag:s22], s20  }
0x9f: {  	s3 =	ssub.s32 $0x0, s20;
	[sflag:s22] =	ssyncset.done $0x0  }
0xa0: {  	[sflag:s22] =	ssyncadd.s32 s3;
	_ =	sdelay $0x1  }
0xa1: {  	s23 =	simm.s32 $0x1B8B  }
0xa2: {  	_ =	swait.ge [sflag:s23], $0x1  }
0xa3: {  	[sflag:s23] =	ssyncset.done $0x0  }
0xa4: {  	s25 =	simm.s32 $0x1B8E;
	s24 =	sld [smem:$0x3FFE];
	[sflag:s23] =	ssyncadd.s32 $0xFFFFFFFF  }
0xa5: {  	s26 =	simm.s32 $execute0_lowered;
	[smem:$0x3FD2] =	sst s25  }
0xa6: {  	s4 =	sshll.u32 s26, $0x1;
	_ =	strace $0x80000049;
	[dreg:$0x1] =	wrdreg $0xFFFFFFFF  }
0xa7: {  	s28 =	simm.s32 $_size_execute0_lowered;
	s2 =	sadd.s32 s2, s4;
	[dreg:$0x0] =	wrdreg $0x0  }
0xa8: {  	s4 =	sshll.u32 s28, $0x1;
	[dreg:$0x2] =	wrdreg s2  }
0xa9: {  	[dreg:$0x3] =	wrdreg s4  }
0xaa: {  	[dreg:$0x4] =	wrdreg $0xC0  }
0xab: {  	_ =	task [dreg:s6], $0x5FFFF  }
0xac: {  	[dreg:$0x1] =	wrdreg $0xFFFFFFFF  }
0xad: {  	[dreg:$0x0] =	wrdreg $0x60  }
0xae: {  	[dreg:$0x2] =	wrdreg s24  }
0xaf: {  	[dreg:$0x3] =	wrdreg $0x67200  }
0xb0: {  	[dreg:$0x4] =	wrdreg $0x8F200  }
0xb1: {  	[dreg:$0x5] =	wrdreg $0x9  }
0xb2: {  	_ =	task.clear_ibuf [dreg:s6], $0x6FFFF;
	_ =	strace $0x90000049  }
0xb3: {  	s29 =	simm.s32 $0x9;
	_ =	strace $0x8000004B  }
0xb4: {  	_ =	swait.ge [sflag:s29], $0x1  }
0xb5: {  	[sflag:s29] =	ssyncadd.s32 $0xFFFFFFFF  }
0xb6: {  	_ =	strace $0x9000004B  }
0xb7: {  	_ =	sfence  }
0xb8: {  	s30 =	sld [smem:$0x0];
	_ =	sdelay $0x2  }
0xb9: {  	s31 =	sshll.u32 s1, $0xD;
	s1 =	sshrl.u32 s1, $0x2  }
0xba: {  	s3 =	sand.u32 $0x4000, s31;
	s1 =	sadd.s32 s1, s30  }
0xbb: {  	s0 =	sor.u32 s3, s0;
	s1 =	sshll.u32 s1, $0x11  }
0xbc: {  	s0 =	sor.u32 s1, s0  }
0xbd: {  	s0 =	sadd.s32 $0x8F2B, s0  }
0xbe: {  	[sflag:s0] =	ssyncadd.remote.s32 $0x1  }
0xbf: {  	_ =	sfence.sel $0xFFFF  }
0xc0: {  	[dreg:$0x0] =	wrdreg $0xFFFFFFFF;
	(pc) =	sbr.abs _section_cstart, $3  }
0xc1: {  	[dreg:$0x1] =	wrdreg $0xFFFFFFFF  }
0xc2: {  	_ =	task.clear_ibuf [dreg:s6], $0x2FFFF;
	_ =	strace $0x9FFFFFFF  }
0xc3: {  	(tm) =	ssettm $0x7FFFFFFF  }
tec
execute0_lowered:
.L_overlay_start_1:
0x0: {  	(tag) =	ssettag $0x1  }
0x1: {  	s0 =	srdreg.scid;
	s1 =	rddreg [dreg:$0x0]  }
0x2: {  	s10 =	stileid.u32;
	s2 =	rddreg [dreg:$0x1]  }
0x3: {  	s14 =	simm.s32 $0xB;
	s15 =	simm.s32 $0x2710;
	s18 =	simm.s32 $0x50  }
0x4: {  	s19 =	simm.s32 $0x4E20;
	s20 =	simm.s32 $0x5320;
	s22 =	simm.s32 $0x5820  }
0x5: {  	s28 =	simm.s32 $0x1;
	s29 =	simm.s32 $0x2;
	s31 =	simm.s32 $0x3  }
0x6: {  	s30 =	simm.s32 $0x6;
	s21 =	simm.s32 $0x8;
	s0 =	sand.u32 $0x1, s0  }
0x7: {  	s3 =	sshll.u32 s10, $0x1;
	s7 =	smul.u32 $0x2800, s10;
	s9 =	sadd.s32 $0x19C00, s1  }
0x8: {  	s25 =	sshll.u32 s10, $0x6;
	p0 =	seq.s32 s10, $0xF;
	s4 =	sor.u32 s0, s3  }
0x9: {  	s3 =	rddreg [dreg:$0x2];
	s6 =	smul.u32 $0x28000, s0;
	s0 =	ssub.s32 $0x2, s0  }
0xa: {  	s5 =	smul.u32 $0x2710, s4;
	s4 =	simm.s32 $0x0;
	s8 =	sshrl.u32 s7, $0x3  }
0xb: {  	s24 =	sshrl.u32 s0, $0x1;
	s13 =	sadd.s32 s7, s2;
	[smem:$0x7FF] =	sst s4  }
0xc: {  	s6 =	sadd.s32 s7, s6;
	s8 =	sadd.s32 s8, s1;
	s0 =	ssub.s32 s0, s24  }
0xd: {  	s13 =	sshrl.u32 s13, $0x3;
	s24 =	simm.s32 $0x5D20;
	_ =	strace $0x8000004A  }
0xe: {  	s5 =	sshrl.u32 s5, $0x3;
	s6 =	sshrl.u32 s6, $0x3;
	[dreg:$0x4] =	wrdreg s9  }
0xf: {  	s26 =	sadd.s32 $0x14C00, s8;
	s12 =	smax.u32 s0, $0x1;
	s0 =	simm.s32 $0x4  }
0x10: {  	s5 =	sadd.s32 s5, s1;
	s23 =	sadd.s32 s6, s1;
	s6 =	sor.u32 $0x1C0B, s25  }
0x11: {  	[dreg:$0x7] =	wrdreg s26;
	s1 =	sadd.s32 $0x19700, s1;
	s26 =	simm.s32 $0x6220  }
0x12: {  	s25 =	simm.s32 $0x9;
	s11 =	sadd.s32 $0x1200, s5;
	[dreg:$0x8] =	wrdreg s1  }
0x13: {  	s5 =	sadd.s32 $0xAE40, s5;
	s1 =	simm.s32 $0x7;
	[dreg:$0x5] =	wrdreg s11  }
0x14: {  	[dreg:$0x6] =	wrdreg s5;
	s5 =	sadd.s32 s7, s3;
	s7 =	sadd.s32 $0x25800, s3  }
0x15: {  	s11 =	sadd.s32 $0x1A200, s23;
	s23 =	simm.s32 $0x5;
	s16 =	sshrl.u32 @p0 s7, $0x3  }
0x16: {  	s17 =	sshrl.u32 @!p0 s5, $0x3;
	s5 =	simm.s32 $0xA;
	s7 =	simm.s32 $0x0  }
.LBB2_1:
0x17: {  	s8 =	rddreg [dreg:$0x4]  }
0x18: {  	[spmem:s13], [sflag:s6] =	dma.local [hbm:s8], $0x500  }
0x19: {  	_ =	swait.ge [sflag:s14], $0x500  }
0x1a: {  	[sflag:s14] =	ssyncset.done $0x0  }
0x1b: {  	s9 =	rddreg [dreg:$0x5];
	[sflag:s14] =	ssyncadd.s32 $0xFFFFFB00  }
0x1c: {  	[tilespmem:s4], [sflag:$0xB] =	stream.linear.gather [hbm4b:s9+s4], $0x2710, $0x38;
	[tilespmem:$0xB720] =	vst v63  }
0x1d: {  	_ =	swait.ge [sflag:s14], $0x2710  }
0x1e: {  	[sflag:s14] =	ssyncset.done $0x0  }
0x1f: {  	s10 =	rddreg [dreg:$0x6];
	[sflag:s14] =	ssyncadd.s32 $0xFFFFD8F0  }
0x20: {  	[tilespmem:s15], [sflag:$0xB] =	stream.linear.gather [hbm4b:s10+s4], $0x2710, $0x38;
	[tilespmem:$0xB720] =	vst v63  }
0x21: {  	_ =	swait.ge [sflag:s14], $0x2710  }
0x22: {  	[sflag:s14] =	ssyncset.done $0x0  }
0x23: {  	s8 =	rddreg [dreg:$0x8];
	[sflag:s14] =	ssyncadd.s32 $0xFFFFD8F0  }
0x24: {  	[spmem:s16], [sflag:s6] =	dma.local @p0 [hbm:s8], $0x320  }
0x25: {  	s8 =	simm.s32 @p0 $0xB  }
0x26: {  	_ =	swait.ge @p0 [sflag:s8], $0x320  }
0x27: {  	[sflag:s8] =	ssyncset.done @p0 $0x0  }
0x28: {  	[sflag:s8] =	ssyncadd.s32 @p0 $0xFFFFFCE0;
	s8 =	rddreg [dreg:$0x7]  }
0x29: {  	[spmem:s17], [sflag:s6] =	dma.local @!p0 [hbm:s8], $0x500  }
0x2a: {  	s8 =	simm.s32 @!p0 $0xB  }
0x2b: {  	_ =	swait.ge @!p0 [sflag:s8], $0x500  }
0x2c: {  	[sflag:s8] =	ssyncset.done @!p0 $0x0  }
0x2d: {  	[sflag:s8] =	ssyncadd.s32 @!p0 $0xFFFFFB00  }
0x2e: {  	[bflag:$0x0] =	sbarrier.arrive $0xFFFF  }
0x2f: {  	[tilespmem:s19], [sflag:$0x1] =	stream.indirect.gather [spmem:s3], $0x10, s4, s18, $0xb8;
	[tilespmem:$0xB720] =	vst v63  }
0x30: {  	_ = 	snop  }
0x31: {  	[tilespmem:s20], [sflag:$0x2] =	stream.indirect.gather [spmem:s3], $0x10, s18, s18, $0xb8;
	[tilespmem:$0xB720] =	vst v63  }
0x32: {  	s9 =	simm.s32 $0xA0  }
0x33: {  	[tilespmem:s22], [sflag:$0x3] =	stream.indirect.gather [spmem:s3], $0x10, s9, s18, $0xb8;
	[tilespmem:$0xB720] =	vst v63  }
0x34: {  	s10 =	simm.s32 $0xF0  }
0x35: {  	[tilespmem:s24], [sflag:$0x4] =	stream.indirect.gather [spmem:s3], $0x10, s10, s18, $0xb8;
	[tilespmem:$0xB720] =	vst v63  }
0x36: {  	s9 =	simm.s32 $0x140  }
0x37: {  	[tilespmem:s26], [sflag:$0x5] =	stream.indirect.gather [spmem:s3], $0x10, s9, s18, $0xb8;
	[tilespmem:$0xB720] =	vst v63  }
0x38: {  	_ =	swait.ge [sflag:s28], $0x500  }
0x39: {  	[sflag:s28] =	ssyncset.done $0x0  }
0x3a: {  	[sflag:s28] =	ssyncadd.s32 $0xFFFFFB00  }
0x3b: {  	[spmem:s2] =	stream.indirect.scatter.add.f32 [tilespmem:s19], [sflag:$0x6], $0x10, s15, s18, $0xb8;
	[tilespmem:$0xB720] =	vst v63  }
0x3c: {  	_ =	swait.ge [sflag:s29], $0x500  }
0x3d: {  	[sflag:s29] =	ssyncset.done $0x0  }
0x3e: {  	s10 =	simm.s32 $0x2760;
	[sflag:s29] =	ssyncadd.s32 $0xFFFFFB00  }
0x3f: {  	[spmem:s2] =	stream.indirect.scatter.add.f32 [tilespmem:s20], [sflag:$0x7], $0x10, s10, s18, $0xb8;
	[tilespmem:$0xB720] =	vst v63  }
0x40: {  	_ =	swait.ge [sflag:s31], $0x500  }
0x41: {  	[sflag:s31] =	ssyncset.done $0x0  }
0x42: {  	s9 =	simm.s32 $0x27B0;
	[sflag:s31] =	ssyncadd.s32 $0xFFFFFB00  }
0x43: {  	[spmem:s2] =	stream.indirect.scatter.add.f32 [tilespmem:s22], [sflag:$0x8], $0x10, s9, s18, $0xb8;
	[tilespmem:$0xB720] =	vst v63  }
0x44: {  	_ =	swait.ge [sflag:s0], $0x500  }
0x45: {  	[sflag:s0] =	ssyncset.done $0x0  }
0x46: {  	s10 =	simm.s32 $0x2800;
	[sflag:s0] =	ssyncadd.s32 $0xFFFFFB00  }
0x47: {  	[spmem:s2] =	stream.indirect.scatter.add.f32 [tilespmem:s24], [sflag:$0x9], $0x10, s10, s18, $0xb8;
	[tilespmem:$0xB720] =	vst v63  }
0x48: {  	_ =	swait.ge [sflag:s23], $0x500  }
0x49: {  	[sflag:s23] =	ssyncset.done $0x0  }
0x4a: {  	s9 =	simm.s32 $0x2850;
	[sflag:s23] =	ssyncadd.s32 $0xFFFFFB00  }
0x4b: {  	[spmem:s2] =	stream.indirect.scatter.add.f32 [tilespmem:s26], [sflag:$0xA], $0x10, s9, s18, $0xb8;
	[tilespmem:$0xB720] =	vst v63  }
0x4c: {  	_ =	swait.ge [sflag:s30], $0x500  }
0x4d: {  	[sflag:s30] =	ssyncset.done $0x0  }
0x4e: {  	s10 =	simm.s32 $0x190;
	[sflag:s30] =	ssyncadd.s32 $0xFFFFFB00  }
0x4f: {  	[tilespmem:s19], [sflag:$0x1] =	stream.indirect.gather [spmem:s3], $0x10, s10, s18, $0xb8;
	[tilespmem:$0xB720] =	vst v63  }
0x50: {  	_ =	swait.ge [sflag:s1], $0x500  }
0x51: {  	[sflag:s1] =	ssyncset.done $0x0  }
0x52: {  	s9 =	simm.s32 $0x1E0;
	[sflag:s1] =	ssyncadd.s32 $0xFFFFFB00  }
0x53: {  	[tilespmem:s20], [sflag:$0x2] =	stream.indirect.gather [spmem:s3], $0x10, s9, s18, $0xb8;
	[tilespmem:$0xB720] =	vst v63  }
0x54: {  	_ =	swait.ge [sflag:s21], $0x500  }
0x55: {  	[sflag:s21] =	ssyncset.done $0x0  }
0x56: {  	s10 =	simm.s32 $0x230;
	[sflag:s21] =	ssyncadd.s32 $0xFFFFFB00  }
0x57: {  	[tilespmem:s22], [sflag:$0x3] =	stream.indirect.gather [spmem:s3], $0x10, s10, s18, $0xb8;
	[tilespmem:$0xB720] =	vst v63  }
0x58: {  	_ =	swait.ge [sflag:s25], $0x500  }
0x59: {  	[sflag:s25] =	ssyncset.done $0x0  }
0x5a: {  	s9 =	simm.s32 $0x280;
	[sflag:s25] =	ssyncadd.s32 $0xFFFFFB00  }
0x5b: {  	[tilespmem:s24], [sflag:$0x4] =	stream.indirect.gather [spmem:s3], $0x10, s9, s18, $0xb8;
	[tilespmem:$0xB720] =	vst v63  }
0x5c: {  	_ =	swait.ge [sflag:s5], $0x500  }
0x5d: {  	[sflag:s5] =	ssyncset.done $0x0  }
0x5e: {  	s10 =	simm.s32 $0x2D0;
	[sflag:s5] =	ssyncadd.s32 $0xFFFFFB00  }
0x5f: {  	[tilespmem:s26], [sflag:$0x5] =	stream.indirect.gather [spmem:s3], $0x10, s10, s18, $0xb8;
	[tilespmem:$0xB720] =	vst v63  }
0x60: {  	_ =	swait.ge [sflag:s28], $0x500  }
0x61: {  	[sflag:s28] =	ssyncset.done $0x0  }
0x62: {  	s9 =	simm.s32 $0x28A0;
	[sflag:s28] =	ssyncadd.s32 $0xFFFFFB00  }
0x63: {  	[spmem:s2] =	stream.indirect.scatter.add.f32 [tilespmem:s19], [sflag:$0x6], $0x10, s9, s18, $0xb8;
	[tilespmem:$0xB720] =	vst v63  }
0x64: {  	_ =	swait.ge [sflag:s29], $0x500  }
0x65: {  	[sflag:s29] =	ssyncset.done $0x0  }
0x66: {  	s10 =	simm.s32 $0x28F0;
	[sflag:s29] =	ssyncadd.s32 $0xFFFFFB00  }
0x67: {  	[spmem:s2] =	stream.indirect.scatter.add.f32 [tilespmem:s20], [sflag:$0x7], $0x10, s10, s18, $0xb8;
	[tilespmem:$0xB720] =	vst v63  }
0x68: {  	_ =	swait.ge [sflag:s31], $0x500  }
0x69: {  	[sflag:s31] =	ssyncset.done $0x0  }
0x6a: {  	s9 =	simm.s32 $0x2940;
	[sflag:s31] =	ssyncadd.s32 $0xFFFFFB00  }
0x6b: {  	[spmem:s2] =	stream.indirect.scatter.add.f32 [tilespmem:s22], [sflag:$0x8], $0x10, s9, s18, $0xb8;
	[tilespmem:$0xB720] =	vst v63  }
0x6c: {  	_ =	swait.ge [sflag:s0], $0x500  }
0x6d: {  	[sflag:s0] =	ssyncset.done $0x0  }
0x6e: {  	s10 =	simm.s32 $0x2990;
	[sflag:s0] =	ssyncadd.s32 $0xFFFFFB00  }
0x6f: {  	[spmem:s2] =	stream.indirect.scatter.add.f32 [tilespmem:s24], [sflag:$0x9], $0x10, s10, s18, $0xb8;
	[tilespmem:$0xB720] =	vst v63  }
0x70: {  	_ =	swait.ge [sflag:s23], $0x500  }
0x71: {  	[sflag:s23] =	ssyncset.done $0x0  }
0x72: {  	s8 =	simm.s32 $0x640;
	s9 =	simm.s32 $0x29E0;
	[sflag:s23] =	ssyncadd.s32 $0xFFFFFB00  }
.LBB2_2:
0x73: {  	[spmem:s2] =	stream.indirect.scatter.add.f32 [tilespmem:s26], [sflag:$0xA], $0x10, s9, s18, $0xb8;
	[tilespmem:$0xB720] =	vst v63  }
0x74: {  	s9 =	smov.u32 s8  }
0x75: {  	p1 =	sne.s32 s8, $0x8FC0;
	s8 =	sadd.s32 $0x640, s8;
	_ =	swait.ge [sflag:s30], $0x500  }
0x76: {  	s9 =	sshra.s32 s9, $0x2;
	[sflag:s30] =	ssyncset.done $0x0  }
0x77: {  	s10 =	sadd.s32 $0x190, s9;
	[sflag:s30] =	ssyncadd.s32 $0xFFFFFB00  }
0x78: {  	[tilespmem:s19], [sflag:$0x1] =	stream.indirect.gather [spmem:s3], $0x10, s10, s18, $0xb8;
	[tilespmem:$0xB720] =	vst v63  }
0x79: {  	_ =	swait.ge [sflag:s1], $0x500  }
0x7a: {  	[sflag:s1] =	ssyncset.done $0x0  }
0x7b: {  	s10 =	sadd.s32 $0x1E0, s9;
	[sflag:s1] =	ssyncadd.s32 $0xFFFFFB00  }
0x7c: {  	[tilespmem:s20], [sflag:$0x2] =	stream.indirect.gather [spmem:s3], $0x10, s10, s18, $0xb8;
	[tilespmem:$0xB720] =	vst v63  }
0x7d: {  	_ =	swait.ge [sflag:s21], $0x500  }
0x7e: {  	[sflag:s21] =	ssyncset.done $0x0  }
0x7f: {  	s10 =	sadd.s32 $0x230, s9;
	[sflag:s21] =	ssyncadd.s32 $0xFFFFFB00  }
0x80: {  	[tilespmem:s22], [sflag:$0x3] =	stream.indirect.gather [spmem:s3], $0x10, s10, s18, $0xb8;
	[tilespmem:$0xB720] =	vst v63  }
0x81: {  	_ =	swait.ge [sflag:s25], $0x500  }
0x82: {  	[sflag:s25] =	ssyncset.done $0x0  }
0x83: {  	s10 =	sadd.s32 $0x280, s9;
	[sflag:s25] =	ssyncadd.s32 $0xFFFFFB00  }
0x84: {  	[tilespmem:s24], [sflag:$0x4] =	stream.indirect.gather [spmem:s3], $0x10, s10, s18, $0xb8;
	[tilespmem:$0xB720] =	vst v63  }
0x85: {  	_ =	swait.ge [sflag:s5], $0x500  }
0x86: {  	[sflag:s5] =	ssyncset.done $0x0  }
0x87: {  	s10 =	sadd.s32 $0x2D0, s9;
	[sflag:s5] =	ssyncadd.s32 $0xFFFFFB00  }
0x88: {  	[tilespmem:s26], [sflag:$0x5] =	stream.indirect.gather [spmem:s3], $0x10, s10, s18, $0xb8;
	[tilespmem:$0xB720] =	vst v63  }
0x89: {  	_ =	swait.ge [sflag:s28], $0x500  }
0x8a: {  	[sflag:s28] =	ssyncset.done $0x0  }
0x8b: {  	s10 =	sadd.s32 $0x28A0, s9;
	[sflag:s28] =	ssyncadd.s32 $0xFFFFFB00  }
0x8c: {  	[spmem:s2] =	stream.indirect.scatter.add.f32 [tilespmem:s19], [sflag:$0x6], $0x10, s10, s18, $0xb8;
	[tilespmem:$0xB720] =	vst v63  }
0x8d: {  	_ =	swait.ge [sflag:s29], $0x500  }
0x8e: {  	[sflag:s29] =	ssyncset.done $0x0  }
0x8f: {  	s10 =	sadd.s32 $0x28F0, s9;
	[sflag:s29] =	ssyncadd.s32 $0xFFFFFB00  }
0x90: {  	[spmem:s2] =	stream.indirect.scatter.add.f32 [tilespmem:s20], [sflag:$0x7], $0x10, s10, s18, $0xb8;
	[tilespmem:$0xB720] =	vst v63  }
0x91: {  	_ =	swait.ge [sflag:s31], $0x500  }
0x92: {  	[sflag:s31] =	ssyncset.done $0x0  }
0x93: {  	s10 =	sadd.s32 $0x2940, s9;
	[sflag:s31] =	ssyncadd.s32 $0xFFFFFB00  }
0x94: {  	[spmem:s2] =	stream.indirect.scatter.add.f32 [tilespmem:s22], [sflag:$0x8], $0x10, s10, s18, $0xb8;
	[tilespmem:$0xB720] =	vst v63  }
0x95: {  	_ =	swait.ge [sflag:s0], $0x500  }
0x96: {  	[sflag:s0] =	ssyncset.done $0x0  }
.Ltmp0:
0x97: {  	s10 =	sadd.s32 $0x2990, s9;
	[sflag:s0] =	ssyncadd.s32 $0xFFFFFB00;
	(pc) =	sbr.rel @p1 .LBB2_2-.Ltmp0, $4  }
0x98: {  	[spmem:s2] =	stream.indirect.scatter.add.f32 [tilespmem:s24], [sflag:$0x9], $0x10, s10, s18, $0xb8;
	[tilespmem:$0xB720] =	vst v63  }
0x99: {  	_ =	swait.ge [sflag:s23], $0x500  }
0x9a: {  	[sflag:s23] =	ssyncset.done $0x0  }
0x9b: {  	s9 =	sadd.s32 $0x29E0, s9;
	[sflag:s23] =	ssyncadd.s32 $0xFFFFFB00  }
0x9c: {  	[spmem:s2] =	stream.indirect.scatter.add.f32 [tilespmem:s26], [sflag:$0xA], $0x10, s9, s18, $0xb8;
	[tilespmem:$0xB720] =	vst v63  }
0x9d: {  	_ =	swait.ge [sflag:s30], $0x500  }
0x9e: {  	[sflag:s30] =	ssyncset.done $0x0  }
0x9f: {  	[sflag:s30] =	ssyncadd.s32 $0xFFFFFB00  }
0xa0: {  	_ =	swait.ge [sflag:s1], $0x500  }
0xa1: {  	[sflag:s1] =	ssyncset.done $0x0  }
0xa2: {  	[sflag:s1] =	ssyncadd.s32 $0xFFFFFB00  }
0xa3: {  	_ =	swait.ge [sflag:s21], $0x500  }
0xa4: {  	[sflag:s21] =	ssyncset.done $0x0  }
0xa5: {  	[sflag:s21] =	ssyncadd.s32 $0xFFFFFB00  }
0xa6: {  	_ =	swait.ge [sflag:s25], $0x500  }
0xa7: {  	[sflag:s25] =	ssyncset.done $0x0  }
0xa8: {  	[sflag:s25] =	ssyncadd.s32 $0xFFFFFB00  }
0xa9: {  	_ =	swait.ge [sflag:s5], $0x500  }
0xaa: {  	s7 =	sadd.s32 $0x1, s7;
	[sflag:s5] =	ssyncset.done $0x0  }
0xab: {  	p1 =	sne.s32 s7, s12;
	[sflag:s5] =	ssyncadd.s32 $0xFFFFFB00  }
.Ltmp1:
0xac: {  	[bflag:$0x0] =	sbarrier.arrive $0xFFFF;
	(pc) =	sbr.rel @p1 .LBB2_1-.Ltmp1, $4  }
0xad: {  	[hbm:s11], [sflag:s6] =	dma.local [spmem:s13], $0x500  }
0xae: {  	_ =	swait.ge [sflag:s14], $0x500  }
0xaf: {  	[sflag:s14] =	ssyncset.done $0x0  }
0xb0: {  	[sflag:s14] =	ssyncadd.s32 $0xFFFFFB00  }
0xb1: {  	_ =	sfence.sel $0x180000  }
0xb2: {  	[bflag:$0x0] =	sbarrier.arrive $0xFFFF  }
0xb3: {  	_ =	strace $0x9000004A  }
0xb4: {  	s0 =	stileid.u32;
	[bflag:$0x2] =	sbarrier.arrive $0xFFFF  }
0xb5: {  	p0 =	sne.s32 s0, $0x0;
	s0 =	rddreg [dreg:$0x3]  }
0xb6: {  	s0 =	sadd.s32 @!p0 $0x100000, s0  }
0xb7: {  	[sflag:s0] =	ssyncadd.tile.s32 @!p0 $0x1;
	_ =	shalt  }
.Lfunc_end2:
_tile_overlayer_lowered:
.L_overlay_start_2:
0xb8: {  	(tag) =	ssettag $0x2  }
0xb9: {  	s0 =	rddreg [dreg:$0x0];
	s2 =	stileid.u32  }
0xba: {  	s1 =	rddreg [dreg:$0x1];
	p0 =	sne.s32 s2, $0x0  }
0xbb: {  	s3 =	rddreg [dreg:$0x2];
	[bflag:$0x3] =	sbarrier.arrive $0xFFFF;
	s2 =	simm.s32 @!p0 $0x1C0B  }
0xbc: {  	[timem:s3], [sflag:s2] =	dma.local @!p0 [hbm:s0], s1  }
0xbd: {  	s0 =	simm.s32 @!p0 $0xB  }
0xbe: {  	_ =	swait.ge @!p0 [sflag:s0], s1  }
0xbf: {  	s1 =	ssub.s32 @!p0 $0x0, s1;
	[sflag:s0] =	ssyncset.done @!p0 $0x0  }
0xc0: {  	[sflag:s0] =	ssyncadd.s32 @!p0 s1  }
0xc1: {  	[bflag:$0x3] =	sbarrier.arrive $0xFFFF  }
0xc2: {  	_ =	shalt  }

// kernel: kernel.14.cloned.1.call-start
scs
__scs_entry_jumppad:
0x0: {  	(pc) =	sbr.rel $0x88, $3  }
0x1: {  	(tag) =	ssettag $0x0;
	lr =	simm.s32 $0x1  }
0x2: {  	[smem:$0x3F9B] =	sst lr;
	_ =	strace $0xD0000000  }
0x3: {  	_ = 	snop  }
0x4: {  	_ = 	snop  }
0x5: {  	_ = 	snop  }
0x6: {  	_ = 	snop  }
0x7: {  	_ = 	snop  }
__scs_overlays_trampoline_lowered:
0x8: {  	[smem:$0x3FAA] =	sst s0  }
0x9: {  	[smem:$0x3FAB] =	sst s1  }
0xa: {  	[smem:$0x3FAC] =	sst s2  }
0xb: {  	[smem:$0x3FAD] =	sst s3  }
0xc: {  	[smem:$0x3FAE] =	sst s4  }
0xd: {  	[smem:$0x3FAF] =	sst s5  }
0xe: {  	[smem:$0x3FB0] =	sst s6  }
0xf: {  	[smem:$0x3FB1] =	sst s7  }
0x10: {  	[smem:$0x3FB2] =	sst s8  }
0x11: {  	[smem:$0x3FB3] =	sst s9;
	s0 =	simm.s32 @!p0 $0x0  }
0x12: {  	s1 =	sld [smem:$0x3F99];
	s0 =	simm.s32 @p0 $0x1  }
0x13: {  	[smem:$0x3FB4] =	sst s0;
	s0 =	simm.s32 @!p1 $0x0  }
0x14: {  	s2 =	sld [smem:$0x3F98];
	s0 =	simm.s32 @p1 $0x1  }
0x15: {  	[smem:$0x3FB5] =	sst s0;
	s0 =	simm.s32 @!p2 $0x0  }
0x16: {  	s3 =	sld [smem:$0x3FDB];
	s0 =	simm.s32 @p2 $0x1  }
0x17: {  	s4 =	simm.s32 $0x1BF5;
	[smem:$0x3FB7] =	sst s0  }
0x18: {  	s0 =	sld [smem:$0x3F9A];
	_ =	swait.ge [sflag:s4], $0x0  }
0x19: {  	s7 =	sld [smem:$0x3F9B]  }
0x1a: {  	s8 =	sadd.s32 $0xFFFFE003, lr  }
0x1b: {  	s9 =	sadd.s32 $0xFFFFFEF7, lr;
	s5 =	simm.s32 $0xFFFFFFFF;
	p2 =	slt.u32 s8, $0xFFFFF086  }
0x1c: {  	p1 =	slt.u32 s9, $0xF7A;
	s5 =	simm.s32 @!p2 $0x0  }
0x1d: {  	s5 =	simm.s32 @p1 $0x1;
	p0 =	seq.s32 s7, s2  }
0x1e: {  	s7 =	smul.u32 @!p0 $0xF7A, s2;
	p2 =	seq.s32 @!p0 s5, $0x0  }
0x1f: {  	s9 =	smul.u32 $0xF7A, s1;
	s8 =	simm.s32 @!p0 $0x1BF5;
	p2 =	por !p2, p0  }
0x20: {  	[sflag:s8] =	ssyncset.s32 @!p0 $0xFFFFF086;
	s6 =	sadd.s32 @!p0 s3, s7;
	s7 =	simm.s32 @!p0 $0x108  }
0x21: {  	s3 =	sadd.s32 s3, s9;
	s6 =	sadd.s32 @!p0 $0x88, s6;
	s7 =	simm.s32 @p2 $0x1082  }
0x22: {  	[simem:s7], [sflag:s8] =	dma.local @!p0 [hbm:s6], $0xF7A  }
0x23: {  	s9 =	sor.u32 $0xD0000000, s2;
	s6 =	simm.s32 $0x108;
	_ =	swait.ge @!p0 [sflag:s8], $0x0  }
0x24: {  	s3 =	sadd.s32 $0x88, s3;
	s6 =	simm.s32 @!p1 $0x1082;
	[sflag:s4] =	ssyncset.s32 $0xFFFFF086  }
0x25: {  	[simem:s6], [sflag:s4] =	dma.local [hbm:s3], $0xF7A  }
0x26: {  	[smem:$0x3F9B] =	sst s1;
	(tag) =	ssettag s2;
	_ =	strace s9  }
0x27: {  	s1 =	sld [smem:$0x3FAB]  }
0x28: {  	s2 =	sld [smem:$0x3FAC]  }
0x29: {  	s4 =	sld [smem:$0x3FAE]  }
0x2a: {  	p0 =	seq.s32 s5, $0x0;
	s5 =	sld [smem:$0x3FAF]  }
0x2b: {  	s6 =	sld [smem:$0x3FB0]  }
0x2c: {  	s7 =	sld [smem:$0x3FB1]  }
0x2d: {  	s3 =	simm.s32 $0x108;
	s8 =	sld [smem:$0x3FB2]  }
0x2e: {  	s3 =	simm.s32 @!p0 $0x1082;
	s9 =	sld [smem:$0x3FB3]  }
0x2f: {  	lr =	sadd.s32 s0, s3;
	s0 =	sld [smem:$0x3FAA]  }
0x30: {  	s3 =	sld [smem:$0x3FAD]  }
0x31: {  	[smem:$0x3FB6] =	sst s10  }
0x32: {  	s10 =	sld [smem:$0x3FB4];
	_ =	sdelay $0x3  }
0x33: {  	p0 =	seq.s32 s10, $0x1;
	s10 =	sld [smem:$0x3FB6];
	_ =	sdelay $0x3  }
0x34: {  	[smem:$0x3FB6] =	sst s10  }
0x35: {  	s10 =	sld [smem:$0x3FB5];
	_ =	sdelay $0x3  }
0x36: {  	p1 =	seq.s32 s10, $0x1;
	s10 =	sld [smem:$0x3FB6];
	_ =	sdelay $0x3  }
0x37: {  	[smem:$0x3FB6] =	sst s10  }
0x38: {  	s10 =	sld [smem:$0x3FB7]  }
0x39: {  	_ = 	snop;
	(pc) =	sbr.ind lr, $3  }
0x3a: {  	_ = 	snop  }
0x3b: {  	_ = 	snop  }
0x3c: {  	p2 =	seq.s32 s10, $0x1;
	s10 =	sld [smem:$0x3FB6]  }
0x3d: {  	_ =	shalt  }
0x3e: {  	_ =	shalt  }
0x3f: {  	_ =	shalt  }
0x40: {  	_ =	shalt  }
0x41: {  	_ =	shalt  }
0x42: {  	_ =	shalt  }
0x43: {  	_ =	shalt  }
0x44: {  	_ =	shalt  }
0x45: {  	_ =	shalt  }
0x46: {  	_ =	shalt  }
0x47: {  	_ =	shalt  }
0x48: {  	_ =	shalt  }
0x49: {  	_ =	shalt  }
0x4a: {  	_ =	shalt  }
0x4b: {  	_ =	shalt  }
0x4c: {  	_ =	shalt  }
0x4d: {  	_ =	shalt  }
0x4e: {  	_ =	shalt  }
0x4f: {  	_ =	shalt  }
0x50: {  	_ =	shalt  }
0x51: {  	_ =	shalt  }
0x52: {  	_ =	shalt  }
0x53: {  	_ =	shalt  }
0x54: {  	_ =	shalt  }
0x55: {  	_ =	shalt  }
0x56: {  	_ =	shalt  }
0x57: {  	_ =	shalt  }
0x58: {  	_ =	shalt  }
0x59: {  	_ =	shalt  }
0x5a: {  	_ =	shalt  }
0x5b: {  	_ =	shalt  }
0x5c: {  	_ =	shalt  }
0x5d: {  	_ =	shalt  }
0x5e: {  	_ =	shalt  }
0x5f: {  	_ =	shalt  }
0x60: {  	_ =	shalt  }
0x61: {  	_ =	shalt  }
0x62: {  	_ =	shalt  }
0x63: {  	_ =	shalt  }
0x64: {  	_ =	shalt  }
0x65: {  	_ =	shalt  }
0x66: {  	_ =	shalt  }
0x67: {  	_ =	shalt  }
0x68: {  	_ =	shalt  }
0x69: {  	_ =	shalt  }
0x6a: {  	_ =	shalt  }
0x6b: {  	_ =	shalt  }
0x6c: {  	_ =	shalt  }
0x6d: {  	_ =	shalt  }
0x6e: {  	_ =	shalt  }
0x6f: {  	_ =	shalt  }
0x70: {  	_ =	shalt  }
0x71: {  	_ =	shalt  }
0x72: {  	_ =	shalt  }
0x73: {  	_ =	shalt  }
0x74: {  	_ =	shalt  }
0x75: {  	_ =	shalt  }
0x76: {  	_ =	shalt  }
0x77: {  	_ =	shalt  }
0x78: {  	_ =	shalt  }
0x79: {  	_ =	shalt  }
0x7a: {  	_ =	shalt  }
0x7b: {  	_ =	shalt  }
0x7c: {  	_ =	shalt  }
0x7d: {  	_ =	shalt  }
0x7e: {  	_ =	shalt  }
0x7f: {  	_ =	shalt  }
0x80: {  	_ =	shalt  }
0x81: {  	_ =	shalt  }
0x82: {  	_ =	shalt  }
0x83: {  	_ =	shalt  }
0x84: {  	_ =	shalt  }
0x85: {  	_ =	shalt  }
0x86: {  	_ =	shalt  }
0x87: {  	_ =	shalt  }
.Lfunc_end0:
.L_simem_size_0:
called_computation.2_lowered:
.L_overlay_start_0:
0x88: {  	s2 =	sld [smem:$0x3FD9]  }
0x89: {  	s3 =	sld [smem:$0x3FFE];
	_ =	sdelay $0x1  }
0x8a: {  	s1 =	srdreg.scid  }
0x8b: {  	s0 =	sand.u32 $0x1, s1  }
0x8c: {  	s17 =	sshll.u32 s0, $0xA;
	s2 =	sadd.s32 s3, s2  }
0x8d: {  	s2 =	sadd.s32 s2, s17  }
0x8e: {  	[smem:$0x3FC2] =	sst s2  }
0x8f: {  	_ = 	snop  }
0x90: {  	s2 =	sld [smem:$0x3FD0];
	(tm) =	ssettm $0x1  }
0x91: {  	s18 =	sld [smem:$0x3FFB];
	_ =	sdelay $0x3  }
0x92: {  	_ =	strace s18  }
0x93: {  	s3 =	sld [smem:$0x3FFC];
	_ =	sdelay $0x3  }
0x94: {  	_ =	strace s3  }
0x95: {  	s3 =	sld [smem:$0x3FFD];
	_ =	sdelay $0x3  }
0x96: {  	_ =	strace s3  }
0x97: {  	_ =	strace $0x8FFFFFFF  }
0x98: {  	s19 =	sld [smem:$0x3FDB];
	_ =	sdelay $0x1  }
0x99: {  	s4 =	simm.s32 $_scs_section_size  }
0x9a: {  	s5 =	simm.s32 $_size__tile_overlayer_lowered;
	s6 =	simm.s32 $_tile_overlayer_lowered  }
0x9b: {  	s22 =	simm.s32 $0x1BFF;
	s21 =	sshll.u32 s6, $0x1;
	s3 =	sadd.s32 s4, s19  }
0x9c: {  	s7 =	simm.s32 $0x0;
	s20 =	sshll.u32 s5, $0x1;
	s5 =	sadd.s32 s21, s3  }
0x9d: {  	[timem:s7], [sflag:s22] =	dma.local [hbm:s5], s20  }
0x9e: {  	_ =	swait.ge [sflag:s22], s20  }
0x9f: {  	s4 =	ssub.s32 $0x0, s20;
	[sflag:s22] =	ssyncset.done $0x0  }
0xa0: {  	[sflag:s22] =	ssyncadd.s32 s4;
	_ =	sdelay $0x1  }
0xa1: {  	s23 =	simm.s32 $0x1B8B  }
0xa2: {  	_ =	swait.ge [sflag:s23], $0x1  }
0xa3: {  	[sflag:s23] =	ssyncset.done $0x0  }
0xa4: {  	s25 =	simm.s32 $0x1B8E;
	s24 =	sld [smem:$0x3FFE];
	[sflag:s23] =	ssyncadd.s32 $0xFFFFFFFF  }
0xa5: {  	s26 =	simm.s32 $execute0_lowered;
	[smem:$0x3FD2] =	sst s25  }
0xa6: {  	s5 =	sshll.u32 s26, $0x1;
	_ =	strace $0x8000004C;
	[dreg:$0x1] =	wrdreg $0xFFFFFFFF  }
0xa7: {  	s28 =	simm.s32 $_size_execute0_lowered;
	s3 =	sadd.s32 s3, s5;
	[dreg:$0x0] =	wrdreg $0x0  }
0xa8: {  	s5 =	sshll.u32 s28, $0x1;
	[dreg:$0x2] =	wrdreg s3  }
0xa9: {  	[dreg:$0x3] =	wrdreg s5  }
0xaa: {  	[dreg:$0x4] =	wrdreg $0xC0  }
0xab: {  	_ =	task [dreg:s7], $0x5FFFF  }
0xac: {  	[dreg:$0x1] =	wrdreg $0xFFFFFFFF  }
0xad: {  	[dreg:$0x0] =	wrdreg $0x60  }
0xae: {  	[dreg:$0x2] =	wrdreg s24  }
0xaf: {  	[dreg:$0x3] =	wrdreg s2  }
0xb0: {  	[dreg:$0x4] =	wrdreg $0x9DD00  }
0xb1: {  	[dreg:$0x5] =	wrdreg $0xA0500  }
0xb2: {  	[dreg:$0x6] =	wrdreg $0x9  }
0xb3: {  	_ =	task.clear_ibuf [dreg:s7], $0x7FFFF;
	_ =	strace $0x9000004C  }
0xb4: {  	s29 =	simm.s32 $0x9;
	_ =	strace $0x8000004E  }
0xb5: {  	_ =	swait.ge [sflag:s29], $0x1  }
0xb6: {  	[sflag:s29] =	ssyncadd.s32 $0xFFFFFFFF  }
0xb7: {  	_ =	strace $0x9000004E  }
0xb8: {  	_ =	sfence  }
0xb9: {  	s30 =	sld [smem:$0x0];
	_ =	sdelay $0x2  }
0xba: {  	s31 =	sshll.u32 s1, $0xD;
	s1 =	sshrl.u32 s1, $0x2  }
0xbb: {  	s3 =	sand.u32 $0x4000, s31;
	s1 =	sadd.s32 s1, s30  }
0xbc: {  	s0 =	sor.u32 s3, s0;
	s1 =	sshll.u32 s1, $0x11  }
0xbd: {  	s0 =	sor.u32 s1, s0  }
0xbe: {  	s0 =	sadd.s32 $0x8F2B, s0  }
0xbf: {  	[sflag:s0] =	ssyncadd.remote.s32 $0x1  }
0xc0: {  	_ =	sfence.sel $0xFFFF  }
0xc1: {  	[dreg:$0x0] =	wrdreg $0xFFFFFFFF;
	(pc) =	sbr.abs _section_cstart, $3  }
0xc2: {  	[dreg:$0x1] =	wrdreg $0xFFFFFFFF  }
0xc3: {  	_ =	task.clear_ibuf [dreg:s7], $0x2FFFF;
	_ =	strace $0x9FFFFFFF  }
0xc4: {  	(tm) =	ssettm $0x7FFFFFFF  }
0xc5: {  	_ =	shalt  }
tec
execute0_lowered:
.L_overlay_start_1:
0x0: {  	(tag) =	ssettag $0x1  }
0x1: {  	s0 =	rddreg [dreg:$0x0]  }
0x2: {  	s3 =	rddreg [dreg:$0x2]  }
0x3: {  	s4 =	rddreg [dreg:$0x3]  }
0x4: {  	s14 =	stileid.u32;
	s1 =	srdreg.scid  }
0x5: {  	s5 =	simm.s32 $0x0;
	s28 =	simm.s32 $0x9C90;
	s30 =	simm.s32 $0x9CE0  }
0x6: {  	s16 =	simm.s32 $0x3;
	s31 =	simm.s32 $0x5;
	s15 =	simm.s32 $0x6  }
0x7: {  	s29 =	simm.s32 $0x8;
	s2 =	smul.u32 $0x4E20, s14;
	s1 =	sand.u32 $0x1, s1  }
0x8: {  	s6 =	sshll.u32 s14, $0x1;
	s8 =	smul.u32 $0x280, s14;
	[smem:$0x7FF] =	sst s5  }
0x9: {  	s11 =	sadd.s32 $0x15200, s0;
	s20 =	sshll.u32 s14, $0x6;
	s22 =	sadd.s32 $0x150B0, s0  }
0xa: {  	s25 =	sadd.s32 $0x248D8, s0;
	_ =	strace $0x8000004D;
	[dreg:$0x5] =	wrdreg s11  }
0xb: {  	s26 =	sadd.s32 $0x26C0, s4;
	p0 =	seq.s32 s14, $0xF;
	[dreg:$0x9] =	wrdreg s22  }
0xc: {  	s14 =	simm.s32 $0x2;
	s6 =	sor.u32 s1, s6;
	[dreg:$0xd] =	wrdreg s25  }
0xd: {  	s1 =	ssub.s32 $0x2, s1;
	[dreg:$0xe] =	wrdreg s26;
	s22 =	simm.s32 $0x4E20  }
0xe: {  	s25 =	simm.s32 $0x50;
	s26 =	simm.s32 $0x9C40;
	s2 =	sshrl.u32 s2, $0x3  }
0xf: {  	s9 =	smul.u32 $0x140, s6;
	s7 =	sshrl.u32 s8, $0x3;
	s19 =	sshrl.u32 s1, $0x1  }
0x10: {  	s13 =	sadd.s32 s8, s3;
	p1 =	seq.s32 s6, $0x1F;
	s6 =	simm.s32 $0xA  }
0x11: {  	s2 =	sadd.s32 s2, s0;
	s10 =	sadd.s32 s7, s0;
	s1 =	ssub.s32 s1, s19  }
0x12: {  	s7 =	sor.u32 $0x1C0B, s20;
	s20 =	sshrl.u32 s13, $0x3;
	s13 =	simm.s32 $0x1  }
0x13: {  	s17 =	sshrl.u32 s9, $0x3;
	s12 =	sadd.s32 $0x1200, s2;
	s2 =	sadd.s32 $0xAE40, s2  }
0x14: {  	s21 =	sadd.s32 $0x14C00, s10;
	s19 =	smax.u32 s1, $0x1;
	[dreg:$0x6] =	wrdreg s12  }
0x15: {  	s1 =	simm.s32 $0x9;
	s18 =	sadd.s32 s17, s0;
	[dreg:$0x7] =	wrdreg s2  }
0x16: {  	s2 =	sadd.s32 s8, s4;
	[dreg:$0x8] =	wrdreg s21;
	s8 =	sadd.s32 $0x2580, s4  }
0x17: {  	s12 =	sadd.s32 s9, s3;
	s9 =	sadd.s32 s9, s4;
	s0 =	sadd.s32 $0x158D8, s0  }
.Ltmp0:
0x18: {  	s21 =	simm.s32 $0xB;
	[dreg:$0xb] =	wrdreg s9;
	(pc) =	sbr.rel .LBB2_1-.Ltmp0, $4  }
0x19: {  	s17 =	simm.s32 $0x7;
	s23 =	sadd.s32 $0x24400, s18;
	[dreg:$0xf] =	wrdreg s0  }
0x1a: {  	s24 =	sadd.s32 $0x15400, s18;
	s0 =	simm.s32 $0x9D30;
	[dreg:$0xa] =	wrdreg s23  }
0x1b: {  	s18 =	simm.s32 $0x4;
	[dreg:$0xc] =	wrdreg s24;
	s23 =	sshrl.u32 @p0 s8, $0x3  }
0x1c: {  	s24 =	sshrl.u32 @!p0 s2, $0x3;
	s2 =	simm.s32 $0x9D80;
	s8 =	simm.s32 $0x0  }
.LBB2_7:
0x1d: {  	s9 =	rddreg [dreg:$0xd];
	s10 =	simm.s32 $0xA410  }
0x1e: {  	[tilespmem:s10], [sflag:$0xB] =	stream.linear.gather [hbm4b:s9+s5], $0x50, $0x38;
	[tilespmem:$0xA7E0] =	vst v63  }
0x1f: {  	_ =	swait.ge [sflag:s21], $0x50  }
0x20: {  	[sflag:s21] =	ssyncset.done $0x0  }
0x21: {  	s11 =	simm.s32 $0xA550;
	s10 =	rddreg [dreg:$0xe];
	[sflag:s21] =	ssyncadd.s32 $0xFFFFFFB0  }
0x22: {  	[tilespmem:s11], [sflag:$0xB] =	stream.linear.gather [spmem:s10], $0x50, $0x38;
	[tilespmem:$0xA7E0] =	vst v63  }
0x23: {  	_ =	swait.ge [sflag:s21], $0x50  }
0x24: {  	[sflag:s21] =	ssyncset.done $0x0  }
0x25: {  	[sflag:s21] =	ssyncadd.s32 $0xFFFFFFB0  }
0x26: {  	v0 =	vld [tilespmem:$0xA2D0]  }
0x27: {  	v1 =	vld [tilespmem:$0xA410]  }
0x28: {  	v2 =	vld [tilespmem:$0xA550]  }
0x29: {  	v3 =	vld [tilespmem:$0xA7D0]  }
0x2a: {  	v4 =	vld [tilespmem:$0xA2E0]  }
0x2b: {  	v5 =	vld [tilespmem:$0xA420]  }
0x2c: {  	v6 =	vld [tilespmem:$0xA560]  }
0x2d: {  	v7 =	vld [tilespmem:$0xA7D0]  }
0x2e: {  	v8 =	vld [tilespmem:$0xA2F0]  }
0x2f: {  	v9 =	vld [tilespmem:$0xA430]  }
0x30: {  	v10 =	vld [tilespmem:$0xA570]  }
0x31: {  	v11 =	vld [tilespmem:$0xA7D0]  }
0x32: {  	v12 =	vld [tilespmem:$0xA300]  }
0x33: {  	v13 =	vld [tilespmem:$0xA580]  }
0x34: {  	v14 =	vld [tilespmem:$0xA310]  }
0x35: {  	v15 =	vld [tilespmem:$0xA590]  }
0x36: {  	v54 =	vld [tilespmem:$0xA440];
	v0 =	vadd.f32 v2, v0  }
0x37: {  	v55 =	vld [tilespmem:$0xA450];
	v4 =	vadd.f32 v6, v4  }
0x38: {  	v57 =	vld [tilespmem:$0xA7D0];
	v56 =	vadd.f32 v10, v8;
	v0 =	vmul.f32 v0, v1  }
0x39: {  	v59 =	vld [tilespmem:$0xA7D0];
	v58 =	vadd.f32 v13, v12;
	v4 =	vmul.f32 v4, v5  }
0x3a: {  	v60 =	vadd.f32 v15, v14;
	v1 =	vmul.f32 v56, v9;
	v0 =	vadd.f32 v0, v3  }
0x3b: {  	v2 =	vmul.f32 v58, v54;
	v4 =	vadd.f32 v4, v7  }
0x3c: {  	v62 =	vmul.f32 v60, v55;
	v61 =	vadd.f32 v1, v11;
	[tilespmem:$0xA690] =	vst v0  }
0x3d: {  	v2 =	vadd.f32 v2, v57;
	[tilespmem:$0xA6A0] =	vst v4  }
0x3e: {  	v63 =	vadd.f32 v62, v59;
	[tilespmem:$0xA6B0] =	vst v61  }
0x3f: {  	[tilespmem:$0xA6C0] =	vst v2  }
0x40: {  	s11 =	simm.s32 $0xA690;
	s10 =	rddreg [dreg:$0xf];
	[tilespmem:$0xA6D0] =	vst v63  }
0x41: {  	[hbm4b:s10+s5] =	stream.linear.scatter [tilespmem:s11], [sflag:$0xB], $0x50, $0x38;
	[tilespmem:$0xA7E0] =	vst v63  }
0x42: {  	_ =	swait.ge [sflag:s21], $0x50  }
0x43: {  	[sflag:s21] =	ssyncset.done $0x0  }
0x44: {  	[sflag:s21] =	ssyncadd.s32 $0xFFFFFFB0  }
.LBB2_8:
0x45: {  	s8 =	sadd.s32 $0x1, s8  }
0x46: {  	p2 =	sne.s32 s8, s19  }
.Ltmp1:
0x47: {  	_ = 	snop;
	(pc) =	sbr.rel @!p2 .LBB2_9-.Ltmp1, $1  }
0x48: {  	_ =	sdelay $0x3  }
.LBB2_1:
0x49: {  	s9 =	rddreg [dreg:$0x1]  }
0x4a: {  	[spmem:s20], [sflag:s7] =	dma.local [hbm:s9], $0x50  }
0x4b: {  	_ =	swait.ge [sflag:s21], $0x50  }
0x4c: {  	[sflag:s21] =	ssyncset.done $0x0  }
0x4d: {  	s10 =	rddreg [dreg:$0x6];
	[sflag:s21] =	ssyncadd.s32 $0xFFFFFFB0  }
0x4e: {  	[tilespmem:s5], [sflag:$0xB] =	stream.linear.gather [hbm4b:s10+s5], $0x4E20, $0x38;
	[tilespmem:$0xA7E0] =	vst v63  }
0x4f: {  	_ =	swait.ge [sflag:s21], $0x4E20  }
0x50: {  	[sflag:s21] =	ssyncset.done $0x0  }
0x51: {  	s11 =	rddreg [dreg:$0x7];
	[sflag:s21] =	ssyncadd.s32 $0xFFFFB1E0  }
0x52: {  	[tilespmem:s22], [sflag:$0xB] =	stream.linear.gather [hbm4b:s11+s5], $0x4E20, $0x38;
	[tilespmem:$0xA7E0] =	vst v63  }
0x53: {  	_ =	swait.ge [sflag:s21], $0x4E20  }
0x54: {  	[sflag:s21] =	ssyncset.done $0x0  }
0x55: {  	s9 =	rddreg [dreg:$0x9];
	[sflag:s21] =	ssyncadd.s32 $0xFFFFB1E0  }
0x56: {  	[spmem:s23], [sflag:s7] =	dma.local @p0 [hbm:s9], $0x32  }
0x57: {  	s9 =	simm.s32 @p0 $0xB  }
0x58: {  	_ =	swait.ge @p0 [sflag:s9], $0x32  }
0x59: {  	[sflag:s9] =	ssyncset.done @p0 $0x0  }
0x5a: {  	[sflag:s9] =	ssyncadd.s32 @p0 $0xFFFFFFCE;
	s9 =	rddreg [dreg:$0x8]  }
0x5b: {  	[spmem:s24], [sflag:s7] =	dma.local @!p0 [hbm:s9], $0x50  }
0x5c: {  	s9 =	simm.s32 @!p0 $0xB  }
0x5d: {  	_ =	swait.ge @!p0 [sflag:s9], $0x50  }
0x5e: {  	[sflag:s9] =	ssyncset.done @!p0 $0x0  }
0x5f: {  	[sflag:s9] =	ssyncadd.s32 @!p0 $0xFFFFFFB0  }
0x60: {  	[bflag:$0x0] =	sbarrier.arrive $0xFFFF  }
0x61: {  	[tilespmem:s26], [sflag:$0x1] =	stream.indirect.gather [spmem:s4], $0x1, s5, s25, $0xb8;
	[tilespmem:$0xA7E0] =	vst v63  }
0x62: {  	_ = 	snop  }
0x63: {  	[tilespmem:s28], [sflag:$0x2] =	stream.indirect.gather [spmem:s4], $0x1, s25, s25, $0xb8;
	[tilespmem:$0xA7E0] =	vst v63  }
0x64: {  	s10 =	simm.s32 $0xA0  }
0x65: {  	[tilespmem:s30], [sflag:$0x3] =	stream.indirect.gather [spmem:s4], $0x1, s10, s25, $0xb8;
	[tilespmem:$0xA7E0] =	vst v63  }
0x66: {  	s11 =	simm.s32 $0xF0  }
0x67: {  	[tilespmem:s0], [sflag:$0x4] =	stream.indirect.gather [spmem:s4], $0x1, s11, s25, $0xb8;
	[tilespmem:$0xA7E0] =	vst v63  }
0x68: {  	s10 =	simm.s32 $0x140  }
0x69: {  	[tilespmem:s2], [sflag:$0x5] =	stream.indirect.gather [spmem:s4], $0x1, s10, s25, $0xb8;
	[tilespmem:$0xA7E0] =	vst v63  }
0x6a: {  	_ =	swait.ge [sflag:s13], $0x50  }
0x6b: {  	[sflag:s13] =	ssyncset.done $0x0  }
0x6c: {  	[sflag:s13] =	ssyncadd.s32 $0xFFFFFFB0  }
0x6d: {  	[spmem:s3] =	stream.indirect.scatter.add.f32 [tilespmem:s26], [sflag:$0x6], $0x1, s22, s25, $0xb8;
	[tilespmem:$0xA7E0] =	vst v63  }
0x6e: {  	_ =	swait.ge [sflag:s14], $0x50  }
0x6f: {  	[sflag:s14] =	ssyncset.done $0x0  }
0x70: {  	s11 =	simm.s32 $0x4E70;
	[sflag:s14] =	ssyncadd.s32 $0xFFFFFFB0  }
0x71: {  	[spmem:s3] =	stream.indirect.scatter.add.f32 [tilespmem:s28], [sflag:$0x7], $0x1, s11, s25, $0xb8;
	[tilespmem:$0xA7E0] =	vst v63  }
0x72: {  	_ =	swait.ge [sflag:s16], $0x50  }
0x73: {  	[sflag:s16] =	ssyncset.done $0x0  }
0x74: {  	s10 =	simm.s32 $0x4EC0;
	[sflag:s16] =	ssyncadd.s32 $0xFFFFFFB0  }
0x75: {  	[spmem:s3] =	stream.indirect.scatter.add.f32 [tilespmem:s30], [sflag:$0x8], $0x1, s10, s25, $0xb8;
	[tilespmem:$0xA7E0] =	vst v63  }
0x76: {  	_ =	swait.ge [sflag:s18], $0x50  }
0x77: {  	[sflag:s18] =	ssyncset.done $0x0  }
0x78: {  	s11 =	simm.s32 $0x4F10;
	[sflag:s18] =	ssyncadd.s32 $0xFFFFFFB0  }
0x79: {  	[spmem:s3] =	stream.indirect.scatter.add.f32 [tilespmem:s0], [sflag:$0x9], $0x1, s11, s25, $0xb8;
	[tilespmem:$0xA7E0] =	vst v63  }
0x7a: {  	_ =	swait.ge [sflag:s31], $0x50  }
0x7b: {  	[sflag:s31] =	ssyncset.done $0x0  }
0x7c: {  	s10 =	simm.s32 $0x4F60;
	[sflag:s31] =	ssyncadd.s32 $0xFFFFFFB0  }
0x7d: {  	[spmem:s3] =	stream.indirect.scatter.add.f32 [tilespmem:s2], [sflag:$0xA], $0x1, s10, s25, $0xb8;
	[tilespmem:$0xA7E0] =	vst v63  }
0x7e: {  	_ =	swait.ge [sflag:s15], $0x50  }
0x7f: {  	[sflag:s15] =	ssyncset.done $0x0  }
0x80: {  	s11 =	simm.s32 $0x190;
	[sflag:s15] =	ssyncadd.s32 $0xFFFFFFB0  }
0x81: {  	[tilespmem:s26], [sflag:$0x1] =	stream.indirect.gather [spmem:s4], $0x1, s11, s25, $0xb8;
	[tilespmem:$0xA7E0] =	vst v63  }
0x82: {  	_ =	swait.ge [sflag:s17], $0x50  }
0x83: {  	[sflag:s17] =	ssyncset.done $0x0  }
0x84: {  	s10 =	simm.s32 $0x1E0;
	[sflag:s17] =	ssyncadd.s32 $0xFFFFFFB0  }
0x85: {  	[tilespmem:s28], [sflag:$0x2] =	stream.indirect.gather [spmem:s4], $0x1, s10, s25, $0xb8;
	[tilespmem:$0xA7E0] =	vst v63  }
0x86: {  	_ =	swait.ge [sflag:s29], $0x50  }
0x87: {  	[sflag:s29] =	ssyncset.done $0x0  }
0x88: {  	s11 =	simm.s32 $0x230;
	[sflag:s29] =	ssyncadd.s32 $0xFFFFFFB0  }
0x89: {  	[tilespmem:s30], [sflag:$0x3] =	stream.indirect.gather [spmem:s4], $0x1, s11, s25, $0xb8;
	[tilespmem:$0xA7E0] =	vst v63  }
0x8a: {  	_ =	swait.ge [sflag:s1], $0x50  }
0x8b: {  	[sflag:s1] =	ssyncset.done $0x0  }
0x8c: {  	s10 =	simm.s32 $0x280;
	[sflag:s1] =	ssyncadd.s32 $0xFFFFFFB0  }
0x8d: {  	[tilespmem:s0], [sflag:$0x4] =	stream.indirect.gather [spmem:s4], $0x1, s10, s25, $0xb8;
	[tilespmem:$0xA7E0] =	vst v63  }
0x8e: {  	_ =	swait.ge [sflag:s6], $0x50  }
0x8f: {  	[sflag:s6] =	ssyncset.done $0x0  }
0x90: {  	s11 =	simm.s32 $0x2D0;
	[sflag:s6] =	ssyncadd.s32 $0xFFFFFFB0  }
0x91: {  	[tilespmem:s2], [sflag:$0x5] =	stream.indirect.gather [spmem:s4], $0x1, s11, s25, $0xb8;
	[tilespmem:$0xA7E0] =	vst v63  }
0x92: {  	_ =	swait.ge [sflag:s13], $0x50  }
0x93: {  	[sflag:s13] =	ssyncset.done $0x0  }
0x94: {  	s10 =	simm.s32 $0x4FB0;
	[sflag:s13] =	ssyncadd.s32 $0xFFFFFFB0  }
0x95: {  	[spmem:s3] =	stream.indirect.scatter.add.f32 [tilespmem:s26], [sflag:$0x6], $0x1, s10, s25, $0xb8;
	[tilespmem:$0xA7E0] =	vst v63  }
0x96: {  	_ =	swait.ge [sflag:s14], $0x50  }
0x97: {  	[sflag:s14] =	ssyncset.done $0x0  }
0x98: {  	s11 =	simm.s32 $0x5000;
	[sflag:s14] =	ssyncadd.s32 $0xFFFFFFB0  }
0x99: {  	[spmem:s3] =	stream.indirect.scatter.add.f32 [tilespmem:s28], [sflag:$0x7], $0x1, s11, s25, $0xb8;
	[tilespmem:$0xA7E0] =	vst v63  }
0x9a: {  	_ =	swait.ge [sflag:s16], $0x50  }
0x9b: {  	[sflag:s16] =	ssyncset.done $0x0  }
0x9c: {  	s10 =	simm.s32 $0x5050;
	[sflag:s16] =	ssyncadd.s32 $0xFFFFFFB0  }
0x9d: {  	[spmem:s3] =	stream.indirect.scatter.add.f32 [tilespmem:s30], [sflag:$0x8], $0x1, s10, s25, $0xb8;
	[tilespmem:$0xA7E0] =	vst v63  }
0x9e: {  	_ =	swait.ge [sflag:s18], $0x50  }
0x9f: {  	[sflag:s18] =	ssyncset.done $0x0  }
0xa0: {  	s11 =	simm.s32 $0x50A0;
	[sflag:s18] =	ssyncadd.s32 $0xFFFFFFB0  }
0xa1: {  	[spmem:s3] =	stream.indirect.scatter.add.f32 [tilespmem:s0], [sflag:$0x9], $0x1, s11, s25, $0xb8;
	[tilespmem:$0xA7E0] =	vst v63  }
0xa2: {  	_ =	swait.ge [sflag:s31], $0x50  }
0xa3: {  	[sflag:s31] =	ssyncset.done $0x0  }
0xa4: {  	s9 =	simm.s32 $0x640;
	s10 =	simm.s32 $0x50F0;
	[sflag:s31] =	ssyncadd.s32 $0xFFFFFFB0  }
.LBB2_2:
0xa5: {  	[spmem:s3] =	stream.indirect.scatter.add.f32 [tilespmem:s2], [sflag:$0xA], $0x1, s10, s25, $0xb8;
	[tilespmem:$0xA7E0] =	vst v63  }
0xa6: {  	s10 =	smov.u32 s9  }
0xa7: {  	p2 =	sne.s32 s9, $0x12C00;
	s9 =	sadd.s32 $0x640, s9;
	_ =	swait.ge [sflag:s15], $0x50  }
0xa8: {  	s10 =	sshra.s32 s10, $0x2;
	[sflag:s15] =	ssyncset.done $0x0  }
0xa9: {  	s11 =	sadd.s32 $0x190, s10;
	[sflag:s15] =	ssyncadd.s32 $0xFFFFFFB0  }
0xaa: {  	[tilespmem:s26], [sflag:$0x1] =	stream.indirect.gather [spmem:s4], $0x1, s11, s25, $0xb8;
	[tilespmem:$0xA7E0] =	vst v63  }
0xab: {  	_ =	swait.ge [sflag:s17], $0x50  }
0xac: {  	[sflag:s17] =	ssyncset.done $0x0  }
0xad: {  	s11 =	sadd.s32 $0x1E0, s10;
	[sflag:s17] =	ssyncadd.s32 $0xFFFFFFB0  }
0xae: {  	[tilespmem:s28], [sflag:$0x2] =	stream.indirect.gather [spmem:s4], $0x1, s11, s25, $0xb8;
	[tilespmem:$0xA7E0] =	vst v63  }
0xaf: {  	_ =	swait.ge [sflag:s29], $0x50  }
0xb0: {  	[sflag:s29] =	ssyncset.done $0x0  }
0xb1: {  	s11 =	sadd.s32 $0x230, s10;
	[sflag:s29] =	ssyncadd.s32 $0xFFFFFFB0  }
0xb2: {  	[tilespmem:s30], [sflag:$0x3] =	stream.indirect.gather [spmem:s4], $0x1, s11, s25, $0xb8;
	[tilespmem:$0xA7E0] =	vst v63  }
0xb3: {  	_ =	swait.ge [sflag:s1], $0x50  }
0xb4: {  	[sflag:s1] =	ssyncset.done $0x0  }
0xb5: {  	s11 =	sadd.s32 $0x280, s10;
	[sflag:s1] =	ssyncadd.s32 $0xFFFFFFB0  }
0xb6: {  	[tilespmem:s0], [sflag:$0x4] =	stream.indirect.gather [spmem:s4], $0x1, s11, s25, $0xb8;
	[tilespmem:$0xA7E0] =	vst v63  }
0xb7: {  	_ =	swait.ge [sflag:s6], $0x50  }
0xb8: {  	[sflag:s6] =	ssyncset.done $0x0  }
0xb9: {  	s11 =	sadd.s32 $0x2D0, s10;
	[sflag:s6] =	ssyncadd.s32 $0xFFFFFFB0  }
0xba: {  	[tilespmem:s2], [sflag:$0x5] =	stream.indirect.gather [spmem:s4], $0x1, s11, s25, $0xb8;
	[tilespmem:$0xA7E0] =	vst v63  }
0xbb: {  	_ =	swait.ge [sflag:s13], $0x50  }
0xbc: {  	[sflag:s13] =	ssyncset.done $0x0  }
0xbd: {  	s11 =	sadd.s32 $0x4FB0, s10;
	[sflag:s13] =	ssyncadd.s32 $0xFFFFFFB0  }
0xbe: {  	[spmem:s3] =	stream.indirect.scatter.add.f32 [tilespmem:s26], [sflag:$0x6], $0x1, s11, s25, $0xb8;
	[tilespmem:$0xA7E0] =	vst v63  }
0xbf: {  	_ =	swait.ge [sflag:s14], $0x50  }
0xc0: {  	[sflag:s14] =	ssyncset.done $0x0  }
0xc1: {  	s11 =	sadd.s32 $0x5000, s10;
	[sflag:s14] =	ssyncadd.s32 $0xFFFFFFB0  }
0xc2: {  	[spmem:s3] =	stream.indirect.scatter.add.f32 [tilespmem:s28], [sflag:$0x7], $0x1, s11, s25, $0xb8;
	[tilespmem:$0xA7E0] =	vst v63  }
0xc3: {  	_ =	swait.ge [sflag:s16], $0x50  }
0xc4: {  	[sflag:s16] =	ssyncset.done $0x0  }
0xc5: {  	s11 =	sadd.s32 $0x5050, s10;
	[sflag:s16] =	ssyncadd.s32 $0xFFFFFFB0  }
0xc6: {  	[spmem:s3] =	stream.indirect.scatter.add.f32 [tilespmem:s30], [sflag:$0x8], $0x1, s11, s25, $0xb8;
	[tilespmem:$0xA7E0] =	vst v63  }
0xc7: {  	_ =	swait.ge [sflag:s18], $0x50  }
0xc8: {  	[sflag:s18] =	ssyncset.done $0x0  }
.Ltmp2:
0xc9: {  	s11 =	sadd.s32 $0x50A0, s10;
	[sflag:s18] =	ssyncadd.s32 $0xFFFFFFB0;
	(pc) =	sbr.rel @p2 .LBB2_2-.Ltmp2, $4  }
0xca: {  	[spmem:s3] =	stream.indirect.scatter.add.f32 [tilespmem:s0], [sflag:$0x9], $0x1, s11, s25, $0xb8;
	[tilespmem:$0xA7E0] =	vst v63  }
0xcb: {  	_ =	swait.ge [sflag:s31], $0x50  }
0xcc: {  	[sflag:s31] =	ssyncset.done $0x0  }
0xcd: {  	s10 =	sadd.s32 $0x50F0, s10;
	[sflag:s31] =	ssyncadd.s32 $0xFFFFFFB0  }
0xce: {  	[spmem:s3] =	stream.indirect.scatter.add.f32 [tilespmem:s2], [sflag:$0xA], $0x1, s10, s25, $0xb8;
	[tilespmem:$0xA7E0] =	vst v63  }
0xcf: {  	_ =	swait.ge [sflag:s15], $0x50  }
0xd0: {  	[sflag:s15] =	ssyncset.done $0x0  }
0xd1: {  	[sflag:s15] =	ssyncadd.s32 $0xFFFFFFB0  }
0xd2: {  	_ =	swait.ge [sflag:s17], $0x50  }
0xd3: {  	[sflag:s17] =	ssyncset.done $0x0  }
0xd4: {  	[sflag:s17] =	ssyncadd.s32 $0xFFFFFFB0  }
0xd5: {  	_ =	swait.ge [sflag:s29], $0x50  }
0xd6: {  	[sflag:s29] =	ssyncset.done $0x0  }
0xd7: {  	[sflag:s29] =	ssyncadd.s32 $0xFFFFFFB0  }
0xd8: {  	_ =	swait.ge [sflag:s1], $0x50  }
0xd9: {  	[sflag:s1] =	ssyncset.done $0x0  }
0xda: {  	[sflag:s1] =	ssyncadd.s32 $0xFFFFFFB0  }
0xdb: {  	_ =	swait.ge [sflag:s6], $0x50  }
0xdc: {  	[sflag:s6] =	ssyncset.done $0x0  }
0xdd: {  	[sflag:s6] =	ssyncadd.s32 $0xFFFFFFB0  }
0xde: {  	s9 =	simm.s32 $0xA2D0;
	[bflag:$0x0] =	sbarrier.arrive $0xFFFF  }
0xdf: {  	[tilespmem:s9], [sflag:$0xB] =	stream.linear.gather [spmem:s12], $0x140, $0x38;
	[tilespmem:$0xA7E0] =	vst v63  }
0xe0: {  	_ =	swait.ge [sflag:s21], $0x140  }
0xe1: {  	s11 =	simm.s32 $0xA7D0;
	[sflag:s21] =	ssyncset.done $0x0  }
.Ltmp3:
0xe2: {  	s10 =	rddreg [dreg:$0x5];
	[sflag:s21] =	ssyncadd.s32 $0xFFFFFEC0;
	(pc) =	sbr.rel @p1 .LBB2_7-.Ltmp3, $4  }
0xe3: {  	[tilespmem:s11], [sflag:$0xB] =	stream.linear.gather [hbm4b:s10+s5], $0x10, $0x38;
	[tilespmem:$0xA7E0] =	vst v63  }
0xe4: {  	_ =	swait.ge [sflag:s21], $0x10  }
0xe5: {  	[sflag:s21] =	ssyncset.done $0x0  }
0xe6: {  	[sflag:s21] =	ssyncadd.s32 $0xFFFFFFF0  }
0xe7: {  	s9 =	simm.s32 $0x0;
	s10 =	rddreg [dreg:$0xa];
	s11 =	simm.s32 $0xA410  }
0xe8: {  	[tilespmem:s11], [sflag:$0xB] =	stream.linear.gather [hbm4b:s10+s9], $0x140, $0x38;
	[tilespmem:$0xA7E0] =	vst v63  }
0xe9: {  	_ =	swait.ge [sflag:s21], $0x140  }
0xea: {  	[sflag:s21] =	ssyncset.done $0x0  }
0xeb: {  	s11 =	simm.s32 $0xA550;
	s10 =	rddreg [dreg:$0xb];
	[sflag:s21] =	ssyncadd.s32 $0xFFFFFEC0  }
0xec: {  	[tilespmem:s11], [sflag:$0xB] =	stream.linear.gather [spmem:s10], $0x140, $0x38;
	[tilespmem:$0xA7E0] =	vst v63  }
0xed: {  	_ =	swait.ge [sflag:s21], $0x140  }
0xee: {  	[sflag:s21] =	ssyncset.done $0x0  }
0xef: {  	s9 =	simm.s32 $0x0;
	[sflag:s21] =	ssyncadd.s32 $0xFFFFFEC0  }
0xf0: {  	v0 =	vld [tilespmem:s9+$0xA2D0]  }
0xf1: {  	v1 =	vld [tilespmem:s9+$0xA550];
	_ =	sdelay $0x2  }
0xf2: {  	v2 =	vld [tilespmem:s9+$0xA410];
	_ =	sdelay $0x1  }
0xf3: {  	v3 =	vadd.f32 v1, v0;
	v1 =	vld [tilespmem:$0xA7D0];
	_ =	sdelay $0x1  }
0xf4: {  	s10 =	simm.s32 $0x10  }
0xf5: {  	s11 =	simm.s32 $0x80;
	v0 =	vld [tilespmem:s10+$0xA2D0];
	v2 =	vmul.f32 v3, v2  }
.LBB2_5:
0xf6: {  	p2 =	sne.s32 s11, $0x4C0;
	v3 =	vld [tilespmem:s10+$0xA550]  }
0xf7: {  	v1 =	vadd.f32 v2, v1  }
0xf8: {  	v2 =	vld [tilespmem:s10+$0xA410]  }
.Ltmp4:
0xf9: {  	[tilespmem:s9+$0xA690] =	vst v1;
	s9 =	smov.u32 s10;
	(pc) =	sbr.rel @p2 .LBB2_5-.Ltmp4, $4  }
0xfa: {  	v1 =	vld [tilespmem:$0xA7D0]  }
0xfb: {  	v3 =	vadd.f32 v3, v0  }
0xfc: {  	s10 =	sshra.s32 s11, $0x2  }
0xfd: {  	s11 =	sadd.s32 $0x40, s11;
	v0 =	vld [tilespmem:s10+$0xA2D0];
	v2 =	vmul.f32 v3, v2  }
0xfe: {  	v3 =	vld [tilespmem:s10+$0xA550]  }
0xff: {  	v1 =	vadd.f32 v2, v1  }
0x100: {  	v63 =	vld [tilespmem:s10+$0xA410]  }
0x101: {  	[tilespmem:s9+$0xA690] =	vst v1  }
0x102: {  	v1 =	vld [tilespmem:$0xA7D0]  }
0x103: {  	v0 =	vadd.f32 v3, v0;
	_ =	sdelay $0x1  }
0x104: {  	v0 =	vmul.f32 v0, v63;
	_ =	sdelay $0x1  }
0x105: {  	v0 =	vadd.f32 v0, v1;
	_ =	sdelay $0x1  }
.Ltmp5:
0x106: {  	s11 =	simm.s32 $0xA690;
	[tilespmem:s10+$0xA690] =	vst v0;
	s10 =	rddreg [dreg:$0xc];
	(pc) =	sbr.rel .LBB2_8-.Ltmp5, $4  }
0x107: {  	[hbm4b:s10+s5] =	stream.linear.scatter [tilespmem:s11], [sflag:$0xB], $0x140, $0x38;
	[tilespmem:$0xA7E0] =	vst v63  }
0x108: {  	_ =	swait.ge [sflag:s21], $0x140  }
0x109: {  	[sflag:s21] =	ssyncset.done $0x0  }
0x10a: {  	[sflag:s21] =	ssyncadd.s32 $0xFFFFFEC0  }
.LBB2_9:
0x10b: {  	_ =	sfence.sel $0x180000  }
0x10c: {  	[bflag:$0x0] =	sbarrier.arrive $0xFFFF  }
0x10d: {  	_ =	strace $0x9000004D  }
0x10e: {  	s0 =	stileid.u32;
	[bflag:$0x2] =	sbarrier.arrive $0xFFFF  }
0x10f: {  	p0 =	sne.s32 s0, $0x0;
	s0 =	rddreg [dreg:$0x4]  }
0x110: {  	s0 =	sadd.s32 @!p0 $0x100000, s0  }
0x111: {  	[sflag:s0] =	ssyncadd.tile.s32 @!p0 $0x1;
	_ =	shalt  }
.Lfunc_end2:
_tile_overlayer_lowered:
.L_overlay_start_2:
0x112: {  	(tag) =	ssettag $0x2  }
0x113: {  	s0 =	rddreg [dreg:$0x0];
	s2 =	stileid.u32  }
0x114: {  	s1 =	rddreg [dreg:$0x1];
	p0 =	sne.s32 s2, $0x0  }
0x115: {  	s3 =	rddreg [dreg:$0x2];
	[bflag:$0x3] =	sbarrier.arrive $0xFFFF;
	s2 =	simm.s32 @!p0 $0x1C0B  }
0x116: {  	[timem:s3], [sflag:s2] =	dma.local @!p0 [hbm:s0], s1  }
0x117: {  	s0 =	simm.s32 @!p0 $0xB  }
0x118: {  	_ =	swait.ge @!p0 [sflag:s0], s1  }
0x119: {  	s1 =	ssub.s32 @!p0 $0x0, s1;
	[sflag:s0] =	ssyncset.done @!p0 $0x0  }
0x11a: {  	[sflag:s0] =	ssyncadd.s32 @!p0 s1  }
0x11b: {  	[bflag:$0x3] =	sbarrier.arrive $0xFFFF  }
0x11c: {  	_ =	shalt  }

// kernel: kernel.8.cloned.1.call-start
scs
__scs_entry_jumppad:
0x0: {  	(pc) =	sbr.rel $0x88, $3  }
0x1: {  	(tag) =	ssettag $0x0;
	lr =	simm.s32 $0x1  }
0x2: {  	[smem:$0x3F9B] =	sst lr;
	_ =	strace $0xD0000000  }
0x3: {  	_ = 	snop  }
0x4: {  	_ = 	snop  }
0x5: {  	_ = 	snop  }
0x6: {  	_ = 	snop  }
0x7: {  	_ = 	snop  }
__scs_overlays_trampoline_lowered:
0x8: {  	[smem:$0x3FAA] =	sst s0  }
0x9: {  	[smem:$0x3FAB] =	sst s1  }
0xa: {  	[smem:$0x3FAC] =	sst s2  }
0xb: {  	[smem:$0x3FAD] =	sst s3  }
0xc: {  	[smem:$0x3FAE] =	sst s4  }
0xd: {  	[smem:$0x3FAF] =	sst s5  }
0xe: {  	[smem:$0x3FB0] =	sst s6  }
0xf: {  	[smem:$0x3FB1] =	sst s7  }
0x10: {  	[smem:$0x3FB2] =	sst s8  }
0x11: {  	[smem:$0x3FB3] =	sst s9;
	s0 =	simm.s32 @!p0 $0x0  }
0x12: {  	s1 =	sld [smem:$0x3F99];
	s0 =	simm.s32 @p0 $0x1  }
0x13: {  	[smem:$0x3FB4] =	sst s0;
	s0 =	simm.s32 @!p1 $0x0  }
0x14: {  	s2 =	sld [smem:$0x3F98];
	s0 =	simm.s32 @p1 $0x1  }
0x15: {  	[smem:$0x3FB5] =	sst s0;
	s0 =	simm.s32 @!p2 $0x0  }
0x16: {  	s3 =	sld [smem:$0x3FDB];
	s0 =	simm.s32 @p2 $0x1  }
0x17: {  	s4 =	simm.s32 $0x1BF5;
	[smem:$0x3FB7] =	sst s0  }
0x18: {  	s0 =	sld [smem:$0x3F9A];
	_ =	swait.ge [sflag:s4], $0x0  }
0x19: {  	s7 =	sld [smem:$0x3F9B]  }
0x1a: {  	s8 =	sadd.s32 $0xFFFFE003, lr  }
0x1b: {  	s9 =	sadd.s32 $0xFFFFFEF7, lr;
	s5 =	simm.s32 $0xFFFFFFFF;
	p2 =	slt.u32 s8, $0xFFFFF086  }
0x1c: {  	p1 =	slt.u32 s9, $0xF7A;
	s5 =	simm.s32 @!p2 $0x0  }
0x1d: {  	s5 =	simm.s32 @p1 $0x1;
	p0 =	seq.s32 s7, s2  }
0x1e: {  	s7 =	smul.u32 @!p0 $0xF7A, s2;
	p2 =	seq.s32 @!p0 s5, $0x0  }
0x1f: {  	s9 =	smul.u32 $0xF7A, s1;
	s8 =	simm.s32 @!p0 $0x1BF5;
	p2 =	por !p2, p0  }
0x20: {  	[sflag:s8] =	ssyncset.s32 @!p0 $0xFFFFF086;
	s6 =	sadd.s32 @!p0 s3, s7;
	s7 =	simm.s32 @!p0 $0x108  }
0x21: {  	s3 =	sadd.s32 s3, s9;
	s6 =	sadd.s32 @!p0 $0x88, s6;
	s7 =	simm.s32 @p2 $0x1082  }
0x22: {  	[simem:s7], [sflag:s8] =	dma.local @!p0 [hbm:s6], $0xF7A  }
0x23: {  	s9 =	sor.u32 $0xD0000000, s2;
	s6 =	simm.s32 $0x108;
	_ =	swait.ge @!p0 [sflag:s8], $0x0  }
0x24: {  	s3 =	sadd.s32 $0x88, s3;
	s6 =	simm.s32 @!p1 $0x1082;
	[sflag:s4] =	ssyncset.s32 $0xFFFFF086  }
0x25: {  	[simem:s6], [sflag:s4] =	dma.local [hbm:s3], $0xF7A  }
0x26: {  	[smem:$0x3F9B] =	sst s1;
	(tag) =	ssettag s2;
	_ =	strace s9  }
0x27: {  	s1 =	sld [smem:$0x3FAB]  }
0x28: {  	s2 =	sld [smem:$0x3FAC]  }
0x29: {  	s4 =	sld [smem:$0x3FAE]  }
0x2a: {  	p0 =	seq.s32 s5, $0x0;
	s5 =	sld [smem:$0x3FAF]  }
0x2b: {  	s6 =	sld [smem:$0x3FB0]  }
0x2c: {  	s7 =	sld [smem:$0x3FB1]  }
0x2d: {  	s3 =	simm.s32 $0x108;
	s8 =	sld [smem:$0x3FB2]  }
0x2e: {  	s3 =	simm.s32 @!p0 $0x1082;
	s9 =	sld [smem:$0x3FB3]  }
0x2f: {  	lr =	sadd.s32 s0, s3;
	s0 =	sld [smem:$0x3FAA]  }
0x30: {  	s3 =	sld [smem:$0x3FAD]  }
0x31: {  	[smem:$0x3FB6] =	sst s10  }
0x32: {  	s10 =	sld [smem:$0x3FB4];
	_ =	sdelay $0x3  }
0x33: {  	p0 =	seq.s32 s10, $0x1;
	s10 =	sld [smem:$0x3FB6];
	_ =	sdelay $0x3  }
0x34: {  	[smem:$0x3FB6] =	sst s10  }
0x35: {  	s10 =	sld [smem:$0x3FB5];
	_ =	sdelay $0x3  }
0x36: {  	p1 =	seq.s32 s10, $0x1;
	s10 =	sld [smem:$0x3FB6];
	_ =	sdelay $0x3  }
0x37: {  	[smem:$0x3FB6] =	sst s10  }
0x38: {  	s10 =	sld [smem:$0x3FB7]  }
0x39: {  	_ = 	snop;
	(pc) =	sbr.ind lr, $3  }
0x3a: {  	_ = 	snop  }
0x3b: {  	_ = 	snop  }
0x3c: {  	p2 =	seq.s32 s10, $0x1;
	s10 =	sld [smem:$0x3FB6]  }
0x3d: {  	_ =	shalt  }
0x3e: {  	_ =	shalt  }
0x3f: {  	_ =	shalt  }
0x40: {  	_ =	shalt  }
0x41: {  	_ =	shalt  }
0x42: {  	_ =	shalt  }
0x43: {  	_ =	shalt  }
0x44: {  	_ =	shalt  }
0x45: {  	_ =	shalt  }
0x46: {  	_ =	shalt  }
0x47: {  	_ =	shalt  }
0x48: {  	_ =	shalt  }
0x49: {  	_ =	shalt  }
0x4a: {  	_ =	shalt  }
0x4b: {  	_ =	shalt  }
0x4c: {  	_ =	shalt  }
0x4d: {  	_ =	shalt  }
0x4e: {  	_ =	shalt  }
0x4f: {  	_ =	shalt  }
0x50: {  	_ =	shalt  }
0x51: {  	_ =	shalt  }
0x52: {  	_ =	shalt  }
0x53: {  	_ =	shalt  }
0x54: {  	_ =	shalt  }
0x55: {  	_ =	shalt  }
0x56: {  	_ =	shalt  }
0x57: {  	_ =	shalt  }
0x58: {  	_ =	shalt  }
0x59: {  	_ =	shalt  }
0x5a: {  	_ =	shalt  }
0x5b: {  	_ =	shalt  }
0x5c: {  	_ =	shalt  }
0x5d: {  	_ =	shalt  }
0x5e: {  	_ =	shalt  }
0x5f: {  	_ =	shalt  }
0x60: {  	_ =	shalt  }
0x61: {  	_ =	shalt  }
0x62: {  	_ =	shalt  }
0x63: {  	_ =	shalt  }
0x64: {  	_ =	shalt  }
0x65: {  	_ =	shalt  }
0x66: {  	_ =	shalt  }
0x67: {  	_ =	shalt  }
0x68: {  	_ =	shalt  }
0x69: {  	_ =	shalt  }
0x6a: {  	_ =	shalt  }
0x6b: {  	_ =	shalt  }
0x6c: {  	_ =	shalt  }
0x6d: {  	_ =	shalt  }
0x6e: {  	_ =	shalt  }
0x6f: {  	_ =	shalt  }
0x70: {  	_ =	shalt  }
0x71: {  	_ =	shalt  }
0x72: {  	_ =	shalt  }
0x73: {  	_ =	shalt  }
0x74: {  	_ =	shalt  }
0x75: {  	_ =	shalt  }
0x76: {  	_ =	shalt  }
0x77: {  	_ =	shalt  }
0x78: {  	_ =	shalt  }
0x79: {  	_ =	shalt  }
0x7a: {  	_ =	shalt  }
0x7b: {  	_ =	shalt  }
0x7c: {  	_ =	shalt  }
0x7d: {  	_ =	shalt  }
0x7e: {  	_ =	shalt  }
0x7f: {  	_ =	shalt  }
0x80: {  	_ =	shalt  }
0x81: {  	_ =	shalt  }
0x82: {  	_ =	shalt  }
0x83: {  	_ =	shalt  }
0x84: {  	_ =	shalt  }
0x85: {  	_ =	shalt  }
0x86: {  	_ =	shalt  }
0x87: {  	_ =	shalt  }
.Lfunc_end0:
.L_simem_size_0:
called_computation_lowered:
.L_overlay_start_0:
0x88: {  	s2 =	sld [smem:$0x3FD9]  }
0x89: {  	s3 =	sld [smem:$0x3FFE];
	_ =	sdelay $0x1  }
0x8a: {  	s1 =	srdreg.scid  }
0x8b: {  	s0 =	sand.u32 $0x1, s1  }
0x8c: {  	s17 =	sshll.u32 s0, $0xA;
	s2 =	sadd.s32 s3, s2  }
0x8d: {  	s2 =	sadd.s32 s2, s17  }
0x8e: {  	[smem:$0x3FC2] =	sst s2  }
0x8f: {  	_ = 	snop  }
0x90: {  	s2 =	sld [smem:$0x3FD0];
	(tm) =	ssettm $0x1  }
0x91: {  	s18 =	sld [smem:$0x3FFB];
	_ =	sdelay $0x3  }
0x92: {  	_ =	strace s18  }
0x93: {  	s3 =	sld [smem:$0x3FFC];
	_ =	sdelay $0x3  }
0x94: {  	_ =	strace s3  }
0x95: {  	s3 =	sld [smem:$0x3FFD];
	_ =	sdelay $0x3  }
0x96: {  	_ =	strace s3  }
0x97: {  	_ =	strace $0x8FFFFFFF  }
0x98: {  	s19 =	sld [smem:$0x3FDB];
	_ =	sdelay $0x1  }
0x99: {  	s4 =	simm.s32 $_scs_section_size  }
0x9a: {  	s5 =	simm.s32 $_size__tile_overlayer_lowered;
	s6 =	simm.s32 $_tile_overlayer_lowered  }
0x9b: {  	s22 =	simm.s32 $0x1BFF;
	s21 =	sshll.u32 s6, $0x1;
	s3 =	sadd.s32 s4, s19  }
0x9c: {  	s7 =	simm.s32 $0x0;
	s20 =	sshll.u32 s5, $0x1;
	s5 =	sadd.s32 s21, s3  }
0x9d: {  	[timem:s7], [sflag:s22] =	dma.local [hbm:s5], s20  }
0x9e: {  	_ =	swait.ge [sflag:s22], s20  }
0x9f: {  	s4 =	ssub.s32 $0x0, s20;
	[sflag:s22] =	ssyncset.done $0x0  }
0xa0: {  	[sflag:s22] =	ssyncadd.s32 s4;
	_ =	sdelay $0x1  }
0xa1: {  	s23 =	simm.s32 $0x1B8B  }
0xa2: {  	_ =	swait.ge [sflag:s23], $0x1  }
0xa3: {  	[sflag:s23] =	ssyncset.done $0x0  }
0xa4: {  	s25 =	simm.s32 $0x1B8E;
	s24 =	sld [smem:$0x3FFE];
	[sflag:s23] =	ssyncadd.s32 $0xFFFFFFFF  }
0xa5: {  	s26 =	simm.s32 $execute0_lowered;
	[smem:$0x3FD2] =	sst s25  }
0xa6: {  	s5 =	sshll.u32 s26, $0x1;
	_ =	strace $0x80000046;
	[dreg:$0x1] =	wrdreg $0xFFFFFFFF  }
0xa7: {  	s28 =	simm.s32 $_size_execute0_lowered;
	s3 =	sadd.s32 s3, s5;
	[dreg:$0x0] =	wrdreg $0x0  }
0xa8: {  	s5 =	sshll.u32 s28, $0x1;
	[dreg:$0x2] =	wrdreg s3  }
0xa9: {  	[dreg:$0x3] =	wrdreg s5  }
0xaa: {  	[dreg:$0x4] =	wrdreg $0xC0  }
0xab: {  	_ =	task [dreg:s7], $0x5FFFF  }
0xac: {  	[dreg:$0x1] =	wrdreg $0xFFFFFFFF  }
0xad: {  	[dreg:$0x0] =	wrdreg $0x60  }
0xae: {  	[dreg:$0x2] =	wrdreg s24  }
0xaf: {  	[dreg:$0x3] =	wrdreg s2  }
0xb0: {  	[dreg:$0x4] =	wrdreg $0x4E700  }
0xb1: {  	[dreg:$0x5] =	wrdreg $0x9  }
0xb2: {  	_ =	task.clear_ibuf [dreg:s7], $0x6FFFF;
	_ =	strace $0x90000046  }
0xb3: {  	s29 =	simm.s32 $0x9;
	_ =	strace $0x80000048  }
0xb4: {  	_ =	swait.ge [sflag:s29], $0x1  }
0xb5: {  	[sflag:s29] =	ssyncadd.s32 $0xFFFFFFFF  }
0xb6: {  	_ =	strace $0x90000048  }
0xb7: {  	_ =	sfence  }
0xb8: {  	s30 =	sld [smem:$0x0];
	_ =	sdelay $0x2  }
0xb9: {  	s31 =	sshll.u32 s1, $0xD;
	s1 =	sshrl.u32 s1, $0x2  }
0xba: {  	s3 =	sand.u32 $0x4000, s31;
	s1 =	sadd.s32 s1, s30  }
0xbb: {  	s0 =	sor.u32 s3, s0;
	s1 =	sshll.u32 s1, $0x11  }
0xbc: {  	s0 =	sor.u32 s1, s0  }
0xbd: {  	s0 =	sadd.s32 $0x8F2B, s0  }
0xbe: {  	[sflag:s0] =	ssyncadd.remote.s32 $0x1  }
0xbf: {  	_ =	sfence.sel $0xFFFF  }
0xc0: {  	[dreg:$0x0] =	wrdreg $0xFFFFFFFF;
	(pc) =	sbr.abs _section_cstart, $3  }
0xc1: {  	[dreg:$0x1] =	wrdreg $0xFFFFFFFF  }
0xc2: {  	_ =	task.clear_ibuf [dreg:s7], $0x2FFFF;
	_ =	strace $0x9FFFFFFF  }
0xc3: {  	(tm) =	ssettm $0x7FFFFFFF  }
tec
execute0_lowered:
.L_overlay_start_1:
0x0: {  	(tag) =	ssettag $0x1  }
0x1: {  	s6 =	rddreg [dreg:$0x0]  }
0x2: {  	s2 =	rddreg [dreg:$0x1];
	s1 =	srdreg.scid  }
0x3: {  	s0 =	stileid.u32;
	s3 =	rddreg [dreg:$0x2]  }
0x4: {  	s4 =	simm.s32 $0x0;
	s13 =	simm.s32 $0x50;
	s14 =	simm.s32 $0x1  }
0x5: {  	s16 =	simm.s32 $0x0;
	s5 =	sand.u32 $0x1, s1;
	s1 =	rddreg [dreg:$0x3]  }
0x6: {  	s7 =	sshll.u32 s0, $0x1;
	[smem:$0x7FF] =	sst s4;
	s29 =	smul.u32 $0xA00, s0  }
0x7: {  	s11 =	smul.u32 $0x4E20, s0;
	s31 =	sshll.u32 s0, $0x6;
	s7 =	sor.u32 s5, s7  }
0x8: {  	_ =	strace $0x80000047;
	s10 =	ssub.s32 $0x2, s5;
	s5 =	sadd.s32 $0x14C00, s6  }
0x9: {  	s9 =	smul.u32 $0x140, s7;
	s12 =	sshrl.u32 s10, $0x1;
	s7 =	sshrl.u32 s29, $0x2  }
0xa: {  	s11 =	sshrl.u32 s11, $0x3;
	s10 =	ssub.s32 s10, s12;
	s30 =	sadd.s32 s7, s3  }
0xb: {  	s11 =	sadd.s32 s6, s11;
	s12 =	simm.s32 $0x4E20;
	s8 =	sshrl.u32 s9, $0x3  }
0xc: {  	s7 =	sadd.s32 $0xAE40, s11;
	s15 =	sadd.s32 s9, s3;
	s9 =	smax.u32 s10, $0x1  }
0xd: {  	s10 =	sshrl.u32 s30, $0x3;
	s11 =	simm.s32 $0x2;
	s8 =	sadd.s32 s8, s6  }
0xe: {  	s6 =	sor.u32 $0x1C02, s31;
	s15 =	sshrl.u32 s15, $0x3;
	s8 =	sadd.s32 $0x14E00, s8  }
.LBB2_1:
0xf: {  	[spmem:s10], [sflag:s6] =	dma.local [hbm:s2], $0x50  }
0x10: {  	_ =	swait.ge [sflag:s11], $0x50  }
0x11: {  	[sflag:s11] =	ssyncset.done $0x0  }
0x12: {  	[sflag:s11] =	ssyncadd.s32 $0xFFFFFFB0  }
0x13: {  	[tilespmem:s12], [sflag:$0x2] =	stream.linear.gather [hbm4b:s5+s4], $0x50, $0x38;
	[tilespmem:$0x50F0] =	vst v63  }
0x14: {  	_ =	swait.ge [sflag:s11], $0x50  }
0x15: {  	[sflag:s11] =	ssyncset.done $0x0  }
0x16: {  	[sflag:s11] =	ssyncadd.s32 $0xFFFFFFB0  }
0x17: {  	[tilespmem:s4], [sflag:$0x2] =	stream.linear.gather [hbm4b:s7+s4], $0x4E20, $0x38;
	[tilespmem:$0x50F0] =	vst v63  }
0x18: {  	_ =	swait.ge [sflag:s11], $0x4E20  }
0x19: {  	[sflag:s11] =	ssyncset.done $0x0  }
0x1a: {  	[sflag:s11] =	ssyncadd.s32 $0xFFFFB1E0  }
0x1b: {  	s17 =	simm.s32 $0x0;
	[bflag:$0x0] =	sbarrier.arrive $0xFFFF  }
.LBB2_2:
0x1c: {  	p0 =	sne.s32 s17, $0x13740  }
.Ltmp0:
0x1d: {  	_ = 	snop;
	(pc) =	sbr.rel @p0 .LBB2_2-.Ltmp0, $3  }
0x1e: {  	_ =	sdelay $0x1  }
0x1f: {  	s18 =	sshra.s32 s17, $0x2;
	s17 =	sadd.s32 $0x140, s17  }
0x20: {  	[spmem:s3] =	stream.indirect.scatter.add.f32 [tilespmem:s12], [sflag:$0x1], $0x1, s18, s13, $0xb8;
	[tilespmem:$0x50F0] =	vst v63  }
0x21: {  	_ =	swait.ge [sflag:s14], $0x50  }
0x22: {  	s17 =	simm.s32 $0xF9;
	[sflag:s14] =	ssyncset.done $0x0  }
.LBB2_4:
0x23: {  	p0 =	sne.s32 s17, $0x1;
	s17 =	sadd.s32 $0xFFFFFFFF, s17;
	[sflag:s14] =	ssyncadd.s32 $0xFFFFFFB0  }
.Ltmp1:
0x24: {  	(pc) =	sbr.rel @p0 .LBB2_4-.Ltmp1, $3  }
0x25: {  	_ =	sdelay $0x1  }
0x26: {  	_ =	swait.ge [sflag:s14], $0x50  }
0x27: {  	[sflag:s14] =	ssyncset.done $0x0  }
0x28: {  	s16 =	sadd.s32 $0x1, s16  }
0x29: {  	[sflag:s14] =	ssyncadd.s32 $0xFFFFFFB0;
	p0 =	sne.s32 s16, s9  }
.Ltmp2:
0x2a: {  	[bflag:$0x0] =	sbarrier.arrive $0xFFFF;
	(pc) =	sbr.rel @p0 .LBB2_1-.Ltmp2, $4  }
0x2b: {  	[hbm:s8], [sflag:s6] =	dma.local [spmem:s15], $0x28  }
0x2c: {  	_ =	swait.ge [sflag:s11], $0x28  }
0x2d: {  	[sflag:s11] =	ssyncset.done $0x0  }
0x2e: {  	[sflag:s11] =	ssyncadd.s32 $0xFFFFFFD8  }
0x2f: {  	_ =	sfence.sel $0x180000  }
0x30: {  	[bflag:$0x0] =	sbarrier.arrive $0xFFFF  }
0x31: {  	p0 =	sne.s32 s0, $0x0;
	_ =	strace $0x90000047  }
0x32: {  	s0 =	sadd.s32 @!p0 $0x100000, s1;
	[bflag:$0x2] =	sbarrier.arrive $0xFFFF  }
0x33: {  	[sflag:s0] =	ssyncadd.tile.s32 @!p0 $0x1;
	_ =	shalt  }
.Lfunc_end2:
_tile_overlayer_lowered:
.L_overlay_start_2:
0x34: {  	(tag) =	ssettag $0x2  }
0x35: {  	s0 =	rddreg [dreg:$0x0];
	s2 =	stileid.u32  }
0x36: {  	s1 =	rddreg [dreg:$0x1];
	p0 =	sne.s32 s2, $0x0  }
0x37: {  	s3 =	rddreg [dreg:$0x2];
	[bflag:$0x3] =	sbarrier.arrive $0xFFFF;
	s2 =	simm.s32 @!p0 $0x1C02  }
0x38: {  	[timem:s3], [sflag:s2] =	dma.local @!p0 [hbm:s0], s1  }
0x39: {  	s0 =	simm.s32 @!p0 $0x2  }
0x3a: {  	_ =	swait.ge @!p0 [sflag:s0], s1  }
0x3b: {  	s1 =	ssub.s32 @!p0 $0x0, s1;
	[sflag:s0] =	ssyncset.done @!p0 $0x0  }
0x3c: {  	[sflag:s0] =	ssyncadd.s32 @!p0 s1  }
0x3d: {  	[bflag:$0x3] =	sbarrier.arrive $0xFFFF  }
0x3e: {  	_ =	shalt  }

</sc_bundles>
